<compile_context>
chip_gen: v7x
topology: tpu7x:2x2x1
jax: 0.10.2.dev20260603
libtpu: 0.0.44.dev20260713+nightly
codegen_flags: <defaults>
</compile_context>

<pallas_src>
import functools

import jax
import numpy as np
import jax.numpy as jnp
from jax import lax
from jax.experimental import pallas as pl
from jax.experimental.pallas import tpu as pltpu
from jax.experimental.pallas import tpu_sc as plsc

N = 10000
E = 320000
D = 128

NC = 2
NS = 16
NW = NC * NS

PB = 128
STEPS = 80
E_PAD = NW * STEPS * PB
SCHUNK = 40
N_ACC = 10240
ZROWS = N_ACC // NS
DROWS = 624
DTAIL = N - NS * DROWS

_mesh = plsc.VectorSubcoreMesh(core_axis_name="c", subcore_axis_name="s")


@functools.partial(
    pl.kernel,
    mesh=_mesh,
    out_type=jax.ShapeDtypeStruct((NC, N, 128), jnp.float32),
    scratch_types=[
        pltpu.VMEM((STEPS, PB), jnp.int32),
        pltpu.VMEM((PB, 128), jnp.float32),
        pltpu.VMEM((PB, 128), jnp.float32),
        pltpu.VMEM_SHARED((N_ACC, 128), jnp.float32),
        pltpu.SemaphoreType.DMA,
    ],
)
def _sc_degree(dst_hbm, out_hbm, dst_v, ones_v, zero_v, acc, sem):
    cid = lax.axis_index("c")
    sid = lax.axis_index("s")
    wid = sid * NC + cid

    pltpu.async_copy(dst_hbm.at[wid], dst_v, sem)

    one = jnp.full((16,), 1.0, jnp.float32)
    zero = jnp.zeros((16,), jnp.float32)

    @pl.loop(0, PB)
    def _(i):
        @pl.loop(0, 128, step=16)
        def _(j):
            ones_v[i, pl.ds(j, 16)] = one
            zero_v[i, pl.ds(j, 16)] = zero

    zbase = sid * ZROWS

    @pl.loop(0, ZROWS, step=PB)
    def _(r):
        pltpu.sync_copy(zero_v, acc.at[pl.ds(zbase + r, PB)])

    pltpu.make_async_copy(dst_hbm.at[wid], dst_v, sem).wait()
    plsc.subcore_barrier()

    @pl.loop(0, STEPS)
    def _(s):
        pltpu.sync_copy(ones_v, acc.at[dst_v.at[s]], add=True)

    plsc.subcore_barrier()
    dbase = sid * DROWS
    pltpu.sync_copy(acc.at[pl.ds(dbase, DROWS)],
                    out_hbm.at[cid].at[pl.ds(dbase, DROWS)])

    @pl.when(sid == 0)
    def _():
        pltpu.sync_copy(acc.at[pl.ds(NS * DROWS, DTAIL)],
                        out_hbm.at[cid].at[pl.ds(NS * DROWS, DTAIL)])


@functools.partial(
    pl.kernel,
    mesh=_mesh,
    out_type=jax.ShapeDtypeStruct((NC, N, D), jnp.float32),
    scratch_types=[
        pltpu.VMEM((SCHUNK, PB), jnp.int32),
        pltpu.VMEM((SCHUNK, PB), jnp.int32),
        pltpu.VMEM((PB, D), jnp.float32),
        pltpu.VMEM((PB, D), jnp.float32),
        pltpu.VMEM_SHARED((N_ACC, D), jnp.float32),
        pltpu.SemaphoreType.DMA,
        pltpu.SemaphoreType.DMA,
        pltpu.SemaphoreType.DMA,
    ],
)
def _sc_segsum(g_hbm, src_hbm, dst_hbm, out_hbm,
               src_v, dst_v, buf0, buf1, acc, sem0, sem1, semi):
    cid = lax.axis_index("c")
    sid = lax.axis_index("s")
    wid = sid * NC + cid

    zero = jnp.zeros((16,), jnp.float32)

    @pl.loop(0, PB)
    def _(i):
        @pl.loop(0, D, step=16)
        def _(j):
            buf0[i, pl.ds(j, 16)] = zero

    zbase = sid * ZROWS

    @pl.loop(0, ZROWS, step=PB)
    def _(r):
        pltpu.sync_copy(buf0, acc.at[pl.ds(zbase + r, PB)])

    plsc.subcore_barrier()

    def process_chunk(src_chunk_hbm, dst_chunk_hbm):
        pltpu.async_copy(src_chunk_hbm, src_v, semi)
        pltpu.async_copy(dst_chunk_hbm, dst_v, semi)
        pltpu.make_async_copy(src_chunk_hbm, src_v, semi).wait()
        pltpu.make_async_copy(dst_chunk_hbm, dst_v, semi).wait()

        pltpu.async_copy(g_hbm.at[src_v.at[0]], buf0, sem0)

        @pl.loop(0, SCHUNK - 2, step=2)
        def _(s):
            pltpu.async_copy(g_hbm.at[src_v.at[s + 1]], buf1, sem1)
            pltpu.make_async_copy(g_hbm.at[src_v.at[s]], buf0, sem0).wait()
            pltpu.sync_copy(buf0, acc.at[dst_v.at[s]], add=True)
            pltpu.async_copy(g_hbm.at[src_v.at[s + 2]], buf0, sem0)
            pltpu.make_async_copy(g_hbm.at[src_v.at[s + 1]], buf1, sem1).wait()
            pltpu.sync_copy(buf1, acc.at[dst_v.at[s + 1]], add=True)

        pltpu.async_copy(g_hbm.at[src_v.at[SCHUNK - 1]], buf1, sem1)
        pltpu.make_async_copy(g_hbm.at[src_v.at[SCHUNK - 2]], buf0, sem0).wait()
        pltpu.sync_copy(buf0, acc.at[dst_v.at[SCHUNK - 2]], add=True)
        pltpu.make_async_copy(g_hbm.at[src_v.at[SCHUNK - 1]], buf1, sem1).wait()
        pltpu.sync_copy(buf1, acc.at[dst_v.at[SCHUNK - 1]], add=True)

    for h in range(STEPS // SCHUNK):
        process_chunk(src_hbm.at[wid].at[pl.ds(h * SCHUNK, SCHUNK)],
                      dst_hbm.at[wid].at[pl.ds(h * SCHUNK, SCHUNK)])

    plsc.subcore_barrier()
    dbase = sid * DROWS
    pltpu.sync_copy(acc.at[pl.ds(dbase, DROWS)],
                    out_hbm.at[cid].at[pl.ds(dbase, DROWS)])

    @pl.when(sid == 0)
    def _():
        pltpu.sync_copy(acc.at[pl.ds(NS * DROWS, DTAIL)],
                        out_hbm.at[cid].at[pl.ds(NS * DROWS, DTAIL)])


def _tc_first(x, W0, b0):
    def body(x_ref, w_ref, b_ref, o_ref):
        o_ref[...] = jnp.maximum(
            jnp.dot(x_ref[...], w_ref[...], preferred_element_type=jnp.float32)
            + b_ref[...], 0.0)

    return pl.pallas_call(
        body, out_shape=jax.ShapeDtypeStruct((N, D), jnp.float32))(x, W0, b0)


def _tc_scale(h, W, degp):
    def body(h_ref, w_ref, p_ref, o_ref, d_ref):
        deg = 1.0 + p_ref[0][:, 0:1] + p_ref[1][:, 0:1]
        dinv = 1.0 / jnp.sqrt(deg)
        d_ref[...] = jnp.broadcast_to(dinv, (N, 8))
        o_ref[...] = jnp.dot(
            h_ref[...], w_ref[...], preferred_element_type=jnp.float32) * dinv

    return pl.pallas_call(
        body, out_shape=(jax.ShapeDtypeStruct((N, D), jnp.float32),
                         jax.ShapeDtypeStruct((N, 8), jnp.float32)))(h, W, degp)


def _tc_mid(s, g, b, W, dinv8):
    def body(s_ref, g_ref, b_ref, w_ref, d_ref, o_ref):
        dinv = d_ref[:, 0:1]
        h = jnp.maximum(dinv * (s_ref[0] + s_ref[1] + g_ref[...]) + b_ref[...],
                        0.0)
        o_ref[...] = jnp.dot(
            h, w_ref[...], preferred_element_type=jnp.float32) * dinv

    return pl.pallas_call(
        body, out_shape=jax.ShapeDtypeStruct((N, D), jnp.float32))(
            s, g, b, W, dinv8)


def _tc_last(s, g, b, dinv8):
    def body(s_ref, g_ref, b_ref, d_ref, o_ref):
        dinv = d_ref[:, 0:1]
        o_ref[...] = dinv * (s_ref[0] + s_ref[1] + g_ref[...]) + b_ref[...]

    return pl.pallas_call(
        body, out_shape=jax.ShapeDtypeStruct((N, D), jnp.float32))(s, g, b, dinv8)


def kernel(x, edge_index, W0, b0, W1, b1, W2, b2):
    src = edge_index[0]
    dst = edge_index[1]
    pad = E_PAD - E
    pad_iota = jnp.asarray(np.arange(pad, dtype=np.int32) % 128)
    pad_dst = jnp.asarray(N + (np.arange(pad, dtype=np.int32) % 128))
    src_p = jnp.concatenate([src, pad_iota]).reshape(NW, STEPS, PB)
    dst_p = jnp.concatenate([dst, pad_dst]).reshape(NW, STEPS, PB)

    degp = _sc_degree(dst_p)
    h0 = _tc_first(x, W0, b0.reshape(1, D))
    g1, dinv8 = _tc_scale(h0, W1, degp)
    s1 = _sc_segsum(g1, src_p, dst_p)
    g2 = _tc_mid(s1, g1, b1.reshape(1, D), W2, dinv8)
    s2 = _sc_segsum(g2, src_p, dst_p)
    return _tc_last(s2, g2, b2.reshape(1, D), dinv8)

# --- scband reference (transcript-rebuilt; emitter-appended) ---
"""Pipeline reference for scband-embedding-alignment-gnn-1752346657596 (READ-ONLY COPY).

The authoritative reference and input builder live on the scoring server;
editing this copy changes nothing except your own understanding.
"""

import jax, jax.numpy as jnp
import numpy as np


def gcn_conv(x, edge_index, W, b):
    # PyG-style GCNConv: add self-loops, symmetric normalization, linear, scatter-add
    N = x.shape[0]
    loop = jnp.arange(N, dtype=edge_index.dtype)
    src = jnp.concatenate([edge_index[0], loop])
    dst = jnp.concatenate([edge_index[1], loop])
    deg = jnp.zeros((N,), x.dtype).at[dst].add(1.0)
    dinv = jnp.where(deg > 0, 1.0 / jnp.sqrt(deg), 0.0)
    norm = dinv[src] * dinv[dst]
    h = x @ W
    msg = h[src] * norm[:, None]
    out = jnp.zeros((N, W.shape[1]), x.dtype).at[dst].add(msg)
    return out + b


def setup_inputs(seed: int = 0):
    key = jax.random.key(seed)
    ks = jax.random.split(key, 8)
    N, E, D = 10000, 320000, 128
    x = jax.random.normal(ks[0], (N, D), dtype=jnp.float32)
    edge_index = jax.random.randint(ks[1], (2, E), 0, N, dtype=jnp.int32)
    s = 1.0 / np.sqrt(D)
    W0 = jax.random.uniform(ks[2], (D, D), jnp.float32, -s, s)
    b0 = jax.random.uniform(ks[3], (D,), jnp.float32, -s, s)
    W1 = jax.random.uniform(ks[4], (D, D), jnp.float32, -s, s)
    b1 = jax.random.uniform(ks[5], (D,), jnp.float32, -s, s)
    W2 = jax.random.uniform(ks[6], (D, D), jnp.float32, -s, s)
    b2 = jax.random.uniform(ks[7], (D,), jnp.float32, -s, s)
    return {"x": x, "edge_index": edge_index, "W0": W0, "b0": b0, "W1": W1, "b1": b1, "W2": W2, "b2": b2}


def reference(x, edge_index, W0, b0, W1, b1, W2, b2):
    h = jax.nn.relu(x @ W0 + b0)          # Linear + ReLU
    h = gcn_conv(h, edge_index, W1, b1)    # conv1
    h = jax.nn.relu(h)
    h = gcn_conv(h, edge_index, W2, b2)    # conv2
    return h

if __name__ == "__main__":
    import jax
    _d = setup_inputs()
    print(jax.jit(kernel)(*tuple(_d.values())))

</pallas_src>

<mosaic_0001>
#map = affine_map<(d0, d1) -> (0, 0)>
#map1 = affine_map<(d0, d1) -> (0, 0, 0)>
module attributes {stable_mosaic.version = 14 : i64} {
  func.func @_sc_segsum(%arg0: i32, %arg1: i32, %arg2: memref<10000x128xf32, #tpu.memory_space<hbm>>, %arg3: memref<32x80x128xi32, #tpu.memory_space<hbm>>, %arg4: memref<32x80x128xi32, #tpu.memory_space<hbm>>, %arg5: memref<2x10000x128xf32, #tpu.memory_space<hbm>>, %arg6: memref<40x128xi32, #tpu.memory_space<vmem>>, %arg7: memref<40x128xi32, #tpu.memory_space<vmem>>, %arg8: memref<128x128xf32, #tpu.memory_space<vmem>>, %arg9: memref<128x128xf32, #tpu.memory_space<vmem>>, %arg10: memref<10240x128xf32, #tpu.memory_space<vmem_shared>>, %arg11: memref<!tpu.dma_semaphore, #tpu.memory_space<semaphore_mem>>, %arg12: memref<!tpu.dma_semaphore, #tpu.memory_space<semaphore_mem>>, %arg13: memref<!tpu.dma_semaphore, #tpu.memory_space<semaphore_mem>>) attributes {dimension_semantics = [#tpu.dimension_semantics<core_parallel>, #tpu.dimension_semantics<subcore_parallel>], iteration_bounds = array<i64: 2, 16>, scalar_prefetch = 0 : i64, scratch_operands = 8 : i64, tpu.core_type = #tpu.core_type<sc_vector_subcore>, window_params = [{transform_indices = #map}, {transform_indices = #map1}, {transform_indices = #map1}, {transform_indices = #map1}]} {
    %mul3A = arith.constant 2 : i32
    %mul3A_0 = arith.muli %arg1, %mul3A : i32
    %add3A = arith.addi %mul3A_0, %arg0 : i32
    %broadcast_in_dim3A = arith.constant 0.000000e+00 : f32
    %broadcast_in_dim3A_1 = vector.broadcast %broadcast_in_dim3A : f32 to vector<16xf32>
    %scan3A = arith.constant 0 : i32
    %scan3A_2 = arith.constant 128 : i32
    %scan3A_3 = arith.addi %scan3A, %scan3A_2 : i32
    %scan3A_4 = arith.constant 1 : i32
    scf.for %scan3A_197 = %scan3A to %scan3A_3 step %scan3A_4  : i32 {
      %mul3A_198 = arith.constant 1 : i32
      %mul3A_199 = arith.muli %scan3A_197, %mul3A_198 : i32
      %add3A_200 = arith.constant 0 : i32
      %add3A_201 = arith.addi %add3A_200, %mul3A_199 : i32
      %scan3A_202 = arith.constant 0 : i32
      %scan3A_203 = arith.constant 8 : i32
      %scan3A_204 = arith.addi %scan3A_202, %scan3A_203 : i32
      %scan3A_205 = arith.constant 1 : i32
      scf.for %scan3A_207 = %scan3A_202 to %scan3A_204 step %scan3A_205  : i32 {
        %mul3A_208 = arith.constant 16 : i32
        %mul3A_209 = arith.muli %scan3A_207, %mul3A_208 : i32
        %add3A_210 = arith.constant 0 : i32
        %add3A_211 = arith.addi %add3A_210, %mul3A_209 : i32
        %swap3A = arith.index_cast %add3A_201 : i32 to index
        %swap3A_212 = arith.index_cast %add3A_211 : i32 to index
        %swap3A_213 = tpu.vector_load %arg8[%swap3A, %swap3A_212] {strides = array<i32>} : memref<128x128xf32, #tpu.memory_space<vmem>>, vector<1x16xf32>,
        %swap3A_214 = vector.shape_cast %swap3A_213 : vector<1x16xf32> to vector<16xf32>
        %swap3A_215 = vector.shape_cast %broadcast_in_dim3A_1 : vector<16xf32> to vector<1x16xf32>
        tpu.vector_store %arg8[%swap3A, %swap3A_212], %swap3A_215 {strides = array<i32>} : memref<128x128xf32, #tpu.memory_space<vmem>>, vector<1x16xf32>,
      }
      %scan3A_206 = arith.constant 8 : i32
    }
    %scan3A_5 = arith.constant 128 : i32
    %mul3A_6 = arith.constant 640 : i32
    %mul3A_7 = arith.muli %arg1, %mul3A_6 : i32
    %scan3A_8 = arith.constant 0 : i32
    %scan3A_9 = arith.constant 5 : i32
    %scan3A_10 = arith.addi %scan3A_8, %scan3A_9 : i32
    %scan3A_11 = arith.constant 1 : i32
    scf.for %scan3A_197 = %scan3A_8 to %scan3A_10 step %scan3A_11  : i32 {
      %mul3A_198 = arith.constant 128 : i32
      %mul3A_199 = arith.muli %scan3A_197, %mul3A_198 : i32
      %add3A_200 = arith.constant 0 : i32
      %add3A_201 = arith.addi %add3A_200, %mul3A_199 : i32
      %add3A_202 = arith.addi %mul3A_7, %add3A_201 : i32
      "tpu.region"() ({
        %run_scoped3A_203 = tpu.sem_alloc : memref<!tpu.dma_semaphore, #tpu.memory_space<semaphore_mem>>
        %dma_start3A_204 = arith.constant 0 : i32
        %dma_start3A_205 = tpu.memref_slice %arg10[%add3A_202, %dma_start3A_204] : memref<10240x128xf32, #tpu.memory_space<vmem_shared>> -> memref<128x128xf32, #tpu.memory_space<vmem_shared>>
        %dma_start3A_206 = arith.constant 0 : i32
        %dma_start3A_207 = tpu.memref_slice %arg10[%add3A_202, %dma_start3A_206] : memref<10240x128xf32, #tpu.memory_space<vmem_shared>> -> memref<128x128xf32, #tpu.memory_space<vmem_shared>>
        tpu.enqueue_dma source(%arg8 : memref<128x128xf32, #tpu.memory_space<vmem>>) target(%dma_start3A_207 : memref<128x128xf32, #tpu.memory_space<vmem_shared>>) target_semaphore(%run_scoped3A_203 : memref<!tpu.dma_semaphore, #tpu.memory_space<semaphore_mem>>)
        %dma_wait3A_208 = arith.constant 0 : i32
        %dma_wait3A_209 = tpu.memref_slice %arg10[%add3A_202, %dma_wait3A_208] : memref<10240x128xf32, #tpu.memory_space<vmem_shared>> -> memref<128x128xf32, #tpu.memory_space<vmem_shared>>
        %dma_wait3A_210 = arith.constant 0 : i32
        %dma_wait3A_211 = tpu.memref_slice %arg10[%add3A_202, %dma_wait3A_210] : memref<10240x128xf32, #tpu.memory_space<vmem_shared>> -> memref<128x128xf32, #tpu.memory_space<vmem_shared>>
        tpu.wait_dma2 semaphore(%run_scoped3A_203 : memref<!tpu.dma_semaphore, #tpu.memory_space<semaphore_mem>>) src(%arg8 : memref<128x128xf32, #tpu.memory_space<vmem>>) dst(%dma_wait3A_211 : memref<128x128xf32, #tpu.memory_space<vmem_shared>>)
        tpu.yield
      }) : () -> ()
    }
    %scan3A_12 = arith.constant 5 : i32
    %barrier3A = arith.constant 0 : index
    tpu.barrier barrier_id(%barrier3A)
    %dma_start3A = arith.constant 0 : i32
    %dma_start3A_13 = arith.constant 0 : i32
    %dma_start3A_14 = tpu.memref_slice %arg3[%add3A, %dma_start3A, %dma_start3A_13] : memref<32x80x128xi32, #tpu.memory_space<hbm>> -> memref<1x80x128xi32, #tpu.memory_space<hbm>>
    %dma_start3A_15 = tpu.memref_squeeze %dma_start3A_14 : memref<1x80x128xi32, #tpu.memory_space<hbm>> -> memref<80x128xi32, #tpu.memory_space<hbm>>
    %dma_start3A_16 = arith.constant 0 : i32
    %dma_start3A_17 = arith.constant 0 : i32
    %dma_start3A_18 = tpu.memref_slice %dma_start3A_15[%dma_start3A_16, %dma_start3A_17] : memref<80x128xi32, #tpu.memory_space<hbm>> -> memref<40x128xi32, #tpu.memory_space<hbm>>
    %dma_start3A_19 = arith.constant 0 : i32
    %dma_start3A_20 = arith.constant 0 : i32
    %dma_start3A_21 = tpu.memref_slice %arg3[%add3A, %dma_start3A_19, %dma_start3A_20] : memref<32x80x128xi32, #tpu.memory_space<hbm>> -> memref<1x80x128xi32, #tpu.memory_space<hbm>>
    %dma_start3A_22 = tpu.memref_squeeze %dma_start3A_21 : memref<1x80x128xi32, #tpu.memory_space<hbm>> -> memref<80x128xi32, #tpu.memory_space<hbm>>
    %dma_start3A_23 = arith.constant 0 : i32
    %dma_start3A_24 = arith.constant 0 : i32
    %dma_start3A_25 = tpu.memref_slice %dma_start3A_22[%dma_start3A_23, %dma_start3A_24] : memref<80x128xi32, #tpu.memory_space<hbm>> -> memref<40x128xi32, #tpu.memory_space<hbm>>
    tpu.enqueue_dma source(%dma_start3A_25 : memref<40x128xi32, #tpu.memory_space<hbm>>) target(%arg6 : memref<40x128xi32, #tpu.memory_space<vmem>>) target_semaphore(%arg13 : memref<!tpu.dma_semaphore, #tpu.memory_space<semaphore_mem>>)
    %dma_start3A_26 = arith.constant 0 : i32
    %dma_start3A_27 = arith.constant 0 : i32
    %dma_start3A_28 = tpu.memref_slice %arg4[%add3A, %dma_start3A_26, %dma_start3A_27] : memref<32x80x128xi32, #tpu.memory_space<hbm>> -> memref<1x80x128xi32, #tpu.memory_space<hbm>>
    %dma_start3A_29 = tpu.memref_squeeze %dma_start3A_28 : memref<1x80x128xi32, #tpu.memory_space<hbm>> -> memref<80x128xi32, #tpu.memory_space<hbm>>
    %dma_start3A_30 = arith.constant 0 : i32
    %dma_start3A_31 = arith.constant 0 : i32
    %dma_start3A_32 = tpu.memref_slice %dma_start3A_29[%dma_start3A_30, %dma_start3A_31] : memref<80x128xi32, #tpu.memory_space<hbm>> -> memref<40x128xi32, #tpu.memory_space<hbm>>
    %dma_start3A_33 = arith.constant 0 : i32
    %dma_start3A_34 = arith.constant 0 : i32
    %dma_start3A_35 = tpu.memref_slice %arg4[%add3A, %dma_start3A_33, %dma_start3A_34] : memref<32x80x128xi32, #tpu.memory_space<hbm>> -> memref<1x80x128xi32, #tpu.memory_space<hbm>>
    %dma_start3A_36 = tpu.memref_squeeze %dma_start3A_35 : memref<1x80x128xi32, #tpu.memory_space<hbm>> -> memref<80x128xi32, #tpu.memory_space<hbm>>
    %dma_start3A_37 = arith.constant 0 : i32
    %dma_start3A_38 = arith.constant 0 : i32
    %dma_start3A_39 = tpu.memref_slice %dma_start3A_36[%dma_start3A_37, %dma_start3A_38] : memref<80x128xi32, #tpu.memory_space<hbm>> -> memref<40x128xi32, #tpu.memory_space<hbm>>
    tpu.enqueue_dma source(%dma_start3A_39 : memref<40x128xi32, #tpu.memory_space<hbm>>) target(%arg7 : memref<40x128xi32, #tpu.memory_space<vmem>>) target_semaphore(%arg13 : memref<!tpu.dma_semaphore, #tpu.memory_space<semaphore_mem>>)
    %dma_wait3A = arith.constant 0 : i32
    %dma_wait3A_40 = arith.constant 0 : i32
    %dma_wait3A_41 = tpu.memref_slice %arg3[%add3A, %dma_wait3A, %dma_wait3A_40] : memref<32x80x128xi32, #tpu.memory_space<hbm>> -> memref<1x80x128xi32, #tpu.memory_space<hbm>>
    %dma_wait3A_42 = tpu.memref_squeeze %dma_wait3A_41 : memref<1x80x128xi32, #tpu.memory_space<hbm>> -> memref<80x128xi32, #tpu.memory_space<hbm>>
    %dma_wait3A_43 = arith.constant 0 : i32
    %dma_wait3A_44 = arith.constant 0 : i32
    %dma_wait3A_45 = tpu.memref_slice %dma_wait3A_42[%dma_wait3A_43, %dma_wait3A_44] : memref<80x128xi32, #tpu.memory_space<hbm>> -> memref<40x128xi32, #tpu.memory_space<hbm>>
    %dma_wait3A_46 = arith.constant 0 : i32
    %dma_wait3A_47 = arith.constant 0 : i32
    %dma_wait3A_48 = tpu.memref_slice %arg3[%add3A, %dma_wait3A_46, %dma_wait3A_47] : memref<32x80x128xi32, #tpu.memory_space<hbm>> -> memref<1x80x128xi32, #tpu.memory_space<hbm>>
    %dma_wait3A_49 = tpu.memref_squeeze %dma_wait3A_48 : memref<1x80x128xi32, #tpu.memory_space<hbm>> -> memref<80x128xi32, #tpu.memory_space<hbm>>
    %dma_wait3A_50 = arith.constant 0 : i32
    %dma_wait3A_51 = arith.constant 0 : i32
    %dma_wait3A_52 = tpu.memref_slice %dma_wait3A_49[%dma_wait3A_50, %dma_wait3A_51] : memref<80x128xi32, #tpu.memory_space<hbm>> -> memref<40x128xi32, #tpu.memory_space<hbm>>
    tpu.wait_dma2 semaphore(%arg13 : memref<!tpu.dma_semaphore, #tpu.memory_space<semaphore_mem>>) src(%dma_wait3A_52 : memref<40x128xi32, #tpu.memory_space<hbm>>) dst(%arg6 : memref<40x128xi32, #tpu.memory_space<vmem>>)
    %dma_wait3A_53 = arith.constant 0 : i32
    %dma_wait3A_54 = arith.constant 0 : i32
    %dma_wait3A_55 = tpu.memref_slice %arg4[%add3A, %dma_wait3A_53, %dma_wait3A_54] : memref<32x80x128xi32, #tpu.memory_space<hbm>> -> memref<1x80x128xi32, #tpu.memory_space<hbm>>
    %dma_wait3A_56 = tpu.memref_squeeze %dma_wait3A_55 : memref<1x80x128xi32, #tpu.memory_space<hbm>> -> memref<80x128xi32, #tpu.memory_space<hbm>>
    %dma_wait3A_57 = arith.constant 0 : i32
    %dma_wait3A_58 = arith.constant 0 : i32
    %dma_wait3A_59 = tpu.memref_slice %dma_wait3A_56[%dma_wait3A_57, %dma_wait3A_58] : memref<80x128xi32, #tpu.memory_space<hbm>> -> memref<40x128xi32, #tpu.memory_space<hbm>>
    %dma_wait3A_60 = arith.constant 0 : i32
    %dma_wait3A_61 = arith.constant 0 : i32
    %dma_wait3A_62 = tpu.memref_slice %arg4[%add3A, %dma_wait3A_60, %dma_wait3A_61] : memref<32x80x128xi32, #tpu.memory_space<hbm>> -> memref<1x80x128xi32, #tpu.memory_space<hbm>>
    %dma_wait3A_63 = tpu.memref_squeeze %dma_wait3A_62 : memref<1x80x128xi32, #tpu.memory_space<hbm>> -> memref<80x128xi32, #tpu.memory_space<hbm>>
    %dma_wait3A_64 = arith.constant 0 : i32
    %dma_wait3A_65 = arith.constant 0 : i32
    %dma_wait3A_66 = tpu.memref_slice %dma_wait3A_63[%dma_wait3A_64, %dma_wait3A_65] : memref<80x128xi32, #tpu.memory_space<hbm>> -> memref<40x128xi32, #tpu.memory_space<hbm>>
    tpu.wait_dma2 semaphore(%arg13 : memref<!tpu.dma_semaphore, #tpu.memory_space<semaphore_mem>>) src(%dma_wait3A_66 : memref<40x128xi32, #tpu.memory_space<hbm>>) dst(%arg7 : memref<40x128xi32, #tpu.memory_space<vmem>>)
    %dma_start3A_67 = arith.constant 0 : i32
    %dma_start3A_68 = arith.constant 0 : i32
    %dma_start3A_69 = tpu.memref_slice %arg6[%dma_start3A_67, %dma_start3A_68] : memref<40x128xi32, #tpu.memory_space<vmem>> -> memref<1x128xi32, #tpu.memory_space<vmem>>
    %dma_start3A_70 = tpu.memref_squeeze %dma_start3A_69 : memref<1x128xi32, #tpu.memory_space<vmem>> -> memref<128xi32, #tpu.memory_space<vmem>>
    %dma_start3A_71 = arith.constant 0 : i32
    %dma_start3A_72 = arith.constant 0 : i32
    %dma_start3A_73 = tpu.memref_slice %arg2[%dma_start3A_71, %dma_start3A_72] : memref<10000x128xf32, #tpu.memory_space<hbm>> -> memref<10000x128xf32, #tpu.memory_space<hbm>>
    tpu.enqueue_indirect_dma source(%dma_start3A_73 : memref<10000x128xf32, #tpu.memory_space<hbm>>) target(%arg8 : memref<128x128xf32, #tpu.memory_space<vmem>>) offsets(%dma_start3A_70 : memref<128xi32, #tpu.memory_space<vmem>>) semaphore(%arg11 : memref<!tpu.dma_semaphore, #tpu.memory_space<semaphore_mem>>)
    %scan3A_74 = arith.constant 0 : i32
    %scan3A_75 = arith.constant 19 : i32
    %scan3A_76 = arith.addi %scan3A_74, %scan3A_75 : i32
    %scan3A_77 = arith.constant 1 : i32
    scf.for %scan3A_197 = %scan3A_74 to %scan3A_76 step %scan3A_77  : i32 {
      %mul3A_198 = arith.constant 2 : i32
      %mul3A_199 = arith.muli %scan3A_197, %mul3A_198 : i32
      %add3A_200 = arith.constant 0 : i32
      %add3A_201 = arith.addi %add3A_200, %mul3A_199 : i32
      %add3A_202 = arith.constant 1 : i32
      %add3A_203 = arith.addi %add3A_201, %add3A_202 : i32
      %dma_start3A_204 = arith.constant 0 : i32
      %dma_start3A_205 = tpu.memref_slice %arg6[%add3A_203, %dma_start3A_204] : memref<40x128xi32, #tpu.memory_space<vmem>> -> memref<1x128xi32, #tpu.memory_space<vmem>>
      %dma_start3A_206 = tpu.memref_squeeze %dma_start3A_205 : memref<1x128xi32, #tpu.memory_space<vmem>> -> memref<128xi32, #tpu.memory_space<vmem>>
      %dma_start3A_207 = arith.constant 0 : i32
      %dma_start3A_208 = arith.constant 0 : i32
      %dma_start3A_209 = tpu.memref_slice %arg2[%dma_start3A_207, %dma_start3A_208] : memref<10000x128xf32, #tpu.memory_space<hbm>> -> memref<10000x128xf32, #tpu.memory_space<hbm>>
      tpu.enqueue_indirect_dma source(%dma_start3A_209 : memref<10000x128xf32, #tpu.memory_space<hbm>>) target(%arg9 : memref<128x128xf32, #tpu.memory_space<vmem>>) offsets(%dma_start3A_206 : memref<128xi32, #tpu.memory_space<vmem>>) semaphore(%arg12 : memref<!tpu.dma_semaphore, #tpu.memory_space<semaphore_mem>>)
      %dma_wait3A_210 = arith.constant 0 : i32
      %dma_wait3A_211 = tpu.memref_slice %arg6[%add3A_201, %dma_wait3A_210] : memref<40x128xi32, #tpu.memory_space<vmem>> -> memref<1x128xi32, #tpu.memory_space<vmem>>
      %dma_wait3A_212 = tpu.memref_squeeze %dma_wait3A_211 : memref<1x128xi32, #tpu.memory_space<vmem>> -> memref<128xi32, #tpu.memory_space<vmem>>
      %dma_wait3A_213 = arith.constant 0 : i32
      %dma_wait3A_214 = arith.constant 0 : i32
      %dma_wait3A_215 = tpu.memref_slice %arg2[%dma_wait3A_213, %dma_wait3A_214] : memref<10000x128xf32, #tpu.memory_space<hbm>> -> memref<10000x128xf32, #tpu.memory_space<hbm>>
      tpu.wait_indirect_dma semaphore(%arg11 : memref<!tpu.dma_semaphore, #tpu.memory_space<semaphore_mem>>) src(%dma_wait3A_215 : memref<10000x128xf32, #tpu.memory_space<hbm>>) dst(%arg8 : memref<128x128xf32, #tpu.memory_space<vmem>>)
      "tpu.region"() ({
        %run_scoped3A_234 = tpu.sem_alloc : memref<!tpu.dma_semaphore, #tpu.memory_space<semaphore_mem>>
        %dma_start3A_235 = arith.constant 0 : i32
        %dma_start3A_236 = tpu.memref_slice %arg7[%add3A_201, %dma_start3A_235] : memref<40x128xi32, #tpu.memory_space<vmem>> -> memref<1x128xi32, #tpu.memory_space<vmem>>
        %dma_start3A_237 = tpu.memref_squeeze %dma_start3A_236 : memref<1x128xi32, #tpu.memory_space<vmem>> -> memref<128xi32, #tpu.memory_space<vmem>>
        %dma_start3A_238 = arith.constant 0 : i32
        %dma_start3A_239 = arith.constant 0 : i32
        %dma_start3A_240 = tpu.memref_slice %arg10[%dma_start3A_238, %dma_start3A_239] : memref<10240x128xf32, #tpu.memory_space<vmem_shared>> -> memref<10240x128xf32, #tpu.memory_space<vmem_shared>>
        tpu.enqueue_indirect_dma source(%arg8 : memref<128x128xf32, #tpu.memory_space<vmem>>) target(%dma_start3A_240 : memref<10240x128xf32, #tpu.memory_space<vmem_shared>>) offsets(%dma_start3A_237 : memref<128xi32, #tpu.memory_space<vmem>>) semaphore(%run_scoped3A_234 : memref<!tpu.dma_semaphore, #tpu.memory_space<semaphore_mem>>) {add = true}
        %dma_wait3A_241 = arith.constant 0 : i32
        %dma_wait3A_242 = tpu.memref_slice %arg7[%add3A_201, %dma_wait3A_241] : memref<40x128xi32, #tpu.memory_space<vmem>> -> memref<1x128xi32, #tpu.memory_space<vmem>>
        %dma_wait3A_243 = tpu.memref_squeeze %dma_wait3A_242 : memref<1x128xi32, #tpu.memory_space<vmem>> -> memref<128xi32, #tpu.memory_space<vmem>>
        %dma_wait3A_244 = arith.constant 0 : i32
        %dma_wait3A_245 = arith.constant 0 : i32
        %dma_wait3A_246 = tpu.memref_slice %arg10[%dma_wait3A_244, %dma_wait3A_245] : memref<10240x128xf32, #tpu.memory_space<vmem_shared>> -> memref<10240x128xf32, #tpu.memory_space<vmem_shared>>
        tpu.wait_indirect_dma semaphore(%run_scoped3A_234 : memref<!tpu.dma_semaphore, #tpu.memory_space<semaphore_mem>>) src(%arg8 : memref<128x128xf32, #tpu.memory_space<vmem>>) dst(%dma_wait3A_246 : memref<10240x128xf32, #tpu.memory_space<vmem_shared>>)
        tpu.yield
      }) : () -> ()
      %add3A_216 = arith.constant 2 : i32
      %add3A_217 = arith.addi %add3A_201, %add3A_216 : i32
      %dma_start3A_218 = arith.constant 0 : i32
      %dma_start3A_219 = tpu.memref_slice %arg6[%add3A_217, %dma_start3A_218] : memref<40x128xi32, #tpu.memory_space<vmem>> -> memref<1x128xi32, #tpu.memory_space<vmem>>
      %dma_start3A_220 = tpu.memref_squeeze %dma_start3A_219 : memref<1x128xi32, #tpu.memory_space<vmem>> -> memref<128xi32, #tpu.memory_space<vmem>>
      %dma_start3A_221 = arith.constant 0 : i32
      %dma_start3A_222 = arith.constant 0 : i32
      %dma_start3A_223 = tpu.memref_slice %arg2[%dma_start3A_221, %dma_start3A_222] : memref<10000x128xf32, #tpu.memory_space<hbm>> -> memref<10000x128xf32, #tpu.memory_space<hbm>>
      tpu.enqueue_indirect_dma source(%dma_start3A_223 : memref<10000x128xf32, #tpu.memory_space<hbm>>) target(%arg8 : memref<128x128xf32, #tpu.memory_space<vmem>>) offsets(%dma_start3A_220 : memref<128xi32, #tpu.memory_space<vmem>>) semaphore(%arg11 : memref<!tpu.dma_semaphore, #tpu.memory_space<semaphore_mem>>)
      %add3A_224 = arith.constant 1 : i32
      %add3A_225 = arith.addi %add3A_201, %add3A_224 : i32
      %dma_wait3A_226 = arith.constant 0 : i32
      %dma_wait3A_227 = tpu.memref_slice %arg6[%add3A_225, %dma_wait3A_226] : memref<40x128xi32, #tpu.memory_space<vmem>> -> memref<1x128xi32, #tpu.memory_space<vmem>>
      %dma_wait3A_228 = tpu.memref_squeeze %dma_wait3A_227 : memref<1x128xi32, #tpu.memory_space<vmem>> -> memref<128xi32, #tpu.memory_space<vmem>>
      %dma_wait3A_229 = arith.constant 0 : i32
      %dma_wait3A_230 = arith.constant 0 : i32
      %dma_wait3A_231 = tpu.memref_slice %arg2[%dma_wait3A_229, %dma_wait3A_230] : memref<10000x128xf32, #tpu.memory_space<hbm>> -> memref<10000x128xf32, #tpu.memory_space<hbm>>
      tpu.wait_indirect_dma semaphore(%arg12 : memref<!tpu.dma_semaphore, #tpu.memory_space<semaphore_mem>>) src(%dma_wait3A_231 : memref<10000x128xf32, #tpu.memory_space<hbm>>) dst(%arg9 : memref<128x128xf32, #tpu.memory_space<vmem>>)
      %add3A_232 = arith.constant 1 : i32
      %add3A_233 = arith.addi %add3A_201, %add3A_232 : i32
      "tpu.region"() ({
        %run_scoped3A_234 = tpu.sem_alloc : memref<!tpu.dma_semaphore, #tpu.memory_space<semaphore_mem>>
        %dma_start3A_235 = arith.constant 0 : i32
        %dma_start3A_236 = tpu.memref_slice %arg7[%add3A_233, %dma_start3A_235] : memref<40x128xi32, #tpu.memory_space<vmem>> -> memref<1x128xi32, #tpu.memory_space<vmem>>
        %dma_start3A_237 = tpu.memref_squeeze %dma_start3A_236 : memref<1x128xi32, #tpu.memory_space<vmem>> -> memref<128xi32, #tpu.memory_space<vmem>>
        %dma_start3A_238 = arith.constant 0 : i32
        %dma_start3A_239 = arith.constant 0 : i32
        %dma_start3A_240 = tpu.memref_slice %arg10[%dma_start3A_238, %dma_start3A_239] : memref<10240x128xf32, #tpu.memory_space<vmem_shared>> -> memref<10240x128xf32, #tpu.memory_space<vmem_shared>>
        tpu.enqueue_indirect_dma source(%arg9 : memref<128x128xf32, #tpu.memory_space<vmem>>) target(%dma_start3A_240 : memref<10240x128xf32, #tpu.memory_space<vmem_shared>>) offsets(%dma_start3A_237 : memref<128xi32, #tpu.memory_space<vmem>>) semaphore(%run_scoped3A_234 : memref<!tpu.dma_semaphore, #tpu.memory_space<semaphore_mem>>) {add = true}
        %dma_wait3A_241 = arith.constant 0 : i32
        %dma_wait3A_242 = tpu.memref_slice %arg7[%add3A_233, %dma_wait3A_241] : memref<40x128xi32, #tpu.memory_space<vmem>> -> memref<1x128xi32, #tpu.memory_space<vmem>>
        %dma_wait3A_243 = tpu.memref_squeeze %dma_wait3A_242 : memref<1x128xi32, #tpu.memory_space<vmem>> -> memref<128xi32, #tpu.memory_space<vmem>>
        %dma_wait3A_244 = arith.constant 0 : i32
        %dma_wait3A_245 = arith.constant 0 : i32
        %dma_wait3A_246 = tpu.memref_slice %arg10[%dma_wait3A_244, %dma_wait3A_245] : memref<10240x128xf32, #tpu.memory_space<vmem_shared>> -> memref<10240x128xf32, #tpu.memory_space<vmem_shared>>
        tpu.wait_indirect_dma semaphore(%run_scoped3A_234 : memref<!tpu.dma_semaphore, #tpu.memory_space<semaphore_mem>>) src(%arg9 : memref<128x128xf32, #tpu.memory_space<vmem>>) dst(%dma_wait3A_246 : memref<10240x128xf32, #tpu.memory_space<vmem_shared>>)
        tpu.yield
      }) : () -> ()
    }
    %scan3A_78 = arith.constant 19 : i32
    %dma_start3A_79 = arith.constant 39 : i32
    %dma_start3A_80 = arith.constant 0 : i32
    %dma_start3A_81 = tpu.memref_slice %arg6[%dma_start3A_79, %dma_start3A_80] : memref<40x128xi32, #tpu.memory_space<vmem>> -> memref<1x128xi32, #tpu.memory_space<vmem>>
    %dma_start3A_82 = tpu.memref_squeeze %dma_start3A_81 : memref<1x128xi32, #tpu.memory_space<vmem>> -> memref<128xi32, #tpu.memory_space<vmem>>
    %dma_start3A_83 = arith.constant 0 : i32
    %dma_start3A_84 = arith.constant 0 : i32
    %dma_start3A_85 = tpu.memref_slice %arg2[%dma_start3A_83, %dma_start3A_84] : memref<10000x128xf32, #tpu.memory_space<hbm>> -> memref<10000x128xf32, #tpu.memory_space<hbm>>
    tpu.enqueue_indirect_dma source(%dma_start3A_85 : memref<10000x128xf32, #tpu.memory_space<hbm>>) target(%arg9 : memref<128x128xf32, #tpu.memory_space<vmem>>) offsets(%dma_start3A_82 : memref<128xi32, #tpu.memory_space<vmem>>) semaphore(%arg12 : memref<!tpu.dma_semaphore, #tpu.memory_space<semaphore_mem>>)
    %dma_wait3A_86 = arith.constant 38 : i32
    %dma_wait3A_87 = arith.constant 0 : i32
    %dma_wait3A_88 = tpu.memref_slice %arg6[%dma_wait3A_86, %dma_wait3A_87] : memref<40x128xi32, #tpu.memory_space<vmem>> -> memref<1x128xi32, #tpu.memory_space<vmem>>
    %dma_wait3A_89 = tpu.memref_squeeze %dma_wait3A_88 : memref<1x128xi32, #tpu.memory_space<vmem>> -> memref<128xi32, #tpu.memory_space<vmem>>
    %dma_wait3A_90 = arith.constant 0 : i32
    %dma_wait3A_91 = arith.constant 0 : i32
    %dma_wait3A_92 = tpu.memref_slice %arg2[%dma_wait3A_90, %dma_wait3A_91] : memref<10000x128xf32, #tpu.memory_space<hbm>> -> memref<10000x128xf32, #tpu.memory_space<hbm>>
    tpu.wait_indirect_dma semaphore(%arg11 : memref<!tpu.dma_semaphore, #tpu.memory_space<semaphore_mem>>) src(%dma_wait3A_92 : memref<10000x128xf32, #tpu.memory_space<hbm>>) dst(%arg8 : memref<128x128xf32, #tpu.memory_space<vmem>>)
    %run_scoped3A = arith.constant 38 : i32
    "tpu.region"() ({
      %run_scoped3A_197 = tpu.sem_alloc : memref<!tpu.dma_semaphore, #tpu.memory_space<semaphore_mem>>
      %dma_start3A_198 = arith.constant 0 : i32
      %dma_start3A_199 = tpu.memref_slice %arg7[%run_scoped3A, %dma_start3A_198] : memref<40x128xi32, #tpu.memory_space<vmem>> -> memref<1x128xi32, #tpu.memory_space<vmem>>
      %dma_start3A_200 = tpu.memref_squeeze %dma_start3A_199 : memref<1x128xi32, #tpu.memory_space<vmem>> -> memref<128xi32, #tpu.memory_space<vmem>>
      %dma_start3A_201 = arith.constant 0 : i32
      %dma_start3A_202 = arith.constant 0 : i32
      %dma_start3A_203 = tpu.memref_slice %arg10[%dma_start3A_201, %dma_start3A_202] : memref<10240x128xf32, #tpu.memory_space<vmem_shared>> -> memref<10240x128xf32, #tpu.memory_space<vmem_shared>>
      tpu.enqueue_indirect_dma source(%arg8 : memref<128x128xf32, #tpu.memory_space<vmem>>) target(%dma_start3A_203 : memref<10240x128xf32, #tpu.memory_space<vmem_shared>>) offsets(%dma_start3A_200 : memref<128xi32, #tpu.memory_space<vmem>>) semaphore(%run_scoped3A_197 : memref<!tpu.dma_semaphore, #tpu.memory_space<semaphore_mem>>) {add = true}
      %dma_wait3A_204 = arith.constant 0 : i32
      %dma_wait3A_205 = tpu.memref_slice %arg7[%run_scoped3A, %dma_wait3A_204] : memref<40x128xi32, #tpu.memory_space<vmem>> -> memref<1x128xi32, #tpu.memory_space<vmem>>
      %dma_wait3A_206 = tpu.memref_squeeze %dma_wait3A_205 : memref<1x128xi32, #tpu.memory_space<vmem>> -> memref<128xi32, #tpu.memory_space<vmem>>
      %dma_wait3A_207 = arith.constant 0 : i32
      %dma_wait3A_208 = arith.constant 0 : i32
      %dma_wait3A_209 = tpu.memref_slice %arg10[%dma_wait3A_207, %dma_wait3A_208] : memref<10240x128xf32, #tpu.memory_space<vmem_shared>> -> memref<10240x128xf32, #tpu.memory_space<vmem_shared>>
      tpu.wait_indirect_dma semaphore(%run_scoped3A_197 : memref<!tpu.dma_semaphore, #tpu.memory_space<semaphore_mem>>) src(%arg8 : memref<128x128xf32, #tpu.memory_space<vmem>>) dst(%dma_wait3A_209 : memref<10240x128xf32, #tpu.memory_space<vmem_shared>>)
      tpu.yield
    }) : () -> ()
    %dma_wait3A_93 = arith.constant 39 : i32
    %dma_wait3A_94 = arith.constant 0 : i32
    %dma_wait3A_95 = tpu.memref_slice %arg6[%dma_wait3A_93, %dma_wait3A_94] : memref<40x128xi32, #tpu.memory_space<vmem>> -> memref<1x128xi32, #tpu.memory_space<vmem>>
    %dma_wait3A_96 = tpu.memref_squeeze %dma_wait3A_95 : memref<1x128xi32, #tpu.memory_space<vmem>> -> memref<128xi32, #tpu.memory_space<vmem>>
    %dma_wait3A_97 = arith.constant 0 : i32
    %dma_wait3A_98 = arith.constant 0 : i32
    %dma_wait3A_99 = tpu.memref_slice %arg2[%dma_wait3A_97, %dma_wait3A_98] : memref<10000x128xf32, #tpu.memory_space<hbm>> -> memref<10000x128xf32, #tpu.memory_space<hbm>>
    tpu.wait_indirect_dma semaphore(%arg12 : memref<!tpu.dma_semaphore, #tpu.memory_space<semaphore_mem>>) src(%dma_wait3A_99 : memref<10000x128xf32, #tpu.memory_space<hbm>>) dst(%arg9 : memref<128x128xf32, #tpu.memory_space<vmem>>)
    %run_scoped3A_100 = arith.constant 39 : i32
    "tpu.region"() ({
      %run_scoped3A_197 = tpu.sem_alloc : memref<!tpu.dma_semaphore, #tpu.memory_space<semaphore_mem>>
      %dma_start3A_198 = arith.constant 0 : i32
      %dma_start3A_199 = tpu.memref_slice %arg7[%run_scoped3A_100, %dma_start3A_198] : memref<40x128xi32, #tpu.memory_space<vmem>> -> memref<1x128xi32, #tpu.memory_space<vmem>>
      %dma_start3A_200 = tpu.memref_squeeze %dma_start3A_199 : memref<1x128xi32, #tpu.memory_space<vmem>> -> memref<128xi32, #tpu.memory_space<vmem>>
      %dma_start3A_201 = arith.constant 0 : i32
      %dma_start3A_202 = arith.constant 0 : i32
      %dma_start3A_203 = tpu.memref_slice %arg10[%dma_start3A_201, %dma_start3A_202] : memref<10240x128xf32, #tpu.memory_space<vmem_shared>> -> memref<10240x128xf32, #tpu.memory_space<vmem_shared>>
      tpu.enqueue_indirect_dma source(%arg9 : memref<128x128xf32, #tpu.memory_space<vmem>>) target(%dma_start3A_203 : memref<10240x128xf32, #tpu.memory_space<vmem_shared>>) offsets(%dma_start3A_200 : memref<128xi32, #tpu.memory_space<vmem>>) semaphore(%run_scoped3A_197 : memref<!tpu.dma_semaphore, #tpu.memory_space<semaphore_mem>>) {add = true}
      %dma_wait3A_204 = arith.constant 0 : i32
      %dma_wait3A_205 = tpu.memref_slice %arg7[%run_scoped3A_100, %dma_wait3A_204] : memref<40x128xi32, #tpu.memory_space<vmem>> -> memref<1x128xi32, #tpu.memory_space<vmem>>
      %dma_wait3A_206 = tpu.memref_squeeze %dma_wait3A_205 : memref<1x128xi32, #tpu.memory_space<vmem>> -> memref<128xi32, #tpu.memory_space<vmem>>
      %dma_wait3A_207 = arith.constant 0 : i32
      %dma_wait3A_208 = arith.constant 0 : i32
      %dma_wait3A_209 = tpu.memref_slice %arg10[%dma_wait3A_207, %dma_wait3A_208] : memref<10240x128xf32, #tpu.memory_space<vmem_shared>> -> memref<10240x128xf32, #tpu.memory_space<vmem_shared>>
      tpu.wait_indirect_dma semaphore(%run_scoped3A_197 : memref<!tpu.dma_semaphore, #tpu.memory_space<semaphore_mem>>) src(%arg9 : memref<128x128xf32, #tpu.memory_space<vmem>>) dst(%dma_wait3A_209 : memref<10240x128xf32, #tpu.memory_space<vmem_shared>>)
      tpu.yield
    }) : () -> ()
    %dma_start3A_101 = arith.constant 0 : i32
    %dma_start3A_102 = arith.constant 0 : i32
    %dma_start3A_103 = tpu.memref_slice %arg3[%add3A, %dma_start3A_101, %dma_start3A_102] : memref<32x80x128xi32, #tpu.memory_space<hbm>> -> memref<1x80x128xi32, #tpu.memory_space<hbm>>
    %dma_start3A_104 = tpu.memref_squeeze %dma_start3A_103 : memref<1x80x128xi32, #tpu.memory_space<hbm>> -> memref<80x128xi32, #tpu.memory_space<hbm>>
    %dma_start3A_105 = arith.constant 40 : i32
    %dma_start3A_106 = arith.constant 0 : i32
    %dma_start3A_107 = tpu.memref_slice %dma_start3A_104[%dma_start3A_105, %dma_start3A_106] : memref<80x128xi32, #tpu.memory_space<hbm>> -> memref<40x128xi32, #tpu.memory_space<hbm>>
    %dma_start3A_108 = arith.constant 0 : i32
    %dma_start3A_109 = arith.constant 0 : i32
    %dma_start3A_110 = tpu.memref_slice %arg3[%add3A, %dma_start3A_108, %dma_start3A_109] : memref<32x80x128xi32, #tpu.memory_space<hbm>> -> memref<1x80x128xi32, #tpu.memory_space<hbm>>
    %dma_start3A_111 = tpu.memref_squeeze %dma_start3A_110 : memref<1x80x128xi32, #tpu.memory_space<hbm>> -> memref<80x128xi32, #tpu.memory_space<hbm>>
    %dma_start3A_112 = arith.constant 40 : i32
    %dma_start3A_113 = arith.constant 0 : i32
    %dma_start3A_114 = tpu.memref_slice %dma_start3A_111[%dma_start3A_112, %dma_start3A_113] : memref<80x128xi32, #tpu.memory_space<hbm>> -> memref<40x128xi32, #tpu.memory_space<hbm>>
    tpu.enqueue_dma source(%dma_start3A_114 : memref<40x128xi32, #tpu.memory_space<hbm>>) target(%arg6 : memref<40x128xi32, #tpu.memory_space<vmem>>) target_semaphore(%arg13 : memref<!tpu.dma_semaphore, #tpu.memory_space<semaphore_mem>>)
    %dma_start3A_115 = arith.constant 0 : i32
    %dma_start3A_116 = arith.constant 0 : i32
    %dma_start3A_117 = tpu.memref_slice %arg4[%add3A, %dma_start3A_115, %dma_start3A_116] : memref<32x80x128xi32, #tpu.memory_space<hbm>> -> memref<1x80x128xi32, #tpu.memory_space<hbm>>
    %dma_start3A_118 = tpu.memref_squeeze %dma_start3A_117 : memref<1x80x128xi32, #tpu.memory_space<hbm>> -> memref<80x128xi32, #tpu.memory_space<hbm>>
    %dma_start3A_119 = arith.constant 40 : i32
    %dma_start3A_120 = arith.constant 0 : i32
    %dma_start3A_121 = tpu.memref_slice %dma_start3A_118[%dma_start3A_119, %dma_start3A_120] : memref<80x128xi32, #tpu.memory_space<hbm>> -> memref<40x128xi32, #tpu.memory_space<hbm>>
    %dma_start3A_122 = arith.constant 0 : i32
    %dma_start3A_123 = arith.constant 0 : i32
    %dma_start3A_124 = tpu.memref_slice %arg4[%add3A, %dma_start3A_122, %dma_start3A_123] : memref<32x80x128xi32, #tpu.memory_space<hbm>> -> memref<1x80x128xi32, #tpu.memory_space<hbm>>
    %dma_start3A_125 = tpu.memref_squeeze %dma_start3A_124 : memref<1x80x128xi32, #tpu.memory_space<hbm>> -> memref<80x128xi32, #tpu.memory_space<hbm>>
    %dma_start3A_126 = arith.constant 40 : i32
    %dma_start3A_127 = arith.constant 0 : i32
    %dma_start3A_128 = tpu.memref_slice %dma_start3A_125[%dma_start3A_126, %dma_start3A_127] : memref<80x128xi32, #tpu.memory_space<hbm>> -> memref<40x128xi32, #tpu.memory_space<hbm>>
    tpu.enqueue_dma source(%dma_start3A_128 : memref<40x128xi32, #tpu.memory_space<hbm>>) target(%arg7 : memref<40x128xi32, #tpu.memory_space<vmem>>) target_semaphore(%arg13 : memref<!tpu.dma_semaphore, #tpu.memory_space<semaphore_mem>>)
    %dma_wait3A_129 = arith.constant 0 : i32
    %dma_wait3A_130 = arith.constant 0 : i32
    %dma_wait3A_131 = tpu.memref_slice %arg3[%add3A, %dma_wait3A_129, %dma_wait3A_130] : memref<32x80x128xi32, #tpu.memory_space<hbm>> -> memref<1x80x128xi32, #tpu.memory_space<hbm>>
    %dma_wait3A_132 = tpu.memref_squeeze %dma_wait3A_131 : memref<1x80x128xi32, #tpu.memory_space<hbm>> -> memref<80x128xi32, #tpu.memory_space<hbm>>
    %dma_wait3A_133 = arith.constant 40 : i32
    %dma_wait3A_134 = arith.constant 0 : i32
    %dma_wait3A_135 = tpu.memref_slice %dma_wait3A_132[%dma_wait3A_133, %dma_wait3A_134] : memref<80x128xi32, #tpu.memory_space<hbm>> -> memref<40x128xi32, #tpu.memory_space<hbm>>
    %dma_wait3A_136 = arith.constant 0 : i32
    %dma_wait3A_137 = arith.constant 0 : i32
    %dma_wait3A_138 = tpu.memref_slice %arg3[%add3A, %dma_wait3A_136, %dma_wait3A_137] : memref<32x80x128xi32, #tpu.memory_space<hbm>> -> memref<1x80x128xi32, #tpu.memory_space<hbm>>
    %dma_wait3A_139 = tpu.memref_squeeze %dma_wait3A_138 : memref<1x80x128xi32, #tpu.memory_space<hbm>> -> memref<80x128xi32, #tpu.memory_space<hbm>>
    %dma_wait3A_140 = arith.constant 40 : i32
    %dma_wait3A_141 = arith.constant 0 : i32
    %dma_wait3A_142 = tpu.memref_slice %dma_wait3A_139[%dma_wait3A_140, %dma_wait3A_141] : memref<80x128xi32, #tpu.memory_space<hbm>> -> memref<40x128xi32, #tpu.memory_space<hbm>>
    tpu.wait_dma2 semaphore(%arg13 : memref<!tpu.dma_semaphore, #tpu.memory_space<semaphore_mem>>) src(%dma_wait3A_142 : memref<40x128xi32, #tpu.memory_space<hbm>>) dst(%arg6 : memref<40x128xi32, #tpu.memory_space<vmem>>)
    %dma_wait3A_143 = arith.constant 0 : i32
    %dma_wait3A_144 = arith.constant 0 : i32
    %dma_wait3A_145 = tpu.memref_slice %arg4[%add3A, %dma_wait3A_143, %dma_wait3A_144] : memref<32x80x128xi32, #tpu.memory_space<hbm>> -> memref<1x80x128xi32, #tpu.memory_space<hbm>>
    %dma_wait3A_146 = tpu.memref_squeeze %dma_wait3A_145 : memref<1x80x128xi32, #tpu.memory_space<hbm>> -> memref<80x128xi32, #tpu.memory_space<hbm>>
    %dma_wait3A_147 = arith.constant 40 : i32
    %dma_wait3A_148 = arith.constant 0 : i32
    %dma_wait3A_149 = tpu.memref_slice %dma_wait3A_146[%dma_wait3A_147, %dma_wait3A_148] : memref<80x128xi32, #tpu.memory_space<hbm>> -> memref<40x128xi32, #tpu.memory_space<hbm>>
    %dma_wait3A_150 = arith.constant 0 : i32
    %dma_wait3A_151 = arith.constant 0 : i32
    %dma_wait3A_152 = tpu.memref_slice %arg4[%add3A, %dma_wait3A_150, %dma_wait3A_151] : memref<32x80x128xi32, #tpu.memory_space<hbm>> -> memref<1x80x128xi32, #tpu.memory_space<hbm>>
    %dma_wait3A_153 = tpu.memref_squeeze %dma_wait3A_152 : memref<1x80x128xi32, #tpu.memory_space<hbm>> -> memref<80x128xi32, #tpu.memory_space<hbm>>
    %dma_wait3A_154 = arith.constant 40 : i32
    %dma_wait3A_155 = arith.constant 0 : i32
    %dma_wait3A_156 = tpu.memref_slice %dma_wait3A_153[%dma_wait3A_154, %dma_wait3A_155] : memref<80x128xi32, #tpu.memory_space<hbm>> -> memref<40x128xi32, #tpu.memory_space<hbm>>
    tpu.wait_dma2 semaphore(%arg13 : memref<!tpu.dma_semaphore, #tpu.memory_space<semaphore_mem>>) src(%dma_wait3A_156 : memref<40x128xi32, #tpu.memory_space<hbm>>) dst(%arg7 : memref<40x128xi32, #tpu.memory_space<vmem>>)
    %dma_start3A_157 = arith.constant 0 : i32
    %dma_start3A_158 = arith.constant 0 : i32
    %dma_start3A_159 = tpu.memref_slice %arg6[%dma_start3A_157, %dma_start3A_158] : memref<40x128xi32, #tpu.memory_space<vmem>> -> memref<1x128xi32, #tpu.memory_space<vmem>>
    %dma_start3A_160 = tpu.memref_squeeze %dma_start3A_159 : memref<1x128xi32, #tpu.memory_space<vmem>> -> memref<128xi32, #tpu.memory_space<vmem>>
    %dma_start3A_161 = arith.constant 0 : i32
    %dma_start3A_162 = arith.constant 0 : i32
    %dma_start3A_163 = tpu.memref_slice %arg2[%dma_start3A_161, %dma_start3A_162] : memref<10000x128xf32, #tpu.memory_space<hbm>> -> memref<10000x128xf32, #tpu.memory_space<hbm>>
    tpu.enqueue_indirect_dma source(%dma_start3A_163 : memref<10000x128xf32, #tpu.memory_space<hbm>>) target(%arg8 : memref<128x128xf32, #tpu.memory_space<vmem>>) offsets(%dma_start3A_160 : memref<128xi32, #tpu.memory_space<vmem>>) semaphore(%arg11 : memref<!tpu.dma_semaphore, #tpu.memory_space<semaphore_mem>>)
    %scan3A_164 = arith.constant 0 : i32
    %scan3A_165 = arith.constant 19 : i32
    %scan3A_166 = arith.addi %scan3A_164, %scan3A_165 : i32
    %scan3A_167 = arith.constant 1 : i32
    scf.for %scan3A_197 = %scan3A_164 to %scan3A_166 step %scan3A_167  : i32 {
      %mul3A_198 = arith.constant 2 : i32
      %mul3A_199 = arith.muli %scan3A_197, %mul3A_198 : i32
      %add3A_200 = arith.constant 0 : i32
      %add3A_201 = arith.addi %add3A_200, %mul3A_199 : i32
      %add3A_202 = arith.constant 1 : i32
      %add3A_203 = arith.addi %add3A_201, %add3A_202 : i32
      %dma_start3A_204 = arith.constant 0 : i32
      %dma_start3A_205 = tpu.memref_slice %arg6[%add3A_203, %dma_start3A_204] : memref<40x128xi32, #tpu.memory_space<vmem>> -> memref<1x128xi32, #tpu.memory_space<vmem>>
      %dma_start3A_206 = tpu.memref_squeeze %dma_start3A_205 : memref<1x128xi32, #tpu.memory_space<vmem>> -> memref<128xi32, #tpu.memory_space<vmem>>
      %dma_start3A_207 = arith.constant 0 : i32
      %dma_start3A_208 = arith.constant 0 : i32
      %dma_start3A_209 = tpu.memref_slice %arg2[%dma_start3A_207, %dma_start3A_208] : memref<10000x128xf32, #tpu.memory_space<hbm>> -> memref<10000x128xf32, #tpu.memory_space<hbm>>
      tpu.enqueue_indirect_dma source(%dma_start3A_209 : memref<10000x128xf32, #tpu.memory_space<hbm>>) target(%arg9 : memref<128x128xf32, #tpu.memory_space<vmem>>) offsets(%dma_start3A_206 : memref<128xi32, #tpu.memory_space<vmem>>) semaphore(%arg12 : memref<!tpu.dma_semaphore, #tpu.memory_space<semaphore_mem>>)
      %dma_wait3A_210 = arith.constant 0 : i32
      %dma_wait3A_211 = tpu.memref_slice %arg6[%add3A_201, %dma_wait3A_210] : memref<40x128xi32, #tpu.memory_space<vmem>> -> memref<1x128xi32, #tpu.memory_space<vmem>>
      %dma_wait3A_212 = tpu.memref_squeeze %dma_wait3A_211 : memref<1x128xi32, #tpu.memory_space<vmem>> -> memref<128xi32, #tpu.memory_space<vmem>>
      %dma_wait3A_213 = arith.constant 0 : i32
      %dma_wait3A_214 = arith.constant 0 : i32
      %dma_wait3A_215 = tpu.memref_slice %arg2[%dma_wait3A_213, %dma_wait3A_214] : memref<10000x128xf32, #tpu.memory_space<hbm>> -> memref<10000x128xf32, #tpu.memory_space<hbm>>
      tpu.wait_indirect_dma semaphore(%arg11 : memref<!tpu.dma_semaphore, #tpu.memory_space<semaphore_mem>>) src(%dma_wait3A_215 : memref<10000x128xf32, #tpu.memory_space<hbm>>) dst(%arg8 : memref<128x128xf32, #tpu.memory_space<vmem>>)
      "tpu.region"() ({
        %run_scoped3A_234 = tpu.sem_alloc : memref<!tpu.dma_semaphore, #tpu.memory_space<semaphore_mem>>
        %dma_start3A_235 = arith.constant 0 : i32
        %dma_start3A_236 = tpu.memref_slice %arg7[%add3A_201, %dma_start3A_235] : memref<40x128xi32, #tpu.memory_space<vmem>> -> memref<1x128xi32, #tpu.memory_space<vmem>>
        %dma_start3A_237 = tpu.memref_squeeze %dma_start3A_236 : memref<1x128xi32, #tpu.memory_space<vmem>> -> memref<128xi32, #tpu.memory_space<vmem>>
        %dma_start3A_238 = arith.constant 0 : i32
        %dma_start3A_239 = arith.constant 0 : i32
        %dma_start3A_240 = tpu.memref_slice %arg10[%dma_start3A_238, %dma_start3A_239] : memref<10240x128xf32, #tpu.memory_space<vmem_shared>> -> memref<10240x128xf32, #tpu.memory_space<vmem_shared>>
        tpu.enqueue_indirect_dma source(%arg8 : memref<128x128xf32, #tpu.memory_space<vmem>>) target(%dma_start3A_240 : memref<10240x128xf32, #tpu.memory_space<vmem_shared>>) offsets(%dma_start3A_237 : memref<128xi32, #tpu.memory_space<vmem>>) semaphore(%run_scoped3A_234 : memref<!tpu.dma_semaphore, #tpu.memory_space<semaphore_mem>>) {add = true}
        %dma_wait3A_241 = arith.constant 0 : i32
        %dma_wait3A_242 = tpu.memref_slice %arg7[%add3A_201, %dma_wait3A_241] : memref<40x128xi32, #tpu.memory_space<vmem>> -> memref<1x128xi32, #tpu.memory_space<vmem>>
        %dma_wait3A_243 = tpu.memref_squeeze %dma_wait3A_242 : memref<1x128xi32, #tpu.memory_space<vmem>> -> memref<128xi32, #tpu.memory_space<vmem>>
        %dma_wait3A_244 = arith.constant 0 : i32
        %dma_wait3A_245 = arith.constant 0 : i32
        %dma_wait3A_246 = tpu.memref_slice %arg10[%dma_wait3A_244, %dma_wait3A_245] : memref<10240x128xf32, #tpu.memory_space<vmem_shared>> -> memref<10240x128xf32, #tpu.memory_space<vmem_shared>>
        tpu.wait_indirect_dma semaphore(%run_scoped3A_234 : memref<!tpu.dma_semaphore, #tpu.memory_space<semaphore_mem>>) src(%arg8 : memref<128x128xf32, #tpu.memory_space<vmem>>) dst(%dma_wait3A_246 : memref<10240x128xf32, #tpu.memory_space<vmem_shared>>)
        tpu.yield
      }) : () -> ()
      %add3A_216 = arith.constant 2 : i32
      %add3A_217 = arith.addi %add3A_201, %add3A_216 : i32
      %dma_start3A_218 = arith.constant 0 : i32
      %dma_start3A_219 = tpu.memref_slice %arg6[%add3A_217, %dma_start3A_218] : memref<40x128xi32, #tpu.memory_space<vmem>> -> memref<1x128xi32, #tpu.memory_space<vmem>>
      %dma_start3A_220 = tpu.memref_squeeze %dma_start3A_219 : memref<1x128xi32, #tpu.memory_space<vmem>> -> memref<128xi32, #tpu.memory_space<vmem>>
      %dma_start3A_221 = arith.constant 0 : i32
      %dma_start3A_222 = arith.constant 0 : i32
      %dma_start3A_223 = tpu.memref_slice %arg2[%dma_start3A_221, %dma_start3A_222] : memref<10000x128xf32, #tpu.memory_space<hbm>> -> memref<10000x128xf32, #tpu.memory_space<hbm>>
      tpu.enqueue_indirect_dma source(%dma_start3A_223 : memref<10000x128xf32, #tpu.memory_space<hbm>>) target(%arg8 : memref<128x128xf32, #tpu.memory_space<vmem>>) offsets(%dma_start3A_220 : memref<128xi32, #tpu.memory_space<vmem>>) semaphore(%arg11 : memref<!tpu.dma_semaphore, #tpu.memory_space<semaphore_mem>>)
      %add3A_224 = arith.constant 1 : i32
      %add3A_225 = arith.addi %add3A_201, %add3A_224 : i32
      %dma_wait3A_226 = arith.constant 0 : i32
      %dma_wait3A_227 = tpu.memref_slice %arg6[%add3A_225, %dma_wait3A_226] : memref<40x128xi32, #tpu.memory_space<vmem>> -> memref<1x128xi32, #tpu.memory_space<vmem>>
      %dma_wait3A_228 = tpu.memref_squeeze %dma_wait3A_227 : memref<1x128xi32, #tpu.memory_space<vmem>> -> memref<128xi32, #tpu.memory_space<vmem>>
      %dma_wait3A_229 = arith.constant 0 : i32
      %dma_wait3A_230 = arith.constant 0 : i32
      %dma_wait3A_231 = tpu.memref_slice %arg2[%dma_wait3A_229, %dma_wait3A_230] : memref<10000x128xf32, #tpu.memory_space<hbm>> -> memref<10000x128xf32, #tpu.memory_space<hbm>>
      tpu.wait_indirect_dma semaphore(%arg12 : memref<!tpu.dma_semaphore, #tpu.memory_space<semaphore_mem>>) src(%dma_wait3A_231 : memref<10000x128xf32, #tpu.memory_space<hbm>>) dst(%arg9 : memref<128x128xf32, #tpu.memory_space<vmem>>)
      %add3A_232 = arith.constant 1 : i32
      %add3A_233 = arith.addi %add3A_201, %add3A_232 : i32
      "tpu.region"() ({
        %run_scoped3A_234 = tpu.sem_alloc : memref<!tpu.dma_semaphore, #tpu.memory_space<semaphore_mem>>
        %dma_start3A_235 = arith.constant 0 : i32
        %dma_start3A_236 = tpu.memref_slice %arg7[%add3A_233, %dma_start3A_235] : memref<40x128xi32, #tpu.memory_space<vmem>> -> memref<1x128xi32, #tpu.memory_space<vmem>>
        %dma_start3A_237 = tpu.memref_squeeze %dma_start3A_236 : memref<1x128xi32, #tpu.memory_space<vmem>> -> memref<128xi32, #tpu.memory_space<vmem>>
        %dma_start3A_238 = arith.constant 0 : i32
        %dma_start3A_239 = arith.constant 0 : i32
        %dma_start3A_240 = tpu.memref_slice %arg10[%dma_start3A_238, %dma_start3A_239] : memref<10240x128xf32, #tpu.memory_space<vmem_shared>> -> memref<10240x128xf32, #tpu.memory_space<vmem_shared>>
        tpu.enqueue_indirect_dma source(%arg9 : memref<128x128xf32, #tpu.memory_space<vmem>>) target(%dma_start3A_240 : memref<10240x128xf32, #tpu.memory_space<vmem_shared>>) offsets(%dma_start3A_237 : memref<128xi32, #tpu.memory_space<vmem>>) semaphore(%run_scoped3A_234 : memref<!tpu.dma_semaphore, #tpu.memory_space<semaphore_mem>>) {add = true}
        %dma_wait3A_241 = arith.constant 0 : i32
        %dma_wait3A_242 = tpu.memref_slice %arg7[%add3A_233, %dma_wait3A_241] : memref<40x128xi32, #tpu.memory_space<vmem>> -> memref<1x128xi32, #tpu.memory_space<vmem>>
        %dma_wait3A_243 = tpu.memref_squeeze %dma_wait3A_242 : memref<1x128xi32, #tpu.memory_space<vmem>> -> memref<128xi32, #tpu.memory_space<vmem>>
        %dma_wait3A_244 = arith.constant 0 : i32
        %dma_wait3A_245 = arith.constant 0 : i32
        %dma_wait3A_246 = tpu.memref_slice %arg10[%dma_wait3A_244, %dma_wait3A_245] : memref<10240x128xf32, #tpu.memory_space<vmem_shared>> -> memref<10240x128xf32, #tpu.memory_space<vmem_shared>>
        tpu.wait_indirect_dma semaphore(%run_scoped3A_234 : memref<!tpu.dma_semaphore, #tpu.memory_space<semaphore_mem>>) src(%arg9 : memref<128x128xf32, #tpu.memory_space<vmem>>) dst(%dma_wait3A_246 : memref<10240x128xf32, #tpu.memory_space<vmem_shared>>)
        tpu.yield
      }) : () -> ()
    }
    %scan3A_168 = arith.constant 19 : i32
    %dma_start3A_169 = arith.constant 39 : i32
    %dma_start3A_170 = arith.constant 0 : i32
    %dma_start3A_171 = tpu.memref_slice %arg6[%dma_start3A_169, %dma_start3A_170] : memref<40x128xi32, #tpu.memory_space<vmem>> -> memref<1x128xi32, #tpu.memory_space<vmem>>
    %dma_start3A_172 = tpu.memref_squeeze %dma_start3A_171 : memref<1x128xi32, #tpu.memory_space<vmem>> -> memref<128xi32, #tpu.memory_space<vmem>>
    %dma_start3A_173 = arith.constant 0 : i32
    %dma_start3A_174 = arith.constant 0 : i32
    %dma_start3A_175 = tpu.memref_slice %arg2[%dma_start3A_173, %dma_start3A_174] : memref<10000x128xf32, #tpu.memory_space<hbm>> -> memref<10000x128xf32, #tpu.memory_space<hbm>>
    tpu.enqueue_indirect_dma source(%dma_start3A_175 : memref<10000x128xf32, #tpu.memory_space<hbm>>) target(%arg9 : memref<128x128xf32, #tpu.memory_space<vmem>>) offsets(%dma_start3A_172 : memref<128xi32, #tpu.memory_space<vmem>>) semaphore(%arg12 : memref<!tpu.dma_semaphore, #tpu.memory_space<semaphore_mem>>)
    %dma_wait3A_176 = arith.constant 38 : i32
    %dma_wait3A_177 = arith.constant 0 : i32
    %dma_wait3A_178 = tpu.memref_slice %arg6[%dma_wait3A_176, %dma_wait3A_177] : memref<40x128xi32, #tpu.memory_space<vmem>> -> memref<1x128xi32, #tpu.memory_space<vmem>>
    %dma_wait3A_179 = tpu.memref_squeeze %dma_wait3A_178 : memref<1x128xi32, #tpu.memory_space<vmem>> -> memref<128xi32, #tpu.memory_space<vmem>>
    %dma_wait3A_180 = arith.constant 0 : i32
    %dma_wait3A_181 = arith.constant 0 : i32
    %dma_wait3A_182 = tpu.memref_slice %arg2[%dma_wait3A_180, %dma_wait3A_181] : memref<10000x128xf32, #tpu.memory_space<hbm>> -> memref<10000x128xf32, #tpu.memory_space<hbm>>
    tpu.wait_indirect_dma semaphore(%arg11 : memref<!tpu.dma_semaphore, #tpu.memory_space<semaphore_mem>>) src(%dma_wait3A_182 : memref<10000x128xf32, #tpu.memory_space<hbm>>) dst(%arg8 : memref<128x128xf32, #tpu.memory_space<vmem>>)
    %run_scoped3A_183 = arith.constant 38 : i32
    "tpu.region"() ({
      %run_scoped3A_197 = tpu.sem_alloc : memref<!tpu.dma_semaphore, #tpu.memory_space<semaphore_mem>>
      %dma_start3A_198 = arith.constant 0 : i32
      %dma_start3A_199 = tpu.memref_slice %arg7[%run_scoped3A_183, %dma_start3A_198] : memref<40x128xi32, #tpu.memory_space<vmem>> -> memref<1x128xi32, #tpu.memory_space<vmem>>
      %dma_start3A_200 = tpu.memref_squeeze %dma_start3A_199 : memref<1x128xi32, #tpu.memory_space<vmem>> -> memref<128xi32, #tpu.memory_space<vmem>>
      %dma_start3A_201 = arith.constant 0 : i32
      %dma_start3A_202 = arith.constant 0 : i32
      %dma_start3A_203 = tpu.memref_slice %arg10[%dma_start3A_201, %dma_start3A_202] : memref<10240x128xf32, #tpu.memory_space<vmem_shared>> -> memref<10240x128xf32, #tpu.memory_space<vmem_shared>>
      tpu.enqueue_indirect_dma source(%arg8 : memref<128x128xf32, #tpu.memory_space<vmem>>) target(%dma_start3A_203 : memref<10240x128xf32, #tpu.memory_space<vmem_shared>>) offsets(%dma_start3A_200 : memref<128xi32, #tpu.memory_space<vmem>>) semaphore(%run_scoped3A_197 : memref<!tpu.dma_semaphore, #tpu.memory_space<semaphore_mem>>) {add = true}
      %dma_wait3A_204 = arith.constant 0 : i32
      %dma_wait3A_205 = tpu.memref_slice %arg7[%run_scoped3A_183, %dma_wait3A_204] : memref<40x128xi32, #tpu.memory_space<vmem>> -> memref<1x128xi32, #tpu.memory_space<vmem>>
      %dma_wait3A_206 = tpu.memref_squeeze %dma_wait3A_205 : memref<1x128xi32, #tpu.memory_space<vmem>> -> memref<128xi32, #tpu.memory_space<vmem>>
      %dma_wait3A_207 = arith.constant 0 : i32
      %dma_wait3A_208 = arith.constant 0 : i32
      %dma_wait3A_209 = tpu.memref_slice %arg10[%dma_wait3A_207, %dma_wait3A_208] : memref<10240x128xf32, #tpu.memory_space<vmem_shared>> -> memref<10240x128xf32, #tpu.memory_space<vmem_shared>>
      tpu.wait_indirect_dma semaphore(%run_scoped3A_197 : memref<!tpu.dma_semaphore, #tpu.memory_space<semaphore_mem>>) src(%arg8 : memref<128x128xf32, #tpu.memory_space<vmem>>) dst(%dma_wait3A_209 : memref<10240x128xf32, #tpu.memory_space<vmem_shared>>)
      tpu.yield
    }) : () -> ()
    %dma_wait3A_184 = arith.constant 39 : i32
    %dma_wait3A_185 = arith.constant 0 : i32
    %dma_wait3A_186 = tpu.memref_slice %arg6[%dma_wait3A_184, %dma_wait3A_185] : memref<40x128xi32, #tpu.memory_space<vmem>> -> memref<1x128xi32, #tpu.memory_space<vmem>>
    %dma_wait3A_187 = tpu.memref_squeeze %dma_wait3A_186 : memref<1x128xi32, #tpu.memory_space<vmem>> -> memref<128xi32, #tpu.memory_space<vmem>>
    %dma_wait3A_188 = arith.constant 0 : i32
    %dma_wait3A_189 = arith.constant 0 : i32
    %dma_wait3A_190 = tpu.memref_slice %arg2[%dma_wait3A_188, %dma_wait3A_189] : memref<10000x128xf32, #tpu.memory_space<hbm>> -> memref<10000x128xf32, #tpu.memory_space<hbm>>
    tpu.wait_indirect_dma semaphore(%arg12 : memref<!tpu.dma_semaphore, #tpu.memory_space<semaphore_mem>>) src(%dma_wait3A_190 : memref<10000x128xf32, #tpu.memory_space<hbm>>) dst(%arg9 : memref<128x128xf32, #tpu.memory_space<vmem>>)
    %run_scoped3A_191 = arith.constant 39 : i32
    "tpu.region"() ({
      %run_scoped3A_197 = tpu.sem_alloc : memref<!tpu.dma_semaphore, #tpu.memory_space<semaphore_mem>>
      %dma_start3A_198 = arith.constant 0 : i32
      %dma_start3A_199 = tpu.memref_slice %arg7[%run_scoped3A_191, %dma_start3A_198] : memref<40x128xi32, #tpu.memory_space<vmem>> -> memref<1x128xi32, #tpu.memory_space<vmem>>
      %dma_start3A_200 = tpu.memref_squeeze %dma_start3A_199 : memref<1x128xi32, #tpu.memory_space<vmem>> -> memref<128xi32, #tpu.memory_space<vmem>>
      %dma_start3A_201 = arith.constant 0 : i32
      %dma_start3A_202 = arith.constant 0 : i32
      %dma_start3A_203 = tpu.memref_slice %arg10[%dma_start3A_201, %dma_start3A_202] : memref<10240x128xf32, #tpu.memory_space<vmem_shared>> -> memref<10240x128xf32, #tpu.memory_space<vmem_shared>>
      tpu.enqueue_indirect_dma source(%arg9 : memref<128x128xf32, #tpu.memory_space<vmem>>) target(%dma_start3A_203 : memref<10240x128xf32, #tpu.memory_space<vmem_shared>>) offsets(%dma_start3A_200 : memref<128xi32, #tpu.memory_space<vmem>>) semaphore(%run_scoped3A_197 : memref<!tpu.dma_semaphore, #tpu.memory_space<semaphore_mem>>) {add = true}
      %dma_wait3A_204 = arith.constant 0 : i32
      %dma_wait3A_205 = tpu.memref_slice %arg7[%run_scoped3A_191, %dma_wait3A_204] : memref<40x128xi32, #tpu.memory_space<vmem>> -> memref<1x128xi32, #tpu.memory_space<vmem>>
      %dma_wait3A_206 = tpu.memref_squeeze %dma_wait3A_205 : memref<1x128xi32, #tpu.memory_space<vmem>> -> memref<128xi32, #tpu.memory_space<vmem>>
      %dma_wait3A_207 = arith.constant 0 : i32
      %dma_wait3A_208 = arith.constant 0 : i32
      %dma_wait3A_209 = tpu.memref_slice %arg10[%dma_wait3A_207, %dma_wait3A_208] : memref<10240x128xf32, #tpu.memory_space<vmem_shared>> -> memref<10240x128xf32, #tpu.memory_space<vmem_shared>>
      tpu.wait_indirect_dma semaphore(%run_scoped3A_197 : memref<!tpu.dma_semaphore, #tpu.memory_space<semaphore_mem>>) src(%arg9 : memref<128x128xf32, #tpu.memory_space<vmem>>) dst(%dma_wait3A_209 : memref<10240x128xf32, #tpu.memory_space<vmem_shared>>)
      tpu.yield
    }) : () -> ()
    %barrier3A_192 = arith.constant 0 : index
    tpu.barrier barrier_id(%barrier3A_192)
    %mul3A_193 = arith.constant 624 : i32
    %mul3A_194 = arith.muli %arg1, %mul3A_193 : i32
    "tpu.region"() ({
      %run_scoped3A_197 = tpu.sem_alloc : memref<!tpu.dma_semaphore, #tpu.memory_space<semaphore_mem>>
      %dma_start3A_198 = arith.constant 0 : i32
      %dma_start3A_199 = arith.constant 0 : i32
      %dma_start3A_200 = tpu.memref_slice %arg5[%arg0, %dma_start3A_198, %dma_start3A_199] : memref<2x10000x128xf32, #tpu.memory_space<hbm>> -> memref<1x10000x128xf32, #tpu.memory_space<hbm>>
      %dma_start3A_201 = tpu.memref_squeeze %dma_start3A_200 : memref<1x10000x128xf32, #tpu.memory_space<hbm>> -> memref<10000x128xf32, #tpu.memory_space<hbm>>
      %dma_start3A_202 = arith.constant 0 : i32
      %dma_start3A_203 = tpu.memref_slice %dma_start3A_201[%mul3A_194, %dma_start3A_202] : memref<10000x128xf32, #tpu.memory_space<hbm>> -> memref<624x128xf32, #tpu.memory_space<hbm>>
      %dma_start3A_204 = arith.constant 0 : i32
      %dma_start3A_205 = tpu.memref_slice %arg10[%mul3A_194, %dma_start3A_204] : memref<10240x128xf32, #tpu.memory_space<vmem_shared>> -> memref<624x128xf32, #tpu.memory_space<vmem_shared>>
      tpu.enqueue_dma source(%dma_start3A_205 : memref<624x128xf32, #tpu.memory_space<vmem_shared>>) target(%dma_start3A_203 : memref<624x128xf32, #tpu.memory_space<hbm>>) target_semaphore(%run_scoped3A_197 : memref<!tpu.dma_semaphore, #tpu.memory_space<semaphore_mem>>)
      %dma_wait3A_206 = arith.constant 0 : i32
      %dma_wait3A_207 = arith.constant 0 : i32
      %dma_wait3A_208 = tpu.memref_slice %arg5[%arg0, %dma_wait3A_206, %dma_wait3A_207] : memref<2x10000x128xf32, #tpu.memory_space<hbm>> -> memref<1x10000x128xf32, #tpu.memory_space<hbm>>
      %dma_wait3A_209 = tpu.memref_squeeze %dma_wait3A_208 : memref<1x10000x128xf32, #tpu.memory_space<hbm>> -> memref<10000x128xf32, #tpu.memory_space<hbm>>
      %dma_wait3A_210 = arith.constant 0 : i32
      %dma_wait3A_211 = tpu.memref_slice %dma_wait3A_209[%mul3A_194, %dma_wait3A_210] : memref<10000x128xf32, #tpu.memory_space<hbm>> -> memref<624x128xf32, #tpu.memory_space<hbm>>
      %dma_wait3A_212 = arith.constant 0 : i32
      %dma_wait3A_213 = tpu.memref_slice %arg10[%mul3A_194, %dma_wait3A_212] : memref<10240x128xf32, #tpu.memory_space<vmem_shared>> -> memref<624x128xf32, #tpu.memory_space<vmem_shared>>
      tpu.wait_dma2 semaphore(%run_scoped3A_197 : memref<!tpu.dma_semaphore, #tpu.memory_space<semaphore_mem>>) src(%dma_wait3A_213 : memref<624x128xf32, #tpu.memory_space<vmem_shared>>) dst(%dma_wait3A_211 : memref<624x128xf32, #tpu.memory_space<hbm>>)
      tpu.yield
    }) : () -> ()
    %eq3A = arith.constant 0 : i32
    %eq3A_195 = arith.cmpi eq, %arg1, %eq3A : i32
    %convert_element_type3A = arith.extui %eq3A_195 : i1 to i32
    %cond3A = arith.constant 0 : i32
    %cond3A_196 = arith.cmpi ne, %convert_element_type3A, %cond3A : i32
    scf.if %cond3A_196 {
      "tpu.region"() ({
        %run_scoped3A_197 = tpu.sem_alloc : memref<!tpu.dma_semaphore, #tpu.memory_space<semaphore_mem>>
        %dma_start3A_198 = arith.constant 0 : i32
        %dma_start3A_199 = arith.constant 0 : i32
        %dma_start3A_200 = tpu.memref_slice %arg5[%arg0, %dma_start3A_198, %dma_start3A_199] : memref<2x10000x128xf32, #tpu.memory_space<hbm>> -> memref<1x10000x128xf32, #tpu.memory_space<hbm>>
        %dma_start3A_201 = tpu.memref_squeeze %dma_start3A_200 : memref<1x10000x128xf32, #tpu.memory_space<hbm>> -> memref<10000x128xf32, #tpu.memory_space<hbm>>
        %dma_start3A_202 = arith.constant 9984 : i32
        %dma_start3A_203 = arith.constant 0 : i32
        %dma_start3A_204 = tpu.memref_slice %dma_start3A_201[%dma_start3A_202, %dma_start3A_203] : memref<10000x128xf32, #tpu.memory_space<hbm>> -> memref<16x128xf32, #tpu.memory_space<hbm>>
        %dma_start3A_205 = arith.constant 9984 : i32
        %dma_start3A_206 = arith.constant 0 : i32
        %dma_start3A_207 = tpu.memref_slice %arg10[%dma_start3A_205, %dma_start3A_206] : memref<10240x128xf32, #tpu.memory_space<vmem_shared>> -> memref<16x128xf32, #tpu.memory_space<vmem_shared>>
        tpu.enqueue_dma source(%dma_start3A_207 : memref<16x128xf32, #tpu.memory_space<vmem_shared>>) target(%dma_start3A_204 : memref<16x128xf32, #tpu.memory_space<hbm>>) target_semaphore(%run_scoped3A_197 : memref<!tpu.dma_semaphore, #tpu.memory_space<semaphore_mem>>)
        %dma_wait3A_208 = arith.constant 0 : i32
        %dma_wait3A_209 = arith.constant 0 : i32
        %dma_wait3A_210 = tpu.memref_slice %arg5[%arg0, %dma_wait3A_208, %dma_wait3A_209] : memref<2x10000x128xf32, #tpu.memory_space<hbm>> -> memref<1x10000x128xf32, #tpu.memory_space<hbm>>
        %dma_wait3A_211 = tpu.memref_squeeze %dma_wait3A_210 : memref<1x10000x128xf32, #tpu.memory_space<hbm>> -> memref<10000x128xf32, #tpu.memory_space<hbm>>
        %dma_wait3A_212 = arith.constant 9984 : i32
        %dma_wait3A_213 = arith.constant 0 : i32
        %dma_wait3A_214 = tpu.memref_slice %dma_wait3A_211[%dma_wait3A_212, %dma_wait3A_213] : memref<10000x128xf32, #tpu.memory_space<hbm>> -> memref<16x128xf32, #tpu.memory_space<hbm>>
        %dma_wait3A_215 = arith.constant 9984 : i32
        %dma_wait3A_216 = arith.constant 0 : i32
        %dma_wait3A_217 = tpu.memref_slice %arg10[%dma_wait3A_215, %dma_wait3A_216] : memref<10240x128xf32, #tpu.memory_space<vmem_shared>> -> memref<16x128xf32, #tpu.memory_space<vmem_shared>>
        tpu.wait_dma2 semaphore(%run_scoped3A_197 : memref<!tpu.dma_semaphore, #tpu.memory_space<semaphore_mem>>) src(%dma_wait3A_217 : memref<16x128xf32, #tpu.memory_space<vmem_shared>>) dst(%dma_wait3A_214 : memref<16x128xf32, #tpu.memory_space<hbm>>)
        tpu.yield
      }) : () -> ()
    } else {
    }
    return
  }
}

#map = affine_map<(d0, d1) -> (0, 0)>
#map1 = affine_map<(d0, d1) -> (0, 0, 0)>
module attributes {stable_mosaic.version = 14 : i64} {
  func.func @_sc_segsum(%arg0: i32, %arg1: i32, %arg2: memref<10000x128xf32, #tpu.memory_space<hbm>>, %arg3: memref<32x80x128xi32, #tpu.memory_space<hbm>>, %arg4: memref<32x80x128xi32, #tpu.memory_space<hbm>>, %arg5: memref<2x10000x128xf32, #tpu.memory_space<hbm>>, %arg6: memref<40x128xi32, #tpu.memory_space<vmem>>, %arg7: memref<40x128xi32, #tpu.memory_space<vmem>>, %arg8: memref<128x128xf32, #tpu.memory_space<vmem>>, %arg9: memref<128x128xf32, #tpu.memory_space<vmem>>, %arg10: memref<10240x128xf32, #tpu.memory_space<vmem_shared>>, %arg11: memref<!tpu.dma_semaphore, #tpu.memory_space<semaphore_mem>>, %arg12: memref<!tpu.dma_semaphore, #tpu.memory_space<semaphore_mem>>, %arg13: memref<!tpu.dma_semaphore, #tpu.memory_space<semaphore_mem>>) attributes {dimension_semantics = [#tpu.dimension_semantics<core_parallel>, #tpu.dimension_semantics<subcore_parallel>], iteration_bounds = array<i64: 2, 16>, scalar_prefetch = 0 : i64, scratch_operands = 8 : i64, tpu.core_type = #tpu.core_type<sc_vector_subcore>, window_params = [{transform_indices = #map}, {transform_indices = #map1}, {transform_indices = #map1}, {transform_indices = #map1}]} {
    %mul3A = arith.constant 2 : i32
    %mul3A_0 = arith.muli %arg1, %mul3A : i32
    %add3A = arith.addi %mul3A_0, %arg0 : i32
    %broadcast_in_dim3A = arith.constant 0.000000e+00 : f32
    %broadcast_in_dim3A_1 = vector.broadcast %broadcast_in_dim3A : f32 to vector<16xf32>
    %scan3A = arith.constant 0 : i32
    %scan3A_2 = arith.constant 128 : i32
    %scan3A_3 = arith.addi %scan3A, %scan3A_2 : i32
    %scan3A_4 = arith.constant 1 : i32
    scf.for %scan3A_197 = %scan3A to %scan3A_3 step %scan3A_4  : i32 {
      %mul3A_198 = arith.constant 1 : i32
      %mul3A_199 = arith.muli %scan3A_197, %mul3A_198 : i32
      %add3A_200 = arith.constant 0 : i32
      %add3A_201 = arith.addi %add3A_200, %mul3A_199 : i32
      %scan3A_202 = arith.constant 0 : i32
      %scan3A_203 = arith.constant 8 : i32
      %scan3A_204 = arith.addi %scan3A_202, %scan3A_203 : i32
      %scan3A_205 = arith.constant 1 : i32
      scf.for %scan3A_207 = %scan3A_202 to %scan3A_204 step %scan3A_205  : i32 {
        %mul3A_208 = arith.constant 16 : i32
        %mul3A_209 = arith.muli %scan3A_207, %mul3A_208 : i32
        %add3A_210 = arith.constant 0 : i32
        %add3A_211 = arith.addi %add3A_210, %mul3A_209 : i32
        %swap3A = arith.index_cast %add3A_201 : i32 to index
        %swap3A_212 = arith.index_cast %add3A_211 : i32 to index
        %swap3A_213 = tpu.vector_load %arg8[%swap3A, %swap3A_212] {strides = array<i32>} : memref<128x128xf32, #tpu.memory_space<vmem>>, vector<1x16xf32>,
        %swap3A_214 = vector.shape_cast %swap3A_213 : vector<1x16xf32> to vector<16xf32>
        %swap3A_215 = vector.shape_cast %broadcast_in_dim3A_1 : vector<16xf32> to vector<1x16xf32>
        tpu.vector_store %arg8[%swap3A, %swap3A_212], %swap3A_215 {strides = array<i32>} : memref<128x128xf32, #tpu.memory_space<vmem>>, vector<1x16xf32>,
      }
      %scan3A_206 = arith.constant 8 : i32
    }
    %scan3A_5 = arith.constant 128 : i32
    %mul3A_6 = arith.constant 640 : i32
    %mul3A_7 = arith.muli %arg1, %mul3A_6 : i32
    %scan3A_8 = arith.constant 0 : i32
    %scan3A_9 = arith.constant 5 : i32
    %scan3A_10 = arith.addi %scan3A_8, %scan3A_9 : i32
    %scan3A_11 = arith.constant 1 : i32
    scf.for %scan3A_197 = %scan3A_8 to %scan3A_10 step %scan3A_11  : i32 {
      %mul3A_198 = arith.constant 128 : i32
      %mul3A_199 = arith.muli %scan3A_197, %mul3A_198 : i32
      %add3A_200 = arith.constant 0 : i32
      %add3A_201 = arith.addi %add3A_200, %mul3A_199 : i32
      %add3A_202 = arith.addi %mul3A_7, %add3A_201 : i32
      "tpu.region"() ({
        %run_scoped3A_203 = tpu.sem_alloc : memref<!tpu.dma_semaphore, #tpu.memory_space<semaphore_mem>>
        %dma_start3A_204 = arith.constant 0 : i32
        %dma_start3A_205 = tpu.memref_slice %arg10[%add3A_202, %dma_start3A_204] : memref<10240x128xf32, #tpu.memory_space<vmem_shared>> -> memref<128x128xf32, #tpu.memory_space<vmem_shared>>
        %dma_start3A_206 = arith.constant 0 : i32
        %dma_start3A_207 = tpu.memref_slice %arg10[%add3A_202, %dma_start3A_206] : memref<10240x128xf32, #tpu.memory_space<vmem_shared>> -> memref<128x128xf32, #tpu.memory_space<vmem_shared>>
        tpu.enqueue_dma source(%arg8 : memref<128x128xf32, #tpu.memory_space<vmem>>) target(%dma_start3A_207 : memref<128x128xf32, #tpu.memory_space<vmem_shared>>) target_semaphore(%run_scoped3A_203 : memref<!tpu.dma_semaphore, #tpu.memory_space<semaphore_mem>>)
        %dma_wait3A_208 = arith.constant 0 : i32
        %dma_wait3A_209 = tpu.memref_slice %arg10[%add3A_202, %dma_wait3A_208] : memref<10240x128xf32, #tpu.memory_space<vmem_shared>> -> memref<128x128xf32, #tpu.memory_space<vmem_shared>>
        %dma_wait3A_210 = arith.constant 0 : i32
        %dma_wait3A_211 = tpu.memref_slice %arg10[%add3A_202, %dma_wait3A_210] : memref<10240x128xf32, #tpu.memory_space<vmem_shared>> -> memref<128x128xf32, #tpu.memory_space<vmem_shared>>
        tpu.wait_dma2 semaphore(%run_scoped3A_203 : memref<!tpu.dma_semaphore, #tpu.memory_space<semaphore_mem>>) src(%arg8 : memref<128x128xf32, #tpu.memory_space<vmem>>) dst(%dma_wait3A_211 : memref<128x128xf32, #tpu.memory_space<vmem_shared>>)
        tpu.yield
      }) : () -> ()
    }
    %scan3A_12 = arith.constant 5 : i32
    %barrier3A = arith.constant 0 : index
    tpu.barrier barrier_id(%barrier3A)
    %dma_start3A = arith.constant 0 : i32
    %dma_start3A_13 = arith.constant 0 : i32
    %dma_start3A_14 = tpu.memref_slice %arg3[%add3A, %dma_start3A, %dma_start3A_13] : memref<32x80x128xi32, #tpu.memory_space<hbm>> -> memref<1x80x128xi32, #tpu.memory_space<hbm>>
    %dma_start3A_15 = tpu.memref_squeeze %dma_start3A_14 : memref<1x80x128xi32, #tpu.memory_space<hbm>> -> memref<80x128xi32, #tpu.memory_space<hbm>>
    %dma_start3A_16 = arith.constant 0 : i32
    %dma_start3A_17 = arith.constant 0 : i32
    %dma_start3A_18 = tpu.memref_slice %dma_start3A_15[%dma_start3A_16, %dma_start3A_17] : memref<80x128xi32, #tpu.memory_space<hbm>> -> memref<40x128xi32, #tpu.memory_space<hbm>>
    %dma_start3A_19 = arith.constant 0 : i32
    %dma_start3A_20 = arith.constant 0 : i32
    %dma_start3A_21 = tpu.memref_slice %arg3[%add3A, %dma_start3A_19, %dma_start3A_20] : memref<32x80x128xi32, #tpu.memory_space<hbm>> -> memref<1x80x128xi32, #tpu.memory_space<hbm>>
    %dma_start3A_22 = tpu.memref_squeeze %dma_start3A_21 : memref<1x80x128xi32, #tpu.memory_space<hbm>> -> memref<80x128xi32, #tpu.memory_space<hbm>>
    %dma_start3A_23 = arith.constant 0 : i32
    %dma_start3A_24 = arith.constant 0 : i32
    %dma_start3A_25 = tpu.memref_slice %dma_start3A_22[%dma_start3A_23, %dma_start3A_24] : memref<80x128xi32, #tpu.memory_space<hbm>> -> memref<40x128xi32, #tpu.memory_space<hbm>>
    tpu.enqueue_dma source(%dma_start3A_25 : memref<40x128xi32, #tpu.memory_space<hbm>>) target(%arg6 : memref<40x128xi32, #tpu.memory_space<vmem>>) target_semaphore(%arg13 : memref<!tpu.dma_semaphore, #tpu.memory_space<semaphore_mem>>)
    %dma_start3A_26 = arith.constant 0 : i32
    %dma_start3A_27 = arith.constant 0 : i32
    %dma_start3A_28 = tpu.memref_slice %arg4[%add3A, %dma_start3A_26, %dma_start3A_27] : memref<32x80x128xi32, #tpu.memory_space<hbm>> -> memref<1x80x128xi32, #tpu.memory_space<hbm>>
    %dma_start3A_29 = tpu.memref_squeeze %dma_start3A_28 : memref<1x80x128xi32, #tpu.memory_space<hbm>> -> memref<80x128xi32, #tpu.memory_space<hbm>>
    %dma_start3A_30 = arith.constant 0 : i32
    %dma_start3A_31 = arith.constant 0 : i32
    %dma_start3A_32 = tpu.memref_slice %dma_start3A_29[%dma_start3A_30, %dma_start3A_31] : memref<80x128xi32, #tpu.memory_space<hbm>> -> memref<40x128xi32, #tpu.memory_space<hbm>>
    %dma_start3A_33 = arith.constant 0 : i32
    %dma_start3A_34 = arith.constant 0 : i32
    %dma_start3A_35 = tpu.memref_slice %arg4[%add3A, %dma_start3A_33, %dma_start3A_34] : memref<32x80x128xi32, #tpu.memory_space<hbm>> -> memref<1x80x128xi32, #tpu.memory_space<hbm>>
    %dma_start3A_36 = tpu.memref_squeeze %dma_start3A_35 : memref<1x80x128xi32, #tpu.memory_space<hbm>> -> memref<80x128xi32, #tpu.memory_space<hbm>>
    %dma_start3A_37 = arith.constant 0 : i32
    %dma_start3A_38 = arith.constant 0 : i32
    %dma_start3A_39 = tpu.memref_slice %dma_start3A_36[%dma_start3A_37, %dma_start3A_38] : memref<80x128xi32, #tpu.memory_space<hbm>> -> memref<40x128xi32, #tpu.memory_space<hbm>>
    tpu.enqueue_dma source(%dma_start3A_39 : memref<40x128xi32, #tpu.memory_space<hbm>>) target(%arg7 : memref<40x128xi32, #tpu.memory_space<vmem>>) target_semaphore(%arg13 : memref<!tpu.dma_semaphore, #tpu.memory_space<semaphore_mem>>)
    %dma_wait3A = arith.constant 0 : i32
    %dma_wait3A_40 = arith.constant 0 : i32
    %dma_wait3A_41 = tpu.memref_slice %arg3[%add3A, %dma_wait3A, %dma_wait3A_40] : memref<32x80x128xi32, #tpu.memory_space<hbm>> -> memref<1x80x128xi32, #tpu.memory_space<hbm>>
    %dma_wait3A_42 = tpu.memref_squeeze %dma_wait3A_41 : memref<1x80x128xi32, #tpu.memory_space<hbm>> -> memref<80x128xi32, #tpu.memory_space<hbm>>
    %dma_wait3A_43 = arith.constant 0 : i32
    %dma_wait3A_44 = arith.constant 0 : i32
    %dma_wait3A_45 = tpu.memref_slice %dma_wait3A_42[%dma_wait3A_43, %dma_wait3A_44] : memref<80x128xi32, #tpu.memory_space<hbm>> -> memref<40x128xi32, #tpu.memory_space<hbm>>
    %dma_wait3A_46 = arith.constant 0 : i32
    %dma_wait3A_47 = arith.constant 0 : i32
    %dma_wait3A_48 = tpu.memref_slice %arg3[%add3A, %dma_wait3A_46, %dma_wait3A_47] : memref<32x80x128xi32, #tpu.memory_space<hbm>> -> memref<1x80x128xi32, #tpu.memory_space<hbm>>
    %dma_wait3A_49 = tpu.memref_squeeze %dma_wait3A_48 : memref<1x80x128xi32, #tpu.memory_space<hbm>> -> memref<80x128xi32, #tpu.memory_space<hbm>>
    %dma_wait3A_50 = arith.constant 0 : i32
    %dma_wait3A_51 = arith.constant 0 : i32
    %dma_wait3A_52 = tpu.memref_slice %dma_wait3A_49[%dma_wait3A_50, %dma_wait3A_51] : memref<80x128xi32, #tpu.memory_space<hbm>> -> memref<40x128xi32, #tpu.memory_space<hbm>>
    tpu.wait_dma2 semaphore(%arg13 : memref<!tpu.dma_semaphore, #tpu.memory_space<semaphore_mem>>) src(%dma_wait3A_52 : memref<40x128xi32, #tpu.memory_space<hbm>>) dst(%arg6 : memref<40x128xi32, #tpu.memory_space<vmem>>)
    %dma_wait3A_53 = arith.constant 0 : i32
    %dma_wait3A_54 = arith.constant 0 : i32
    %dma_wait3A_55 = tpu.memref_slice %arg4[%add3A, %dma_wait3A_53, %dma_wait3A_54] : memref<32x80x128xi32, #tpu.memory_space<hbm>> -> memref<1x80x128xi32, #tpu.memory_space<hbm>>
    %dma_wait3A_56 = tpu.memref_squeeze %dma_wait3A_55 : memref<1x80x128xi32, #tpu.memory_space<hbm>> -> memref<80x128xi32, #tpu.memory_space<hbm>>
    %dma_wait3A_57 = arith.constant 0 : i32
    %dma_wait3A_58 = arith.constant 0 : i32
    %dma_wait3A_59 = tpu.memref_slice %dma_wait3A_56[%dma_wait3A_57, %dma_wait3A_58] : memref<80x128xi32, #tpu.memory_space<hbm>> -> memref<40x128xi32, #tpu.memory_space<hbm>>
    %dma_wait3A_60 = arith.constant 0 : i32
    %dma_wait3A_61 = arith.constant 0 : i32
    %dma_wait3A_62 = tpu.memref_slice %arg4[%add3A, %dma_wait3A_60, %dma_wait3A_61] : memref<32x80x128xi32, #tpu.memory_space<hbm>> -> memref<1x80x128xi32, #tpu.memory_space<hbm>>
    %dma_wait3A_63 = tpu.memref_squeeze %dma_wait3A_62 : memref<1x80x128xi32, #tpu.memory_space<hbm>> -> memref<80x128xi32, #tpu.memory_space<hbm>>
    %dma_wait3A_64 = arith.constant 0 : i32
    %dma_wait3A_65 = arith.constant 0 : i32
    %dma_wait3A_66 = tpu.memref_slice %dma_wait3A_63[%dma_wait3A_64, %dma_wait3A_65] : memref<80x128xi32, #tpu.memory_space<hbm>> -> memref<40x128xi32, #tpu.memory_space<hbm>>
    tpu.wait_dma2 semaphore(%arg13 : memref<!tpu.dma_semaphore, #tpu.memory_space<semaphore_mem>>) src(%dma_wait3A_66 : memref<40x128xi32, #tpu.memory_space<hbm>>) dst(%arg7 : memref<40x128xi32, #tpu.memory_space<vmem>>)
    %dma_start3A_67 = arith.constant 0 : i32
    %dma_start3A_68 = arith.constant 0 : i32
    %dma_start3A_69 = tpu.memref_slice %arg6[%dma_start3A_67, %dma_start3A_68] : memref<40x128xi32, #tpu.memory_space<vmem>> -> memref<1x128xi32, #tpu.memory_space<vmem>>
    %dma_start3A_70 = tpu.memref_squeeze %dma_start3A_69 : memref<1x128xi32, #tpu.memory_space<vmem>> -> memref<128xi32, #tpu.memory_space<vmem>>
    %dma_start3A_71 = arith.constant 0 : i32
    %dma_start3A_72 = arith.constant 0 : i32
    %dma_start3A_73 = tpu.memref_slice %arg2[%dma_start3A_71, %dma_start3A_72] : memref<10000x128xf32, #tpu.memory_space<hbm>> -> memref<10000x128xf32, #tpu.memory_space<hbm>>
    tpu.enqueue_indirect_dma source(%dma_start3A_73 : memref<10000x128xf32, #tpu.memory_space<hbm>>) target(%arg8 : memref<128x128xf32, #tpu.memory_space<vmem>>) offsets(%dma_start3A_70 : memref<128xi32, #tpu.memory_space<vmem>>) semaphore(%arg11 : memref<!tpu.dma_semaphore, #tpu.memory_space<semaphore_mem>>)
    %scan3A_74 = arith.constant 0 : i32
    %scan3A_75 = arith.constant 19 : i32
    %scan3A_76 = arith.addi %scan3A_74, %scan3A_75 : i32
    %scan3A_77 = arith.constant 1 : i32
    scf.for %scan3A_197 = %scan3A_74 to %scan3A_76 step %scan3A_77  : i32 {
      %mul3A_198 = arith.constant 2 : i32
      %mul3A_199 = arith.muli %scan3A_197, %mul3A_198 : i32
      %add3A_200 = arith.constant 0 : i32
      %add3A_201 = arith.addi %add3A_200, %mul3A_199 : i32
      %add3A_202 = arith.constant 1 : i32
      %add3A_203 = arith.addi %add3A_201, %add3A_202 : i32
      %dma_start3A_204 = arith.constant 0 : i32
      %dma_start3A_205 = tpu.memref_slice %arg6[%add3A_203, %dma_start3A_204] : memref<40x128xi32, #tpu.memory_space<vmem>> -> memref<1x128xi32, #tpu.memory_space<vmem>>
      %dma_start3A_206 = tpu.memref_squeeze %dma_start3A_205 : memref<1x128xi32, #tpu.memory_space<vmem>> -> memref<128xi32, #tpu.memory_space<vmem>>
      %dma_start3A_207 = arith.constant 0 : i32
      %dma_start3A_208 = arith.constant 0 : i32
      %dma_start3A_209 = tpu.memref_slice %arg2[%dma_start3A_207, %dma_start3A_208] : memref<10000x128xf32, #tpu.memory_space<hbm>> -> memref<10000x128xf32, #tpu.memory_space<hbm>>
      tpu.enqueue_indirect_dma source(%dma_start3A_209 : memref<10000x128xf32, #tpu.memory_space<hbm>>) target(%arg9 : memref<128x128xf32, #tpu.memory_space<vmem>>) offsets(%dma_start3A_206 : memref<128xi32, #tpu.memory_space<vmem>>) semaphore(%arg12 : memref<!tpu.dma_semaphore, #tpu.memory_space<semaphore_mem>>)
      %dma_wait3A_210 = arith.constant 0 : i32
      %dma_wait3A_211 = tpu.memref_slice %arg6[%add3A_201, %dma_wait3A_210] : memref<40x128xi32, #tpu.memory_space<vmem>> -> memref<1x128xi32, #tpu.memory_space<vmem>>
      %dma_wait3A_212 = tpu.memref_squeeze %dma_wait3A_211 : memref<1x128xi32, #tpu.memory_space<vmem>> -> memref<128xi32, #tpu.memory_space<vmem>>
      %dma_wait3A_213 = arith.constant 0 : i32
      %dma_wait3A_214 = arith.constant 0 : i32
      %dma_wait3A_215 = tpu.memref_slice %arg2[%dma_wait3A_213, %dma_wait3A_214] : memref<10000x128xf32, #tpu.memory_space<hbm>> -> memref<10000x128xf32, #tpu.memory_space<hbm>>
      tpu.wait_indirect_dma semaphore(%arg11 : memref<!tpu.dma_semaphore, #tpu.memory_space<semaphore_mem>>) src(%dma_wait3A_215 : memref<10000x128xf32, #tpu.memory_space<hbm>>) dst(%arg8 : memref<128x128xf32, #tpu.memory_space<vmem>>)
      "tpu.region"() ({
        %run_scoped3A_234 = tpu.sem_alloc : memref<!tpu.dma_semaphore, #tpu.memory_space<semaphore_mem>>
        %dma_start3A_235 = arith.constant 0 : i32
        %dma_start3A_236 = tpu.memref_slice %arg7[%add3A_201, %dma_start3A_235] : memref<40x128xi32, #tpu.memory_space<vmem>> -> memref<1x128xi32, #tpu.memory_space<vmem>>
        %dma_start3A_237 = tpu.memref_squeeze %dma_start3A_236 : memref<1x128xi32, #tpu.memory_space<vmem>> -> memref<128xi32, #tpu.memory_space<vmem>>
        %dma_start3A_238 = arith.constant 0 : i32
        %dma_start3A_239 = arith.constant 0 : i32
        %dma_start3A_240 = tpu.memref_slice %arg10[%dma_start3A_238, %dma_start3A_239] : memref<10240x128xf32, #tpu.memory_space<vmem_shared>> -> memref<10240x128xf32, #tpu.memory_space<vmem_shared>>
        tpu.enqueue_indirect_dma source(%arg8 : memref<128x128xf32, #tpu.memory_space<vmem>>) target(%dma_start3A_240 : memref<10240x128xf32, #tpu.memory_space<vmem_shared>>) offsets(%dma_start3A_237 : memref<128xi32, #tpu.memory_space<vmem>>) semaphore(%run_scoped3A_234 : memref<!tpu.dma_semaphore, #tpu.memory_space<semaphore_mem>>) {add = true}
        %dma_wait3A_241 = arith.constant 0 : i32
        %dma_wait3A_242 = tpu.memref_slice %arg7[%add3A_201, %dma_wait3A_241] : memref<40x128xi32, #tpu.memory_space<vmem>> -> memref<1x128xi32, #tpu.memory_space<vmem>>
        %dma_wait3A_243 = tpu.memref_squeeze %dma_wait3A_242 : memref<1x128xi32, #tpu.memory_space<vmem>> -> memref<128xi32, #tpu.memory_space<vmem>>
        %dma_wait3A_244 = arith.constant 0 : i32
        %dma_wait3A_245 = arith.constant 0 : i32
        %dma_wait3A_246 = tpu.memref_slice %arg10[%dma_wait3A_244, %dma_wait3A_245] : memref<10240x128xf32, #tpu.memory_space<vmem_shared>> -> memref<10240x128xf32, #tpu.memory_space<vmem_shared>>
        tpu.wait_indirect_dma semaphore(%run_scoped3A_234 : memref<!tpu.dma_semaphore, #tpu.memory_space<semaphore_mem>>) src(%arg8 : memref<128x128xf32, #tpu.memory_space<vmem>>) dst(%dma_wait3A_246 : memref<10240x128xf32, #tpu.memory_space<vmem_shared>>)
        tpu.yield
      }) : () -> ()
      %add3A_216 = arith.constant 2 : i32
      %add3A_217 = arith.addi %add3A_201, %add3A_216 : i32
      %dma_start3A_218 = arith.constant 0 : i32
      %dma_start3A_219 = tpu.memref_slice %arg6[%add3A_217, %dma_start3A_218] : memref<40x128xi32, #tpu.memory_space<vmem>> -> memref<1x128xi32, #tpu.memory_space<vmem>>
      %dma_start3A_220 = tpu.memref_squeeze %dma_start3A_219 : memref<1x128xi32, #tpu.memory_space<vmem>> -> memref<128xi32, #tpu.memory_space<vmem>>
      %dma_start3A_221 = arith.constant 0 : i32
      %dma_start3A_222 = arith.constant 0 : i32
      %dma_start3A_223 = tpu.memref_slice %arg2[%dma_start3A_221, %dma_start3A_222] : memref<10000x128xf32, #tpu.memory_space<hbm>> -> memref<10000x128xf32, #tpu.memory_space<hbm>>
      tpu.enqueue_indirect_dma source(%dma_start3A_223 : memref<10000x128xf32, #tpu.memory_space<hbm>>) target(%arg8 : memref<128x128xf32, #tpu.memory_space<vmem>>) offsets(%dma_start3A_220 : memref<128xi32, #tpu.memory_space<vmem>>) semaphore(%arg11 : memref<!tpu.dma_semaphore, #tpu.memory_space<semaphore_mem>>)
      %add3A_224 = arith.constant 1 : i32
      %add3A_225 = arith.addi %add3A_201, %add3A_224 : i32
      %dma_wait3A_226 = arith.constant 0 : i32
      %dma_wait3A_227 = tpu.memref_slice %arg6[%add3A_225, %dma_wait3A_226] : memref<40x128xi32, #tpu.memory_space<vmem>> -> memref<1x128xi32, #tpu.memory_space<vmem>>
      %dma_wait3A_228 = tpu.memref_squeeze %dma_wait3A_227 : memref<1x128xi32, #tpu.memory_space<vmem>> -> memref<128xi32, #tpu.memory_space<vmem>>
      %dma_wait3A_229 = arith.constant 0 : i32
      %dma_wait3A_230 = arith.constant 0 : i32
      %dma_wait3A_231 = tpu.memref_slice %arg2[%dma_wait3A_229, %dma_wait3A_230] : memref<10000x128xf32, #tpu.memory_space<hbm>> -> memref<10000x128xf32, #tpu.memory_space<hbm>>
      tpu.wait_indirect_dma semaphore(%arg12 : memref<!tpu.dma_semaphore, #tpu.memory_space<semaphore_mem>>) src(%dma_wait3A_231 : memref<10000x128xf32, #tpu.memory_space<hbm>>) dst(%arg9 : memref<128x128xf32, #tpu.memory_space<vmem>>)
      %add3A_232 = arith.constant 1 : i32
      %add3A_233 = arith.addi %add3A_201, %add3A_232 : i32
      "tpu.region"() ({
        %run_scoped3A_234 = tpu.sem_alloc : memref<!tpu.dma_semaphore, #tpu.memory_space<semaphore_mem>>
        %dma_start3A_235 = arith.constant 0 : i32
        %dma_start3A_236 = tpu.memref_slice %arg7[%add3A_233, %dma_start3A_235] : memref<40x128xi32, #tpu.memory_space<vmem>> -> memref<1x128xi32, #tpu.memory_space<vmem>>
        %dma_start3A_237 = tpu.memref_squeeze %dma_start3A_236 : memref<1x128xi32, #tpu.memory_space<vmem>> -> memref<128xi32, #tpu.memory_space<vmem>>
        %dma_start3A_238 = arith.constant 0 : i32
        %dma_start3A_239 = arith.constant 0 : i32
        %dma_start3A_240 = tpu.memref_slice %arg10[%dma_start3A_238, %dma_start3A_239] : memref<10240x128xf32, #tpu.memory_space<vmem_shared>> -> memref<10240x128xf32, #tpu.memory_space<vmem_shared>>
        tpu.enqueue_indirect_dma source(%arg9 : memref<128x128xf32, #tpu.memory_space<vmem>>) target(%dma_start3A_240 : memref<10240x128xf32, #tpu.memory_space<vmem_shared>>) offsets(%dma_start3A_237 : memref<128xi32, #tpu.memory_space<vmem>>) semaphore(%run_scoped3A_234 : memref<!tpu.dma_semaphore, #tpu.memory_space<semaphore_mem>>) {add = true}
        %dma_wait3A_241 = arith.constant 0 : i32
        %dma_wait3A_242 = tpu.memref_slice %arg7[%add3A_233, %dma_wait3A_241] : memref<40x128xi32, #tpu.memory_space<vmem>> -> memref<1x128xi32, #tpu.memory_space<vmem>>
        %dma_wait3A_243 = tpu.memref_squeeze %dma_wait3A_242 : memref<1x128xi32, #tpu.memory_space<vmem>> -> memref<128xi32, #tpu.memory_space<vmem>>
        %dma_wait3A_244 = arith.constant 0 : i32
        %dma_wait3A_245 = arith.constant 0 : i32
        %dma_wait3A_246 = tpu.memref_slice %arg10[%dma_wait3A_244, %dma_wait3A_245] : memref<10240x128xf32, #tpu.memory_space<vmem_shared>> -> memref<10240x128xf32, #tpu.memory_space<vmem_shared>>
        tpu.wait_indirect_dma semaphore(%run_scoped3A_234 : memref<!tpu.dma_semaphore, #tpu.memory_space<semaphore_mem>>) src(%arg9 : memref<128x128xf32, #tpu.memory_space<vmem>>) dst(%dma_wait3A_246 : memref<10240x128xf32, #tpu.memory_space<vmem_shared>>)
        tpu.yield
      }) : () -> ()
    }
    %scan3A_78 = arith.constant 19 : i32
    %dma_start3A_79 = arith.constant 39 : i32
    %dma_start3A_80 = arith.constant 0 : i32
    %dma_start3A_81 = tpu.memref_slice %arg6[%dma_start3A_79, %dma_start3A_80] : memref<40x128xi32, #tpu.memory_space<vmem>> -> memref<1x128xi32, #tpu.memory_space<vmem>>
    %dma_start3A_82 = tpu.memref_squeeze %dma_start3A_81 : memref<1x128xi32, #tpu.memory_space<vmem>> -> memref<128xi32, #tpu.memory_space<vmem>>
    %dma_start3A_83 = arith.constant 0 : i32
    %dma_start3A_84 = arith.constant 0 : i32
    %dma_start3A_85 = tpu.memref_slice %arg2[%dma_start3A_83, %dma_start3A_84] : memref<10000x128xf32, #tpu.memory_space<hbm>> -> memref<10000x128xf32, #tpu.memory_space<hbm>>
    tpu.enqueue_indirect_dma source(%dma_start3A_85 : memref<10000x128xf32, #tpu.memory_space<hbm>>) target(%arg9 : memref<128x128xf32, #tpu.memory_space<vmem>>) offsets(%dma_start3A_82 : memref<128xi32, #tpu.memory_space<vmem>>) semaphore(%arg12 : memref<!tpu.dma_semaphore, #tpu.memory_space<semaphore_mem>>)
    %dma_wait3A_86 = arith.constant 38 : i32
    %dma_wait3A_87 = arith.constant 0 : i32
    %dma_wait3A_88 = tpu.memref_slice %arg6[%dma_wait3A_86, %dma_wait3A_87] : memref<40x128xi32, #tpu.memory_space<vmem>> -> memref<1x128xi32, #tpu.memory_space<vmem>>
    %dma_wait3A_89 = tpu.memref_squeeze %dma_wait3A_88 : memref<1x128xi32, #tpu.memory_space<vmem>> -> memref<128xi32, #tpu.memory_space<vmem>>
    %dma_wait3A_90 = arith.constant 0 : i32
    %dma_wait3A_91 = arith.constant 0 : i32
    %dma_wait3A_92 = tpu.memref_slice %arg2[%dma_wait3A_90, %dma_wait3A_91] : memref<10000x128xf32, #tpu.memory_space<hbm>> -> memref<10000x128xf32, #tpu.memory_space<hbm>>
    tpu.wait_indirect_dma semaphore(%arg11 : memref<!tpu.dma_semaphore, #tpu.memory_space<semaphore_mem>>) src(%dma_wait3A_92 : memref<10000x128xf32, #tpu.memory_space<hbm>>) dst(%arg8 : memref<128x128xf32, #tpu.memory_space<vmem>>)
    %run_scoped3A = arith.constant 38 : i32
    "tpu.region"() ({
      %run_scoped3A_197 = tpu.sem_alloc : memref<!tpu.dma_semaphore, #tpu.memory_space<semaphore_mem>>
      %dma_start3A_198 = arith.constant 0 : i32
      %dma_start3A_199 = tpu.memref_slice %arg7[%run_scoped3A, %dma_start3A_198] : memref<40x128xi32, #tpu.memory_space<vmem>> -> memref<1x128xi32, #tpu.memory_space<vmem>>
      %dma_start3A_200 = tpu.memref_squeeze %dma_start3A_199 : memref<1x128xi32, #tpu.memory_space<vmem>> -> memref<128xi32, #tpu.memory_space<vmem>>
      %dma_start3A_201 = arith.constant 0 : i32
      %dma_start3A_202 = arith.constant 0 : i32
      %dma_start3A_203 = tpu.memref_slice %arg10[%dma_start3A_201, %dma_start3A_202] : memref<10240x128xf32, #tpu.memory_space<vmem_shared>> -> memref<10240x128xf32, #tpu.memory_space<vmem_shared>>
      tpu.enqueue_indirect_dma source(%arg8 : memref<128x128xf32, #tpu.memory_space<vmem>>) target(%dma_start3A_203 : memref<10240x128xf32, #tpu.memory_space<vmem_shared>>) offsets(%dma_start3A_200 : memref<128xi32, #tpu.memory_space<vmem>>) semaphore(%run_scoped3A_197 : memref<!tpu.dma_semaphore, #tpu.memory_space<semaphore_mem>>) {add = true}
      %dma_wait3A_204 = arith.constant 0 : i32
      %dma_wait3A_205 = tpu.memref_slice %arg7[%run_scoped3A, %dma_wait3A_204] : memref<40x128xi32, #tpu.memory_space<vmem>> -> memref<1x128xi32, #tpu.memory_space<vmem>>
      %dma_wait3A_206 = tpu.memref_squeeze %dma_wait3A_205 : memref<1x128xi32, #tpu.memory_space<vmem>> -> memref<128xi32, #tpu.memory_space<vmem>>
      %dma_wait3A_207 = arith.constant 0 : i32
      %dma_wait3A_208 = arith.constant 0 : i32
      %dma_wait3A_209 = tpu.memref_slice %arg10[%dma_wait3A_207, %dma_wait3A_208] : memref<10240x128xf32, #tpu.memory_space<vmem_shared>> -> memref<10240x128xf32, #tpu.memory_space<vmem_shared>>
      tpu.wait_indirect_dma semaphore(%run_scoped3A_197 : memref<!tpu.dma_semaphore, #tpu.memory_space<semaphore_mem>>) src(%arg8 : memref<128x128xf32, #tpu.memory_space<vmem>>) dst(%dma_wait3A_209 : memref<10240x128xf32, #tpu.memory_space<vmem_shared>>)
      tpu.yield
    }) : () -> ()
    %dma_wait3A_93 = arith.constant 39 : i32
    %dma_wait3A_94 = arith.constant 0 : i32
    %dma_wait3A_95 = tpu.memref_slice %arg6[%dma_wait3A_93, %dma_wait3A_94] : memref<40x128xi32, #tpu.memory_space<vmem>> -> memref<1x128xi32, #tpu.memory_space<vmem>>
    %dma_wait3A_96 = tpu.memref_squeeze %dma_wait3A_95 : memref<1x128xi32, #tpu.memory_space<vmem>> -> memref<128xi32, #tpu.memory_space<vmem>>
    %dma_wait3A_97 = arith.constant 0 : i32
    %dma_wait3A_98 = arith.constant 0 : i32
    %dma_wait3A_99 = tpu.memref_slice %arg2[%dma_wait3A_97, %dma_wait3A_98] : memref<10000x128xf32, #tpu.memory_space<hbm>> -> memref<10000x128xf32, #tpu.memory_space<hbm>>
    tpu.wait_indirect_dma semaphore(%arg12 : memref<!tpu.dma_semaphore, #tpu.memory_space<semaphore_mem>>) src(%dma_wait3A_99 : memref<10000x128xf32, #tpu.memory_space<hbm>>) dst(%arg9 : memref<128x128xf32, #tpu.memory_space<vmem>>)
    %run_scoped3A_100 = arith.constant 39 : i32
    "tpu.region"() ({
      %run_scoped3A_197 = tpu.sem_alloc : memref<!tpu.dma_semaphore, #tpu.memory_space<semaphore_mem>>
      %dma_start3A_198 = arith.constant 0 : i32
      %dma_start3A_199 = tpu.memref_slice %arg7[%run_scoped3A_100, %dma_start3A_198] : memref<40x128xi32, #tpu.memory_space<vmem>> -> memref<1x128xi32, #tpu.memory_space<vmem>>
      %dma_start3A_200 = tpu.memref_squeeze %dma_start3A_199 : memref<1x128xi32, #tpu.memory_space<vmem>> -> memref<128xi32, #tpu.memory_space<vmem>>
      %dma_start3A_201 = arith.constant 0 : i32
      %dma_start3A_202 = arith.constant 0 : i32
      %dma_start3A_203 = tpu.memref_slice %arg10[%dma_start3A_201, %dma_start3A_202] : memref<10240x128xf32, #tpu.memory_space<vmem_shared>> -> memref<10240x128xf32, #tpu.memory_space<vmem_shared>>
      tpu.enqueue_indirect_dma source(%arg9 : memref<128x128xf32, #tpu.memory_space<vmem>>) target(%dma_start3A_203 : memref<10240x128xf32, #tpu.memory_space<vmem_shared>>) offsets(%dma_start3A_200 : memref<128xi32, #tpu.memory_space<vmem>>) semaphore(%run_scoped3A_197 : memref<!tpu.dma_semaphore, #tpu.memory_space<semaphore_mem>>) {add = true}
      %dma_wait3A_204 = arith.constant 0 : i32
      %dma_wait3A_205 = tpu.memref_slice %arg7[%run_scoped3A_100, %dma_wait3A_204] : memref<40x128xi32, #tpu.memory_space<vmem>> -> memref<1x128xi32, #tpu.memory_space<vmem>>
      %dma_wait3A_206 = tpu.memref_squeeze %dma_wait3A_205 : memref<1x128xi32, #tpu.memory_space<vmem>> -> memref<128xi32, #tpu.memory_space<vmem>>
      %dma_wait3A_207 = arith.constant 0 : i32
      %dma_wait3A_208 = arith.constant 0 : i32
      %dma_wait3A_209 = tpu.memref_slice %arg10[%dma_wait3A_207, %dma_wait3A_208] : memref<10240x128xf32, #tpu.memory_space<vmem_shared>> -> memref<10240x128xf32, #tpu.memory_space<vmem_shared>>
      tpu.wait_indirect_dma semaphore(%run_scoped3A_197 : memref<!tpu.dma_semaphore, #tpu.memory_space<semaphore_mem>>) src(%arg9 : memref<128x128xf32, #tpu.memory_space<vmem>>) dst(%dma_wait3A_209 : memref<10240x128xf32, #tpu.memory_space<vmem_shared>>)
      tpu.yield
    }) : () -> ()
    %dma_start3A_101 = arith.constant 0 : i32
    %dma_start3A_102 = arith.constant 0 : i32
    %dma_start3A_103 = tpu.memref_slice %arg3[%add3A, %dma_start3A_101, %dma_start3A_102] : memref<32x80x128xi32, #tpu.memory_space<hbm>> -> memref<1x80x128xi32, #tpu.memory_space<hbm>>
    %dma_start3A_104 = tpu.memref_squeeze %dma_start3A_103 : memref<1x80x128xi32, #tpu.memory_space<hbm>> -> memref<80x128xi32, #tpu.memory_space<hbm>>
    %dma_start3A_105 = arith.constant 40 : i32
    %dma_start3A_106 = arith.constant 0 : i32
    %dma_start3A_107 = tpu.memref_slice %dma_start3A_104[%dma_start3A_105, %dma_start3A_106] : memref<80x128xi32, #tpu.memory_space<hbm>> -> memref<40x128xi32, #tpu.memory_space<hbm>>
    %dma_start3A_108 = arith.constant 0 : i32
    %dma_start3A_109 = arith.constant 0 : i32
    %dma_start3A_110 = tpu.memref_slice %arg3[%add3A, %dma_start3A_108, %dma_start3A_109] : memref<32x80x128xi32, #tpu.memory_space<hbm>> -> memref<1x80x128xi32, #tpu.memory_space<hbm>>
    %dma_start3A_111 = tpu.memref_squeeze %dma_start3A_110 : memref<1x80x128xi32, #tpu.memory_space<hbm>> -> memref<80x128xi32, #tpu.memory_space<hbm>>
    %dma_start3A_112 = arith.constant 40 : i32
    %dma_start3A_113 = arith.constant 0 : i32
    %dma_start3A_114 = tpu.memref_slice %dma_start3A_111[%dma_start3A_112, %dma_start3A_113] : memref<80x128xi32, #tpu.memory_space<hbm>> -> memref<40x128xi32, #tpu.memory_space<hbm>>
    tpu.enqueue_dma source(%dma_start3A_114 : memref<40x128xi32, #tpu.memory_space<hbm>>) target(%arg6 : memref<40x128xi32, #tpu.memory_space<vmem>>) target_semaphore(%arg13 : memref<!tpu.dma_semaphore, #tpu.memory_space<semaphore_mem>>)
    %dma_start3A_115 = arith.constant 0 : i32
    %dma_start3A_116 = arith.constant 0 : i32
    %dma_start3A_117 = tpu.memref_slice %arg4[%add3A, %dma_start3A_115, %dma_start3A_116] : memref<32x80x128xi32, #tpu.memory_space<hbm>> -> memref<1x80x128xi32, #tpu.memory_space<hbm>>
    %dma_start3A_118 = tpu.memref_squeeze %dma_start3A_117 : memref<1x80x128xi32, #tpu.memory_space<hbm>> -> memref<80x128xi32, #tpu.memory_space<hbm>>
    %dma_start3A_119 = arith.constant 40 : i32
    %dma_start3A_120 = arith.constant 0 : i32
    %dma_start3A_121 = tpu.memref_slice %dma_start3A_118[%dma_start3A_119, %dma_start3A_120] : memref<80x128xi32, #tpu.memory_space<hbm>> -> memref<40x128xi32, #tpu.memory_space<hbm>>
    %dma_start3A_122 = arith.constant 0 : i32
    %dma_start3A_123 = arith.constant 0 : i32
    %dma_start3A_124 = tpu.memref_slice %arg4[%add3A, %dma_start3A_122, %dma_start3A_123] : memref<32x80x128xi32, #tpu.memory_space<hbm>> -> memref<1x80x128xi32, #tpu.memory_space<hbm>>
    %dma_start3A_125 = tpu.memref_squeeze %dma_start3A_124 : memref<1x80x128xi32, #tpu.memory_space<hbm>> -> memref<80x128xi32, #tpu.memory_space<hbm>>
    %dma_start3A_126 = arith.constant 40 : i32
    %dma_start3A_127 = arith.constant 0 : i32
    %dma_start3A_128 = tpu.memref_slice %dma_start3A_125[%dma_start3A_126, %dma_start3A_127] : memref<80x128xi32, #tpu.memory_space<hbm>> -> memref<40x128xi32, #tpu.memory_space<hbm>>
    tpu.enqueue_dma source(%dma_start3A_128 : memref<40x128xi32, #tpu.memory_space<hbm>>) target(%arg7 : memref<40x128xi32, #tpu.memory_space<vmem>>) target_semaphore(%arg13 : memref<!tpu.dma_semaphore, #tpu.memory_space<semaphore_mem>>)
    %dma_wait3A_129 = arith.constant 0 : i32
    %dma_wait3A_130 = arith.constant 0 : i32
    %dma_wait3A_131 = tpu.memref_slice %arg3[%add3A, %dma_wait3A_129, %dma_wait3A_130] : memref<32x80x128xi32, #tpu.memory_space<hbm>> -> memref<1x80x128xi32, #tpu.memory_space<hbm>>
    %dma_wait3A_132 = tpu.memref_squeeze %dma_wait3A_131 : memref<1x80x128xi32, #tpu.memory_space<hbm>> -> memref<80x128xi32, #tpu.memory_space<hbm>>
    %dma_wait3A_133 = arith.constant 40 : i32
    %dma_wait3A_134 = arith.constant 0 : i32
    %dma_wait3A_135 = tpu.memref_slice %dma_wait3A_132[%dma_wait3A_133, %dma_wait3A_134] : memref<80x128xi32, #tpu.memory_space<hbm>> -> memref<40x128xi32, #tpu.memory_space<hbm>>
    %dma_wait3A_136 = arith.constant 0 : i32
    %dma_wait3A_137 = arith.constant 0 : i32
    %dma_wait3A_138 = tpu.memref_slice %arg3[%add3A, %dma_wait3A_136, %dma_wait3A_137] : memref<32x80x128xi32, #tpu.memory_space<hbm>> -> memref<1x80x128xi32, #tpu.memory_space<hbm>>
    %dma_wait3A_139 = tpu.memref_squeeze %dma_wait3A_138 : memref<1x80x128xi32, #tpu.memory_space<hbm>> -> memref<80x128xi32, #tpu.memory_space<hbm>>
    %dma_wait3A_140 = arith.constant 40 : i32
    %dma_wait3A_141 = arith.constant 0 : i32
    %dma_wait3A_142 = tpu.memref_slice %dma_wait3A_139[%dma_wait3A_140, %dma_wait3A_141] : memref<80x128xi32, #tpu.memory_space<hbm>> -> memref<40x128xi32, #tpu.memory_space<hbm>>
    tpu.wait_dma2 semaphore(%arg13 : memref<!tpu.dma_semaphore, #tpu.memory_space<semaphore_mem>>) src(%dma_wait3A_142 : memref<40x128xi32, #tpu.memory_space<hbm>>) dst(%arg6 : memref<40x128xi32, #tpu.memory_space<vmem>>)
    %dma_wait3A_143 = arith.constant 0 : i32
    %dma_wait3A_144 = arith.constant 0 : i32
    %dma_wait3A_145 = tpu.memref_slice %arg4[%add3A, %dma_wait3A_143, %dma_wait3A_144] : memref<32x80x128xi32, #tpu.memory_space<hbm>> -> memref<1x80x128xi32, #tpu.memory_space<hbm>>
    %dma_wait3A_146 = tpu.memref_squeeze %dma_wait3A_145 : memref<1x80x128xi32, #tpu.memory_space<hbm>> -> memref<80x128xi32, #tpu.memory_space<hbm>>
    %dma_wait3A_147 = arith.constant 40 : i32
    %dma_wait3A_148 = arith.constant 0 : i32
    %dma_wait3A_149 = tpu.memref_slice %dma_wait3A_146[%dma_wait3A_147, %dma_wait3A_148] : memref<80x128xi32, #tpu.memory_space<hbm>> -> memref<40x128xi32, #tpu.memory_space<hbm>>
    %dma_wait3A_150 = arith.constant 0 : i32
    %dma_wait3A_151 = arith.constant 0 : i32
    %dma_wait3A_152 = tpu.memref_slice %arg4[%add3A, %dma_wait3A_150, %dma_wait3A_151] : memref<32x80x128xi32, #tpu.memory_space<hbm>> -> memref<1x80x128xi32, #tpu.memory_space<hbm>>
    %dma_wait3A_153 = tpu.memref_squeeze %dma_wait3A_152 : memref<1x80x128xi32, #tpu.memory_space<hbm>> -> memref<80x128xi32, #tpu.memory_space<hbm>>
    %dma_wait3A_154 = arith.constant 40 : i32
    %dma_wait3A_155 = arith.constant 0 : i32
    %dma_wait3A_156 = tpu.memref_slice %dma_wait3A_153[%dma_wait3A_154, %dma_wait3A_155] : memref<80x128xi32, #tpu.memory_space<hbm>> -> memref<40x128xi32, #tpu.memory_space<hbm>>
    tpu.wait_dma2 semaphore(%arg13 : memref<!tpu.dma_semaphore, #tpu.memory_space<semaphore_mem>>) src(%dma_wait3A_156 : memref<40x128xi32, #tpu.memory_space<hbm>>) dst(%arg7 : memref<40x128xi32, #tpu.memory_space<vmem>>)
    %dma_start3A_157 = arith.constant 0 : i32
    %dma_start3A_158 = arith.constant 0 : i32
    %dma_start3A_159 = tpu.memref_slice %arg6[%dma_start3A_157, %dma_start3A_158] : memref<40x128xi32, #tpu.memory_space<vmem>> -> memref<1x128xi32, #tpu.memory_space<vmem>>
    %dma_start3A_160 = tpu.memref_squeeze %dma_start3A_159 : memref<1x128xi32, #tpu.memory_space<vmem>> -> memref<128xi32, #tpu.memory_space<vmem>>
    %dma_start3A_161 = arith.constant 0 : i32
    %dma_start3A_162 = arith.constant 0 : i32
    %dma_start3A_163 = tpu.memref_slice %arg2[%dma_start3A_161, %dma_start3A_162] : memref<10000x128xf32, #tpu.memory_space<hbm>> -> memref<10000x128xf32, #tpu.memory_space<hbm>>
    tpu.enqueue_indirect_dma source(%dma_start3A_163 : memref<10000x128xf32, #tpu.memory_space<hbm>>) target(%arg8 : memref<128x128xf32, #tpu.memory_space<vmem>>) offsets(%dma_start3A_160 : memref<128xi32, #tpu.memory_space<vmem>>) semaphore(%arg11 : memref<!tpu.dma_semaphore, #tpu.memory_space<semaphore_mem>>)
    %scan3A_164 = arith.constant 0 : i32
    %scan3A_165 = arith.constant 19 : i32
    %scan3A_166 = arith.addi %scan3A_164, %scan3A_165 : i32
    %scan3A_167 = arith.constant 1 : i32
    scf.for %scan3A_197 = %scan3A_164 to %scan3A_166 step %scan3A_167  : i32 {
      %mul3A_198 = arith.constant 2 : i32
      %mul3A_199 = arith.muli %scan3A_197, %mul3A_198 : i32
      %add3A_200 = arith.constant 0 : i32
      %add3A_201 = arith.addi %add3A_200, %mul3A_199 : i32
      %add3A_202 = arith.constant 1 : i32
      %add3A_203 = arith.addi %add3A_201, %add3A_202 : i32
      %dma_start3A_204 = arith.constant 0 : i32
      %dma_start3A_205 = tpu.memref_slice %arg6[%add3A_203, %dma_start3A_204] : memref<40x128xi32, #tpu.memory_space<vmem>> -> memref<1x128xi32, #tpu.memory_space<vmem>>
      %dma_start3A_206 = tpu.memref_squeeze %dma_start3A_205 : memref<1x128xi32, #tpu.memory_space<vmem>> -> memref<128xi32, #tpu.memory_space<vmem>>
      %dma_start3A_207 = arith.constant 0 : i32
      %dma_start3A_208 = arith.constant 0 : i32
      %dma_start3A_209 = tpu.memref_slice %arg2[%dma_start3A_207, %dma_start3A_208] : memref<10000x128xf32, #tpu.memory_space<hbm>> -> memref<10000x128xf32, #tpu.memory_space<hbm>>
      tpu.enqueue_indirect_dma source(%dma_start3A_209 : memref<10000x128xf32, #tpu.memory_space<hbm>>) target(%arg9 : memref<128x128xf32, #tpu.memory_space<vmem>>) offsets(%dma_start3A_206 : memref<128xi32, #tpu.memory_space<vmem>>) semaphore(%arg12 : memref<!tpu.dma_semaphore, #tpu.memory_space<semaphore_mem>>)
      %dma_wait3A_210 = arith.constant 0 : i32
      %dma_wait3A_211 = tpu.memref_slice %arg6[%add3A_201, %dma_wait3A_210] : memref<40x128xi32, #tpu.memory_space<vmem>> -> memref<1x128xi32, #tpu.memory_space<vmem>>
      %dma_wait3A_212 = tpu.memref_squeeze %dma_wait3A_211 : memref<1x128xi32, #tpu.memory_space<vmem>> -> memref<128xi32, #tpu.memory_space<vmem>>
      %dma_wait3A_213 = arith.constant 0 : i32
      %dma_wait3A_214 = arith.constant 0 : i32
      %dma_wait3A_215 = tpu.memref_slice %arg2[%dma_wait3A_213, %dma_wait3A_214] : memref<10000x128xf32, #tpu.memory_space<hbm>> -> memref<10000x128xf32, #tpu.memory_space<hbm>>
      tpu.wait_indirect_dma semaphore(%arg11 : memref<!tpu.dma_semaphore, #tpu.memory_space<semaphore_mem>>) src(%dma_wait3A_215 : memref<10000x128xf32, #tpu.memory_space<hbm>>) dst(%arg8 : memref<128x128xf32, #tpu.memory_space<vmem>>)
      "tpu.region"() ({
        %run_scoped3A_234 = tpu.sem_alloc : memref<!tpu.dma_semaphore, #tpu.memory_space<semaphore_mem>>
        %dma_start3A_235 = arith.constant 0 : i32
        %dma_start3A_236 = tpu.memref_slice %arg7[%add3A_201, %dma_start3A_235] : memref<40x128xi32, #tpu.memory_space<vmem>> -> memref<1x128xi32, #tpu.memory_space<vmem>>
        %dma_start3A_237 = tpu.memref_squeeze %dma_start3A_236 : memref<1x128xi32, #tpu.memory_space<vmem>> -> memref<128xi32, #tpu.memory_space<vmem>>
        %dma_start3A_238 = arith.constant 0 : i32
        %dma_start3A_239 = arith.constant 0 : i32
        %dma_start3A_240 = tpu.memref_slice %arg10[%dma_start3A_238, %dma_start3A_239] : memref<10240x128xf32, #tpu.memory_space<vmem_shared>> -> memref<10240x128xf32, #tpu.memory_space<vmem_shared>>
        tpu.enqueue_indirect_dma source(%arg8 : memref<128x128xf32, #tpu.memory_space<vmem>>) target(%dma_start3A_240 : memref<10240x128xf32, #tpu.memory_space<vmem_shared>>) offsets(%dma_start3A_237 : memref<128xi32, #tpu.memory_space<vmem>>) semaphore(%run_scoped3A_234 : memref<!tpu.dma_semaphore, #tpu.memory_space<semaphore_mem>>) {add = true}
        %dma_wait3A_241 = arith.constant 0 : i32
        %dma_wait3A_242 = tpu.memref_slice %arg7[%add3A_201, %dma_wait3A_241] : memref<40x128xi32, #tpu.memory_space<vmem>> -> memref<1x128xi32, #tpu.memory_space<vmem>>
        %dma_wait3A_243 = tpu.memref_squeeze %dma_wait3A_242 : memref<1x128xi32, #tpu.memory_space<vmem>> -> memref<128xi32, #tpu.memory_space<vmem>>
        %dma_wait3A_244 = arith.constant 0 : i32
        %dma_wait3A_245 = arith.constant 0 : i32
        %dma_wait3A_246 = tpu.memref_slice %arg10[%dma_wait3A_244, %dma_wait3A_245] : memref<10240x128xf32, #tpu.memory_space<vmem_shared>> -> memref<10240x128xf32, #tpu.memory_space<vmem_shared>>
        tpu.wait_indirect_dma semaphore(%run_scoped3A_234 : memref<!tpu.dma_semaphore, #tpu.memory_space<semaphore_mem>>) src(%arg8 : memref<128x128xf32, #tpu.memory_space<vmem>>) dst(%dma_wait3A_246 : memref<10240x128xf32, #tpu.memory_space<vmem_shared>>)
        tpu.yield
      }) : () -> ()
      %add3A_216 = arith.constant 2 : i32
      %add3A_217 = arith.addi %add3A_201, %add3A_216 : i32
      %dma_start3A_218 = arith.constant 0 : i32
      %dma_start3A_219 = tpu.memref_slice %arg6[%add3A_217, %dma_start3A_218] : memref<40x128xi32, #tpu.memory_space<vmem>> -> memref<1x128xi32, #tpu.memory_space<vmem>>
      %dma_start3A_220 = tpu.memref_squeeze %dma_start3A_219 : memref<1x128xi32, #tpu.memory_space<vmem>> -> memref<128xi32, #tpu.memory_space<vmem>>
      %dma_start3A_221 = arith.constant 0 : i32
      %dma_start3A_222 = arith.constant 0 : i32
      %dma_start3A_223 = tpu.memref_slice %arg2[%dma_start3A_221, %dma_start3A_222] : memref<10000x128xf32, #tpu.memory_space<hbm>> -> memref<10000x128xf32, #tpu.memory_space<hbm>>
      tpu.enqueue_indirect_dma source(%dma_start3A_223 : memref<10000x128xf32, #tpu.memory_space<hbm>>) target(%arg8 : memref<128x128xf32, #tpu.memory_space<vmem>>) offsets(%dma_start3A_220 : memref<128xi32, #tpu.memory_space<vmem>>) semaphore(%arg11 : memref<!tpu.dma_semaphore, #tpu.memory_space<semaphore_mem>>)
      %add3A_224 = arith.constant 1 : i32
      %add3A_225 = arith.addi %add3A_201, %add3A_224 : i32
      %dma_wait3A_226 = arith.constant 0 : i32
      %dma_wait3A_227 = tpu.memref_slice %arg6[%add3A_225, %dma_wait3A_226] : memref<40x128xi32, #tpu.memory_space<vmem>> -> memref<1x128xi32, #tpu.memory_space<vmem>>
      %dma_wait3A_228 = tpu.memref_squeeze %dma_wait3A_227 : memref<1x128xi32, #tpu.memory_space<vmem>> -> memref<128xi32, #tpu.memory_space<vmem>>
      %dma_wait3A_229 = arith.constant 0 : i32
      %dma_wait3A_230 = arith.constant 0 : i32
      %dma_wait3A_231 = tpu.memref_slice %arg2[%dma_wait3A_229, %dma_wait3A_230] : memref<10000x128xf32, #tpu.memory_space<hbm>> -> memref<10000x128xf32, #tpu.memory_space<hbm>>
      tpu.wait_indirect_dma semaphore(%arg12 : memref<!tpu.dma_semaphore, #tpu.memory_space<semaphore_mem>>) src(%dma_wait3A_231 : memref<10000x128xf32, #tpu.memory_space<hbm>>) dst(%arg9 : memref<128x128xf32, #tpu.memory_space<vmem>>)
      %add3A_232 = arith.constant 1 : i32
      %add3A_233 = arith.addi %add3A_201, %add3A_232 : i32
      "tpu.region"() ({
        %run_scoped3A_234 = tpu.sem_alloc : memref<!tpu.dma_semaphore, #tpu.memory_space<semaphore_mem>>
        %dma_start3A_235 = arith.constant 0 : i32
        %dma_start3A_236 = tpu.memref_slice %arg7[%add3A_233, %dma_start3A_235] : memref<40x128xi32, #tpu.memory_space<vmem>> -> memref<1x128xi32, #tpu.memory_space<vmem>>
        %dma_start3A_237 = tpu.memref_squeeze %dma_start3A_236 : memref<1x128xi32, #tpu.memory_space<vmem>> -> memref<128xi32, #tpu.memory_space<vmem>>
        %dma_start3A_238 = arith.constant 0 : i32
        %dma_start3A_239 = arith.constant 0 : i32
        %dma_start3A_240 = tpu.memref_slice %arg10[%dma_start3A_238, %dma_start3A_239] : memref<10240x128xf32, #tpu.memory_space<vmem_shared>> -> memref<10240x128xf32, #tpu.memory_space<vmem_shared>>
        tpu.enqueue_indirect_dma source(%arg9 : memref<128x128xf32, #tpu.memory_space<vmem>>) target(%dma_start3A_240 : memref<10240x128xf32, #tpu.memory_space<vmem_shared>>) offsets(%dma_start3A_237 : memref<128xi32, #tpu.memory_space<vmem>>) semaphore(%run_scoped3A_234 : memref<!tpu.dma_semaphore, #tpu.memory_space<semaphore_mem>>) {add = true}
        %dma_wait3A_241 = arith.constant 0 : i32
        %dma_wait3A_242 = tpu.memref_slice %arg7[%add3A_233, %dma_wait3A_241] : memref<40x128xi32, #tpu.memory_space<vmem>> -> memref<1x128xi32, #tpu.memory_space<vmem>>
        %dma_wait3A_243 = tpu.memref_squeeze %dma_wait3A_242 : memref<1x128xi32, #tpu.memory_space<vmem>> -> memref<128xi32, #tpu.memory_space<vmem>>
        %dma_wait3A_244 = arith.constant 0 : i32
        %dma_wait3A_245 = arith.constant 0 : i32
        %dma_wait3A_246 = tpu.memref_slice %arg10[%dma_wait3A_244, %dma_wait3A_245] : memref<10240x128xf32, #tpu.memory_space<vmem_shared>> -> memref<10240x128xf32, #tpu.memory_space<vmem_shared>>
        tpu.wait_indirect_dma semaphore(%run_scoped3A_234 : memref<!tpu.dma_semaphore, #tpu.memory_space<semaphore_mem>>) src(%arg9 : memref<128x128xf32, #tpu.memory_space<vmem>>) dst(%dma_wait3A_246 : memref<10240x128xf32, #tpu.memory_space<vmem_shared>>)
        tpu.yield
      }) : () -> ()
    }
    %scan3A_168 = arith.constant 19 : i32
    %dma_start3A_169 = arith.constant 39 : i32
    %dma_start3A_170 = arith.constant 0 : i32
    %dma_start3A_171 = tpu.memref_slice %arg6[%dma_start3A_169, %dma_start3A_170] : memref<40x128xi32, #tpu.memory_space<vmem>> -> memref<1x128xi32, #tpu.memory_space<vmem>>
    %dma_start3A_172 = tpu.memref_squeeze %dma_start3A_171 : memref<1x128xi32, #tpu.memory_space<vmem>> -> memref<128xi32, #tpu.memory_space<vmem>>
    %dma_start3A_173 = arith.constant 0 : i32
    %dma_start3A_174 = arith.constant 0 : i32
    %dma_start3A_175 = tpu.memref_slice %arg2[%dma_start3A_173, %dma_start3A_174] : memref<10000x128xf32, #tpu.memory_space<hbm>> -> memref<10000x128xf32, #tpu.memory_space<hbm>>
    tpu.enqueue_indirect_dma source(%dma_start3A_175 : memref<10000x128xf32, #tpu.memory_space<hbm>>) target(%arg9 : memref<128x128xf32, #tpu.memory_space<vmem>>) offsets(%dma_start3A_172 : memref<128xi32, #tpu.memory_space<vmem>>) semaphore(%arg12 : memref<!tpu.dma_semaphore, #tpu.memory_space<semaphore_mem>>)
    %dma_wait3A_176 = arith.constant 38 : i32
    %dma_wait3A_177 = arith.constant 0 : i32
    %dma_wait3A_178 = tpu.memref_slice %arg6[%dma_wait3A_176, %dma_wait3A_177] : memref<40x128xi32, #tpu.memory_space<vmem>> -> memref<1x128xi32, #tpu.memory_space<vmem>>
    %dma_wait3A_179 = tpu.memref_squeeze %dma_wait3A_178 : memref<1x128xi32, #tpu.memory_space<vmem>> -> memref<128xi32, #tpu.memory_space<vmem>>
    %dma_wait3A_180 = arith.constant 0 : i32
    %dma_wait3A_181 = arith.constant 0 : i32
    %dma_wait3A_182 = tpu.memref_slice %arg2[%dma_wait3A_180, %dma_wait3A_181] : memref<10000x128xf32, #tpu.memory_space<hbm>> -> memref<10000x128xf32, #tpu.memory_space<hbm>>
    tpu.wait_indirect_dma semaphore(%arg11 : memref<!tpu.dma_semaphore, #tpu.memory_space<semaphore_mem>>) src(%dma_wait3A_182 : memref<10000x128xf32, #tpu.memory_space<hbm>>) dst(%arg8 : memref<128x128xf32, #tpu.memory_space<vmem>>)
    %run_scoped3A_183 = arith.constant 38 : i32
    "tpu.region"() ({
      %run_scoped3A_197 = tpu.sem_alloc : memref<!tpu.dma_semaphore, #tpu.memory_space<semaphore_mem>>
      %dma_start3A_198 = arith.constant 0 : i32
      %dma_start3A_199 = tpu.memref_slice %arg7[%run_scoped3A_183, %dma_start3A_198] : memref<40x128xi32, #tpu.memory_space<vmem>> -> memref<1x128xi32, #tpu.memory_space<vmem>>
      %dma_start3A_200 = tpu.memref_squeeze %dma_start3A_199 : memref<1x128xi32, #tpu.memory_space<vmem>> -> memref<128xi32, #tpu.memory_space<vmem>>
      %dma_start3A_201 = arith.constant 0 : i32
      %dma_start3A_202 = arith.constant 0 : i32
      %dma_start3A_203 = tpu.memref_slice %arg10[%dma_start3A_201, %dma_start3A_202] : memref<10240x128xf32, #tpu.memory_space<vmem_shared>> -> memref<10240x128xf32, #tpu.memory_space<vmem_shared>>
      tpu.enqueue_indirect_dma source(%arg8 : memref<128x128xf32, #tpu.memory_space<vmem>>) target(%dma_start3A_203 : memref<10240x128xf32, #tpu.memory_space<vmem_shared>>) offsets(%dma_start3A_200 : memref<128xi32, #tpu.memory_space<vmem>>) semaphore(%run_scoped3A_197 : memref<!tpu.dma_semaphore, #tpu.memory_space<semaphore_mem>>) {add = true}
      %dma_wait3A_204 = arith.constant 0 : i32
      %dma_wait3A_205 = tpu.memref_slice %arg7[%run_scoped3A_183, %dma_wait3A_204] : memref<40x128xi32, #tpu.memory_space<vmem>> -> memref<1x128xi32, #tpu.memory_space<vmem>>
      %dma_wait3A_206 = tpu.memref_squeeze %dma_wait3A_205 : memref<1x128xi32, #tpu.memory_space<vmem>> -> memref<128xi32, #tpu.memory_space<vmem>>
      %dma_wait3A_207 = arith.constant 0 : i32
      %dma_wait3A_208 = arith.constant 0 : i32
      %dma_wait3A_209 = tpu.memref_slice %arg10[%dma_wait3A_207, %dma_wait3A_208] : memref<10240x128xf32, #tpu.memory_space<vmem_shared>> -> memref<10240x128xf32, #tpu.memory_space<vmem_shared>>
      tpu.wait_indirect_dma semaphore(%run_scoped3A_197 : memref<!tpu.dma_semaphore, #tpu.memory_space<semaphore_mem>>) src(%arg8 : memref<128x128xf32, #tpu.memory_space<vmem>>) dst(%dma_wait3A_209 : memref<10240x128xf32, #tpu.memory_space<vmem_shared>>)
      tpu.yield
    }) : () -> ()
    %dma_wait3A_184 = arith.constant 39 : i32
    %dma_wait3A_185 = arith.constant 0 : i32
    %dma_wait3A_186 = tpu.memref_slice %arg6[%dma_wait3A_184, %dma_wait3A_185] : memref<40x128xi32, #tpu.memory_space<vmem>> -> memref<1x128xi32, #tpu.memory_space<vmem>>
    %dma_wait3A_187 = tpu.memref_squeeze %dma_wait3A_186 : memref<1x128xi32, #tpu.memory_space<vmem>> -> memref<128xi32, #tpu.memory_space<vmem>>
    %dma_wait3A_188 = arith.constant 0 : i32
    %dma_wait3A_189 = arith.constant 0 : i32
    %dma_wait3A_190 = tpu.memref_slice %arg2[%dma_wait3A_188, %dma_wait3A_189] : memref<10000x128xf32, #tpu.memory_space<hbm>> -> memref<10000x128xf32, #tpu.memory_space<hbm>>
    tpu.wait_indirect_dma semaphore(%arg12 : memref<!tpu.dma_semaphore, #tpu.memory_space<semaphore_mem>>) src(%dma_wait3A_190 : memref<10000x128xf32, #tpu.memory_space<hbm>>) dst(%arg9 : memref<128x128xf32, #tpu.memory_space<vmem>>)
    %run_scoped3A_191 = arith.constant 39 : i32
    "tpu.region"() ({
      %run_scoped3A_197 = tpu.sem_alloc : memref<!tpu.dma_semaphore, #tpu.memory_space<semaphore_mem>>
      %dma_start3A_198 = arith.constant 0 : i32
      %dma_start3A_199 = tpu.memref_slice %arg7[%run_scoped3A_191, %dma_start3A_198] : memref<40x128xi32, #tpu.memory_space<vmem>> -> memref<1x128xi32, #tpu.memory_space<vmem>>
      %dma_start3A_200 = tpu.memref_squeeze %dma_start3A_199 : memref<1x128xi32, #tpu.memory_space<vmem>> -> memref<128xi32, #tpu.memory_space<vmem>>
      %dma_start3A_201 = arith.constant 0 : i32
      %dma_start3A_202 = arith.constant 0 : i32
      %dma_start3A_203 = tpu.memref_slice %arg10[%dma_start3A_201, %dma_start3A_202] : memref<10240x128xf32, #tpu.memory_space<vmem_shared>> -> memref<10240x128xf32, #tpu.memory_space<vmem_shared>>
      tpu.enqueue_indirect_dma source(%arg9 : memref<128x128xf32, #tpu.memory_space<vmem>>) target(%dma_start3A_203 : memref<10240x128xf32, #tpu.memory_space<vmem_shared>>) offsets(%dma_start3A_200 : memref<128xi32, #tpu.memory_space<vmem>>) semaphore(%run_scoped3A_197 : memref<!tpu.dma_semaphore, #tpu.memory_space<semaphore_mem>>) {add = true}
      %dma_wait3A_204 = arith.constant 0 : i32
      %dma_wait3A_205 = tpu.memref_slice %arg7[%run_scoped3A_191, %dma_wait3A_204] : memref<40x128xi32, #tpu.memory_space<vmem>> -> memref<1x128xi32, #tpu.memory_space<vmem>>
      %dma_wait3A_206 = tpu.memref_squeeze %dma_wait3A_205 : memref<1x128xi32, #tpu.memory_space<vmem>> -> memref<128xi32, #tpu.memory_space<vmem>>
      %dma_wait3A_207 = arith.constant 0 : i32
      %dma_wait3A_208 = arith.constant 0 : i32
      %dma_wait3A_209 = tpu.memref_slice %arg10[%dma_wait3A_207, %dma_wait3A_208] : memref<10240x128xf32, #tpu.memory_space<vmem_shared>> -> memref<10240x128xf32, #tpu.memory_space<vmem_shared>>
      tpu.wait_indirect_dma semaphore(%run_scoped3A_197 : memref<!tpu.dma_semaphore, #tpu.memory_space<semaphore_mem>>) src(%arg9 : memref<128x128xf32, #tpu.memory_space<vmem>>) dst(%dma_wait3A_209 : memref<10240x128xf32, #tpu.memory_space<vmem_shared>>)
      tpu.yield
    }) : () -> ()
    %barrier3A_192 = arith.constant 0 : index
    tpu.barrier barrier_id(%barrier3A_192)
    %mul3A_193 = arith.constant 624 : i32
    %mul3A_194 = arith.muli %arg1, %mul3A_193 : i32
    "tpu.region"() ({
      %run_scoped3A_197 = tpu.sem_alloc : memref<!tpu.dma_semaphore, #tpu.memory_space<semaphore_mem>>
      %dma_start3A_198 = arith.constant 0 : i32
      %dma_start3A_199 = arith.constant 0 : i32
      %dma_start3A_200 = tpu.memref_slice %arg5[%arg0, %dma_start3A_198, %dma_start3A_199] : memref<2x10000x128xf32, #tpu.memory_space<hbm>> -> memref<1x10000x128xf32, #tpu.memory_space<hbm>>
      %dma_start3A_201 = tpu.memref_squeeze %dma_start3A_200 : memref<1x10000x128xf32, #tpu.memory_space<hbm>> -> memref<10000x128xf32, #tpu.memory_space<hbm>>
      %dma_start3A_202 = arith.constant 0 : i32
      %dma_start3A_203 = tpu.memref_slice %dma_start3A_201[%mul3A_194, %dma_start3A_202] : memref<10000x128xf32, #tpu.memory_space<hbm>> -> memref<624x128xf32, #tpu.memory_space<hbm>>
      %dma_start3A_204 = arith.constant 0 : i32
      %dma_start3A_205 = tpu.memref_slice %arg10[%mul3A_194, %dma_start3A_204] : memref<10240x128xf32, #tpu.memory_space<vmem_shared>> -> memref<624x128xf32, #tpu.memory_space<vmem_shared>>
      tpu.enqueue_dma source(%dma_start3A_205 : memref<624x128xf32, #tpu.memory_space<vmem_shared>>) target(%dma_start3A_203 : memref<624x128xf32, #tpu.memory_space<hbm>>) target_semaphore(%run_scoped3A_197 : memref<!tpu.dma_semaphore, #tpu.memory_space<semaphore_mem>>)
      %dma_wait3A_206 = arith.constant 0 : i32
      %dma_wait3A_207 = arith.constant 0 : i32
      %dma_wait3A_208 = tpu.memref_slice %arg5[%arg0, %dma_wait3A_206, %dma_wait3A_207] : memref<2x10000x128xf32, #tpu.memory_space<hbm>> -> memref<1x10000x128xf32, #tpu.memory_space<hbm>>
      %dma_wait3A_209 = tpu.memref_squeeze %dma_wait3A_208 : memref<1x10000x128xf32, #tpu.memory_space<hbm>> -> memref<10000x128xf32, #tpu.memory_space<hbm>>
      %dma_wait3A_210 = arith.constant 0 : i32
      %dma_wait3A_211 = tpu.memref_slice %dma_wait3A_209[%mul3A_194, %dma_wait3A_210] : memref<10000x128xf32, #tpu.memory_space<hbm>> -> memref<624x128xf32, #tpu.memory_space<hbm>>
      %dma_wait3A_212 = arith.constant 0 : i32
      %dma_wait3A_213 = tpu.memref_slice %arg10[%mul3A_194, %dma_wait3A_212] : memref<10240x128xf32, #tpu.memory_space<vmem_shared>> -> memref<624x128xf32, #tpu.memory_space<vmem_shared>>
      tpu.wait_dma2 semaphore(%run_scoped3A_197 : memref<!tpu.dma_semaphore, #tpu.memory_space<semaphore_mem>>) src(%dma_wait3A_213 : memref<624x128xf32, #tpu.memory_space<vmem_shared>>) dst(%dma_wait3A_211 : memref<624x128xf32, #tpu.memory_space<hbm>>)
      tpu.yield
    }) : () -> ()
    %eq3A = arith.constant 0 : i32
    %eq3A_195 = arith.cmpi eq, %arg1, %eq3A : i32
    %convert_element_type3A = arith.extui %eq3A_195 : i1 to i32
    %cond3A = arith.constant 0 : i32
    %cond3A_196 = arith.cmpi ne, %convert_element_type3A, %cond3A : i32
    scf.if %cond3A_196 {
      "tpu.region"() ({
        %run_scoped3A_197 = tpu.sem_alloc : memref<!tpu.dma_semaphore, #tpu.memory_space<semaphore_mem>>
        %dma_start3A_198 = arith.constant 0 : i32
        %dma_start3A_199 = arith.constant 0 : i32
        %dma_start3A_200 = tpu.memref_slice %arg5[%arg0, %dma_start3A_198, %dma_start3A_199] : memref<2x10000x128xf32, #tpu.memory_space<hbm>> -> memref<1x10000x128xf32, #tpu.memory_space<hbm>>
        %dma_start3A_201 = tpu.memref_squeeze %dma_start3A_200 : memref<1x10000x128xf32, #tpu.memory_space<hbm>> -> memref<10000x128xf32, #tpu.memory_space<hbm>>
        %dma_start3A_202 = arith.constant 9984 : i32
        %dma_start3A_203 = arith.constant 0 : i32
        %dma_start3A_204 = tpu.memref_slice %dma_start3A_201[%dma_start3A_202, %dma_start3A_203] : memref<10000x128xf32, #tpu.memory_space<hbm>> -> memref<16x128xf32, #tpu.memory_space<hbm>>
        %dma_start3A_205 = arith.constant 9984 : i32
        %dma_start3A_206 = arith.constant 0 : i32
        %dma_start3A_207 = tpu.memref_slice %arg10[%dma_start3A_205, %dma_start3A_206] : memref<10240x128xf32, #tpu.memory_space<vmem_shared>> -> memref<16x128xf32, #tpu.memory_space<vmem_shared>>
        tpu.enqueue_dma source(%dma_start3A_207 : memref<16x128xf32, #tpu.memory_space<vmem_shared>>) target(%dma_start3A_204 : memref<16x128xf32, #tpu.memory_space<hbm>>) target_semaphore(%run_scoped3A_197 : memref<!tpu.dma_semaphore, #tpu.memory_space<semaphore_mem>>)
        %dma_wait3A_208 = arith.constant 0 : i32
        %dma_wait3A_209 = arith.constant 0 : i32
        %dma_wait3A_210 = tpu.memref_slice %arg5[%arg0, %dma_wait3A_208, %dma_wait3A_209] : memref<2x10000x128xf32, #tpu.memory_space<hbm>> -> memref<1x10000x128xf32, #tpu.memory_space<hbm>>
        %dma_wait3A_211 = tpu.memref_squeeze %dma_wait3A_210 : memref<1x10000x128xf32, #tpu.memory_space<hbm>> -> memref<10000x128xf32, #tpu.memory_space<hbm>>
        %dma_wait3A_212 = arith.constant 9984 : i32
        %dma_wait3A_213 = arith.constant 0 : i32
        %dma_wait3A_214 = tpu.memref_slice %dma_wait3A_211[%dma_wait3A_212, %dma_wait3A_213] : memref<10000x128xf32, #tpu.memory_space<hbm>> -> memref<16x128xf32, #tpu.memory_space<hbm>>
        %dma_wait3A_215 = arith.constant 9984 : i32
        %dma_wait3A_216 = arith.constant 0 : i32
        %dma_wait3A_217 = tpu.memref_slice %arg10[%dma_wait3A_215, %dma_wait3A_216] : memref<10240x128xf32, #tpu.memory_space<vmem_shared>> -> memref<16x128xf32, #tpu.memory_space<vmem_shared>>
        tpu.wait_dma2 semaphore(%run_scoped3A_197 : memref<!tpu.dma_semaphore, #tpu.memory_space<semaphore_mem>>) src(%dma_wait3A_217 : memref<16x128xf32, #tpu.memory_space<vmem_shared>>) dst(%dma_wait3A_214 : memref<16x128xf32, #tpu.memory_space<hbm>>)
        tpu.yield
      }) : () -> ()
    } else {
    }
    return
  }
}

#map = affine_map<(d0, d1) -> (0, 0, 0)>
module attributes {stable_mosaic.version = 14 : i64} {
  func.func @_sc_degree(%arg0: i32, %arg1: i32, %arg2: memref<32x80x128xi32, #tpu.memory_space<hbm>>, %arg3: memref<2x10000x128xf32, #tpu.memory_space<hbm>>, %arg4: memref<80x128xi32, #tpu.memory_space<vmem>>, %arg5: memref<128x128xf32, #tpu.memory_space<vmem>>, %arg6: memref<128x128xf32, #tpu.memory_space<vmem>>, %arg7: memref<10240x128xf32, #tpu.memory_space<vmem_shared>>, %arg8: memref<!tpu.dma_semaphore, #tpu.memory_space<semaphore_mem>>) attributes {dimension_semantics = [#tpu.dimension_semantics<core_parallel>, #tpu.dimension_semantics<subcore_parallel>], iteration_bounds = array<i64: 2, 16>, scalar_prefetch = 0 : i64, scratch_operands = 5 : i64, tpu.core_type = #tpu.core_type<sc_vector_subcore>, window_params = [{transform_indices = #map}, {transform_indices = #map}]} {
    %mul3A = arith.constant 2 : i32
    %mul3A_0 = arith.muli %arg1, %mul3A : i32
    %add3A = arith.addi %mul3A_0, %arg0 : i32
    %dma_start3A = arith.constant 0 : i32
    %dma_start3A_1 = arith.constant 0 : i32
    %dma_start3A_2 = tpu.memref_slice %arg2[%add3A, %dma_start3A, %dma_start3A_1] : memref<32x80x128xi32, #tpu.memory_space<hbm>> -> memref<1x80x128xi32, #tpu.memory_space<hbm>>
    %dma_start3A_3 = tpu.memref_squeeze %dma_start3A_2 : memref<1x80x128xi32, #tpu.memory_space<hbm>> -> memref<80x128xi32, #tpu.memory_space<hbm>>
    %dma_start3A_4 = arith.constant 0 : i32
    %dma_start3A_5 = arith.constant 0 : i32
    %dma_start3A_6 = tpu.memref_slice %arg2[%add3A, %dma_start3A_4, %dma_start3A_5] : memref<32x80x128xi32, #tpu.memory_space<hbm>> -> memref<1x80x128xi32, #tpu.memory_space<hbm>>
    %dma_start3A_7 = tpu.memref_squeeze %dma_start3A_6 : memref<1x80x128xi32, #tpu.memory_space<hbm>> -> memref<80x128xi32, #tpu.memory_space<hbm>>
    tpu.enqueue_dma source(%dma_start3A_7 : memref<80x128xi32, #tpu.memory_space<hbm>>) target(%arg4 : memref<80x128xi32, #tpu.memory_space<vmem>>) target_semaphore(%arg8 : memref<!tpu.dma_semaphore, #tpu.memory_space<semaphore_mem>>)
    %broadcast_in_dim3A = arith.constant 1.000000e+00 : f32
    %broadcast_in_dim3A_8 = vector.broadcast %broadcast_in_dim3A : f32 to vector<16xf32>
    %broadcast_in_dim3A_9 = arith.constant 0.000000e+00 : f32
    %broadcast_in_dim3A_10 = vector.broadcast %broadcast_in_dim3A_9 : f32 to vector<16xf32>
    %scan3A = arith.constant 0 : i32
    %scan3A_11 = arith.constant 128 : i32
    %scan3A_12 = arith.addi %scan3A, %scan3A_11 : i32
    %scan3A_13 = arith.constant 1 : i32
    scf.for %scan3A_39 = %scan3A to %scan3A_12 step %scan3A_13  : i32 {
      %mul3A_40 = arith.constant 1 : i32
      %mul3A_41 = arith.muli %scan3A_39, %mul3A_40 : i32
      %add3A_42 = arith.constant 0 : i32
      %add3A_43 = arith.addi %add3A_42, %mul3A_41 : i32
      %scan3A_44 = arith.constant 0 : i32
      %scan3A_45 = arith.constant 8 : i32
      %scan3A_46 = arith.addi %scan3A_44, %scan3A_45 : i32
      %scan3A_47 = arith.constant 1 : i32
      scf.for %scan3A_49 = %scan3A_44 to %scan3A_46 step %scan3A_47  : i32 {
        %mul3A_50 = arith.constant 16 : i32
        %mul3A_51 = arith.muli %scan3A_49, %mul3A_50 : i32
        %add3A_52 = arith.constant 0 : i32
        %add3A_53 = arith.addi %add3A_52, %mul3A_51 : i32
        %swap3A = arith.index_cast %add3A_43 : i32 to index
        %swap3A_54 = arith.index_cast %add3A_53 : i32 to index
        %swap3A_55 = tpu.vector_load %arg5[%swap3A, %swap3A_54] {strides = array<i32>} : memref<128x128xf32, #tpu.memory_space<vmem>>, vector<1x16xf32>,
        %swap3A_56 = vector.shape_cast %swap3A_55 : vector<1x16xf32> to vector<16xf32>
        %swap3A_57 = vector.shape_cast %broadcast_in_dim3A_8 : vector<16xf32> to vector<1x16xf32>
        tpu.vector_store %arg5[%swap3A, %swap3A_54], %swap3A_57 {strides = array<i32>} : memref<128x128xf32, #tpu.memory_space<vmem>>, vector<1x16xf32>,
        %swap3A_58 = arith.index_cast %add3A_43 : i32 to index
        %swap3A_59 = arith.index_cast %add3A_53 : i32 to index
        %swap3A_60 = tpu.vector_load %arg6[%swap3A_58, %swap3A_59] {strides = array<i32>} : memref<128x128xf32, #tpu.memory_space<vmem>>, vector<1x16xf32>,
        %swap3A_61 = vector.shape_cast %swap3A_60 : vector<1x16xf32> to vector<16xf32>
        %swap3A_62 = vector.shape_cast %broadcast_in_dim3A_10 : vector<16xf32> to vector<1x16xf32>
        tpu.vector_store %arg6[%swap3A_58, %swap3A_59], %swap3A_62 {strides = array<i32>} : memref<128x128xf32, #tpu.memory_space<vmem>>, vector<1x16xf32>,
      }
      %scan3A_48 = arith.constant 8 : i32
    }
    %scan3A_14 = arith.constant 128 : i32
    %mul3A_15 = arith.constant 640 : i32
    %mul3A_16 = arith.muli %arg1, %mul3A_15 : i32
    %scan3A_17 = arith.constant 0 : i32
    %scan3A_18 = arith.constant 5 : i32
    %scan3A_19 = arith.addi %scan3A_17, %scan3A_18 : i32
    %scan3A_20 = arith.constant 1 : i32
    scf.for %scan3A_39 = %scan3A_17 to %scan3A_19 step %scan3A_20  : i32 {
      %mul3A_40 = arith.constant 128 : i32
      %mul3A_41 = arith.muli %scan3A_39, %mul3A_40 : i32
      %add3A_42 = arith.constant 0 : i32
      %add3A_43 = arith.addi %add3A_42, %mul3A_41 : i32
      %add3A_44 = arith.addi %mul3A_16, %add3A_43 : i32
      "tpu.region"() ({
        %run_scoped3A = tpu.sem_alloc : memref<!tpu.dma_semaphore, #tpu.memory_space<semaphore_mem>>
        %dma_start3A_45 = arith.constant 0 : i32
        %dma_start3A_46 = tpu.memref_slice %arg7[%add3A_44, %dma_start3A_45] : memref<10240x128xf32, #tpu.memory_space<vmem_shared>> -> memref<128x128xf32, #tpu.memory_space<vmem_shared>>
        %dma_start3A_47 = arith.constant 0 : i32
        %dma_start3A_48 = tpu.memref_slice %arg7[%add3A_44, %dma_start3A_47] : memref<10240x128xf32, #tpu.memory_space<vmem_shared>> -> memref<128x128xf32, #tpu.memory_space<vmem_shared>>
        tpu.enqueue_dma source(%arg6 : memref<128x128xf32, #tpu.memory_space<vmem>>) target(%dma_start3A_48 : memref<128x128xf32, #tpu.memory_space<vmem_shared>>) target_semaphore(%run_scoped3A : memref<!tpu.dma_semaphore, #tpu.memory_space<semaphore_mem>>)
        %dma_wait3A_49 = arith.constant 0 : i32
        %dma_wait3A_50 = tpu.memref_slice %arg7[%add3A_44, %dma_wait3A_49] : memref<10240x128xf32, #tpu.memory_space<vmem_shared>> -> memref<128x128xf32, #tpu.memory_space<vmem_shared>>
        %dma_wait3A_51 = arith.constant 0 : i32
        %dma_wait3A_52 = tpu.memref_slice %arg7[%add3A_44, %dma_wait3A_51] : memref<10240x128xf32, #tpu.memory_space<vmem_shared>> -> memref<128x128xf32, #tpu.memory_space<vmem_shared>>
        tpu.wait_dma2 semaphore(%run_scoped3A : memref<!tpu.dma_semaphore, #tpu.memory_space<semaphore_mem>>) src(%arg6 : memref<128x128xf32, #tpu.memory_space<vmem>>) dst(%dma_wait3A_52 : memref<128x128xf32, #tpu.memory_space<vmem_shared>>)
        tpu.yield
      }) : () -> ()
    }
    %scan3A_21 = arith.constant 5 : i32
    %dma_wait3A = arith.constant 0 : i32
    %dma_wait3A_22 = arith.constant 0 : i32
    %dma_wait3A_23 = tpu.memref_slice %arg2[%add3A, %dma_wait3A, %dma_wait3A_22] : memref<32x80x128xi32, #tpu.memory_space<hbm>> -> memref<1x80x128xi32, #tpu.memory_space<hbm>>
    %dma_wait3A_24 = tpu.memref_squeeze %dma_wait3A_23 : memref<1x80x128xi32, #tpu.memory_space<hbm>> -> memref<80x128xi32, #tpu.memory_space<hbm>>
    %dma_wait3A_25 = arith.constant 0 : i32
    %dma_wait3A_26 = arith.constant 0 : i32
    %dma_wait3A_27 = tpu.memref_slice %arg2[%add3A, %dma_wait3A_25, %dma_wait3A_26] : memref<32x80x128xi32, #tpu.memory_space<hbm>> -> memref<1x80x128xi32, #tpu.memory_space<hbm>>
    %dma_wait3A_28 = tpu.memref_squeeze %dma_wait3A_27 : memref<1x80x128xi32, #tpu.memory_space<hbm>> -> memref<80x128xi32, #tpu.memory_space<hbm>>
    tpu.wait_dma2 semaphore(%arg8 : memref<!tpu.dma_semaphore, #tpu.memory_space<semaphore_mem>>) src(%dma_wait3A_28 : memref<80x128xi32, #tpu.memory_space<hbm>>) dst(%arg4 : memref<80x128xi32, #tpu.memory_space<vmem>>)
    %barrier3A = arith.constant 0 : index
    tpu.barrier barrier_id(%barrier3A)
    %scan3A_29 = arith.constant 0 : i32
    %scan3A_30 = arith.constant 80 : i32
    %scan3A_31 = arith.addi %scan3A_29, %scan3A_30 : i32
    %scan3A_32 = arith.constant 1 : i32
    scf.for %scan3A_39 = %scan3A_29 to %scan3A_31 step %scan3A_32  : i32 {
      %mul3A_40 = arith.constant 1 : i32
      %mul3A_41 = arith.muli %scan3A_39, %mul3A_40 : i32
      %add3A_42 = arith.constant 0 : i32
      %add3A_43 = arith.addi %add3A_42, %mul3A_41 : i32
      "tpu.region"() ({
        %run_scoped3A = tpu.sem_alloc : memref<!tpu.dma_semaphore, #tpu.memory_space<semaphore_mem>>
        %dma_start3A_44 = arith.constant 0 : i32
        %dma_start3A_45 = tpu.memref_slice %arg4[%add3A_43, %dma_start3A_44] : memref<80x128xi32, #tpu.memory_space<vmem>> -> memref<1x128xi32, #tpu.memory_space<vmem>>
        %dma_start3A_46 = tpu.memref_squeeze %dma_start3A_45 : memref<1x128xi32, #tpu.memory_space<vmem>> -> memref<128xi32, #tpu.memory_space<vmem>>
        %dma_start3A_47 = arith.constant 0 : i32
        %dma_start3A_48 = arith.constant 0 : i32
        %dma_start3A_49 = tpu.memref_slice %arg7[%dma_start3A_47, %dma_start3A_48] : memref<10240x128xf32, #tpu.memory_space<vmem_shared>> -> memref<10240x128xf32, #tpu.memory_space<vmem_shared>>
        tpu.enqueue_indirect_dma source(%arg5 : memref<128x128xf32, #tpu.memory_space<vmem>>) target(%dma_start3A_49 : memref<10240x128xf32, #tpu.memory_space<vmem_shared>>) offsets(%dma_start3A_46 : memref<128xi32, #tpu.memory_space<vmem>>) semaphore(%run_scoped3A : memref<!tpu.dma_semaphore, #tpu.memory_space<semaphore_mem>>) {add = true}
        %dma_wait3A_50 = arith.constant 0 : i32
        %dma_wait3A_51 = tpu.memref_slice %arg4[%add3A_43, %dma_wait3A_50] : memref<80x128xi32, #tpu.memory_space<vmem>> -> memref<1x128xi32, #tpu.memory_space<vmem>>
        %dma_wait3A_52 = tpu.memref_squeeze %dma_wait3A_51 : memref<1x128xi32, #tpu.memory_space<vmem>> -> memref<128xi32, #tpu.memory_space<vmem>>
        %dma_wait3A_53 = arith.constant 0 : i32
        %dma_wait3A_54 = arith.constant 0 : i32
        %dma_wait3A_55 = tpu.memref_slice %arg7[%dma_wait3A_53, %dma_wait3A_54] : memref<10240x128xf32, #tpu.memory_space<vmem_shared>> -> memref<10240x128xf32, #tpu.memory_space<vmem_shared>>
        tpu.wait_indirect_dma semaphore(%run_scoped3A : memref<!tpu.dma_semaphore, #tpu.memory_space<semaphore_mem>>) src(%arg5 : memref<128x128xf32, #tpu.memory_space<vmem>>) dst(%dma_wait3A_55 : memref<10240x128xf32, #tpu.memory_space<vmem_shared>>)
        tpu.yield
      }) : () -> ()
    }
    %scan3A_33 = arith.constant 80 : i32
    %barrier3A_34 = arith.constant 0 : index
    tpu.barrier barrier_id(%barrier3A_34)
    %mul3A_35 = arith.constant 624 : i32
    %mul3A_36 = arith.muli %arg1, %mul3A_35 : i32
    "tpu.region"() ({
      %run_scoped3A = tpu.sem_alloc : memref<!tpu.dma_semaphore, #tpu.memory_space<semaphore_mem>>
      %dma_start3A_39 = arith.constant 0 : i32
      %dma_start3A_40 = arith.constant 0 : i32
      %dma_start3A_41 = tpu.memref_slice %arg3[%arg0, %dma_start3A_39, %dma_start3A_40] : memref<2x10000x128xf32, #tpu.memory_space<hbm>> -> memref<1x10000x128xf32, #tpu.memory_space<hbm>>
      %dma_start3A_42 = tpu.memref_squeeze %dma_start3A_41 : memref<1x10000x128xf32, #tpu.memory_space<hbm>> -> memref<10000x128xf32, #tpu.memory_space<hbm>>
      %dma_start3A_43 = arith.constant 0 : i32
      %dma_start3A_44 = tpu.memref_slice %dma_start3A_42[%mul3A_36, %dma_start3A_43] : memref<10000x128xf32, #tpu.memory_space<hbm>> -> memref<624x128xf32, #tpu.memory_space<hbm>>
      %dma_start3A_45 = arith.constant 0 : i32
      %dma_start3A_46 = tpu.memref_slice %arg7[%mul3A_36, %dma_start3A_45] : memref<10240x128xf32, #tpu.memory_space<vmem_shared>> -> memref<624x128xf32, #tpu.memory_space<vmem_shared>>
      tpu.enqueue_dma source(%dma_start3A_46 : memref<624x128xf32, #tpu.memory_space<vmem_shared>>) target(%dma_start3A_44 : memref<624x128xf32, #tpu.memory_space<hbm>>) target_semaphore(%run_scoped3A : memref<!tpu.dma_semaphore, #tpu.memory_space<semaphore_mem>>)
      %dma_wait3A_47 = arith.constant 0 : i32
      %dma_wait3A_48 = arith.constant 0 : i32
      %dma_wait3A_49 = tpu.memref_slice %arg3[%arg0, %dma_wait3A_47, %dma_wait3A_48] : memref<2x10000x128xf32, #tpu.memory_space<hbm>> -> memref<1x10000x128xf32, #tpu.memory_space<hbm>>
      %dma_wait3A_50 = tpu.memref_squeeze %dma_wait3A_49 : memref<1x10000x128xf32, #tpu.memory_space<hbm>> -> memref<10000x128xf32, #tpu.memory_space<hbm>>
      %dma_wait3A_51 = arith.constant 0 : i32
      %dma_wait3A_52 = tpu.memref_slice %dma_wait3A_50[%mul3A_36, %dma_wait3A_51] : memref<10000x128xf32, #tpu.memory_space<hbm>> -> memref<624x128xf32, #tpu.memory_space<hbm>>
      %dma_wait3A_53 = arith.constant 0 : i32
      %dma_wait3A_54 = tpu.memref_slice %arg7[%mul3A_36, %dma_wait3A_53] : memref<10240x128xf32, #tpu.memory_space<vmem_shared>> -> memref<624x128xf32, #tpu.memory_space<vmem_shared>>
      tpu.wait_dma2 semaphore(%run_scoped3A : memref<!tpu.dma_semaphore, #tpu.memory_space<semaphore_mem>>) src(%dma_wait3A_54 : memref<624x128xf32, #tpu.memory_space<vmem_shared>>) dst(%dma_wait3A_52 : memref<624x128xf32, #tpu.memory_space<hbm>>)
      tpu.yield
    }) : () -> ()
    %eq3A = arith.constant 0 : i32
    %eq3A_37 = arith.cmpi eq, %arg1, %eq3A : i32
    %convert_element_type3A = arith.extui %eq3A_37 : i1 to i32
    %cond3A = arith.constant 0 : i32
    %cond3A_38 = arith.cmpi ne, %convert_element_type3A, %cond3A : i32
    scf.if %cond3A_38 {
      "tpu.region"() ({
        %run_scoped3A = tpu.sem_alloc : memref<!tpu.dma_semaphore, #tpu.memory_space<semaphore_mem>>
        %dma_start3A_39 = arith.constant 0 : i32
        %dma_start3A_40 = arith.constant 0 : i32
        %dma_start3A_41 = tpu.memref_slice %arg3[%arg0, %dma_start3A_39, %dma_start3A_40] : memref<2x10000x128xf32, #tpu.memory_space<hbm>> -> memref<1x10000x128xf32, #tpu.memory_space<hbm>>
        %dma_start3A_42 = tpu.memref_squeeze %dma_start3A_41 : memref<1x10000x128xf32, #tpu.memory_space<hbm>> -> memref<10000x128xf32, #tpu.memory_space<hbm>>
        %dma_start3A_43 = arith.constant 9984 : i32
        %dma_start3A_44 = arith.constant 0 : i32
        %dma_start3A_45 = tpu.memref_slice %dma_start3A_42[%dma_start3A_43, %dma_start3A_44] : memref<10000x128xf32, #tpu.memory_space<hbm>> -> memref<16x128xf32, #tpu.memory_space<hbm>>
        %dma_start3A_46 = arith.constant 9984 : i32
        %dma_start3A_47 = arith.constant 0 : i32
        %dma_start3A_48 = tpu.memref_slice %arg7[%dma_start3A_46, %dma_start3A_47] : memref<10240x128xf32, #tpu.memory_space<vmem_shared>> -> memref<16x128xf32, #tpu.memory_space<vmem_shared>>
        tpu.enqueue_dma source(%dma_start3A_48 : memref<16x128xf32, #tpu.memory_space<vmem_shared>>) target(%dma_start3A_45 : memref<16x128xf32, #tpu.memory_space<hbm>>) target_semaphore(%run_scoped3A : memref<!tpu.dma_semaphore, #tpu.memory_space<semaphore_mem>>)
        %dma_wait3A_49 = arith.constant 0 : i32
        %dma_wait3A_50 = arith.constant 0 : i32
        %dma_wait3A_51 = tpu.memref_slice %arg3[%arg0, %dma_wait3A_49, %dma_wait3A_50] : memref<2x10000x128xf32, #tpu.memory_space<hbm>> -> memref<1x10000x128xf32, #tpu.memory_space<hbm>>
        %dma_wait3A_52 = tpu.memref_squeeze %dma_wait3A_51 : memref<1x10000x128xf32, #tpu.memory_space<hbm>> -> memref<10000x128xf32, #tpu.memory_space<hbm>>
        %dma_wait3A_53 = arith.constant 9984 : i32
        %dma_wait3A_54 = arith.constant 0 : i32
        %dma_wait3A_55 = tpu.memref_slice %dma_wait3A_52[%dma_wait3A_53, %dma_wait3A_54] : memref<10000x128xf32, #tpu.memory_space<hbm>> -> memref<16x128xf32, #tpu.memory_space<hbm>>
        %dma_wait3A_56 = arith.constant 9984 : i32
        %dma_wait3A_57 = arith.constant 0 : i32
        %dma_wait3A_58 = tpu.memref_slice %arg7[%dma_wait3A_56, %dma_wait3A_57] : memref<10240x128xf32, #tpu.memory_space<vmem_shared>> -> memref<16x128xf32, #tpu.memory_space<vmem_shared>>
        tpu.wait_dma2 semaphore(%run_scoped3A : memref<!tpu.dma_semaphore, #tpu.memory_space<semaphore_mem>>) src(%dma_wait3A_58 : memref<16x128xf32, #tpu.memory_space<vmem_shared>>) dst(%dma_wait3A_55 : memref<16x128xf32, #tpu.memory_space<hbm>>)
        tpu.yield
      }) : () -> ()
    } else {
    }
    return
  }
}

module attributes {stable_mosaic.version = 14 : i64} {
  func.func @body(%arg0: memref<10000x128xf32, #tpu.memory_space<vmem>>, %arg1: memref<128x128xf32, #tpu.memory_space<vmem>>, %arg2: memref<2x10000x128xf32, #tpu.memory_space<vmem>>, %arg3: memref<10000x128xf32, #tpu.memory_space<vmem>>, %arg4: memref<10000x8xf32, #tpu.memory_space<vmem>>) attributes {dimension_semantics = [], scalar_prefetch = 0 : i64, scratch_operands = 0 : i64, tpu.core_type = #tpu.core_type<tc>} {
    %get3A = arith.constant 0 : index
    %get3A_0 = arith.constant 0 : index
    %get3A_1 = arith.constant 0 : index
    %get3A_2 = vector.load %arg2[%get3A, %get3A_0, %get3A_1] : memref<2x10000x128xf32, #tpu.memory_space<vmem>>, vector<1x10000x128xf32>
    %get3A_3 = vector.shape_cast %get3A_2 : vector<1x10000x128xf32> to vector<10000x128xf32>
    %slice3A = vector.extract_strided_slice %get3A_3 {offsets = [0, 0], sizes = [10000, 1], strides = [1, 1]} : vector<10000x128xf32> to vector<10000x1xf32>
    %add3A = arith.constant 1.000000e+00 : f32
    %add3A_4 = vector.broadcast %add3A : f32 to vector<10000x1xf32>
    %add3A_5 = arith.addf %add3A_4, %slice3A : vector<10000x1xf32>
    %get3A_6 = arith.constant 1 : index
    %get3A_7 = arith.constant 0 : index
    %get3A_8 = arith.constant 0 : index
    %get3A_9 = vector.load %arg2[%get3A_6, %get3A_7, %get3A_8] : memref<2x10000x128xf32, #tpu.memory_space<vmem>>, vector<1x10000x128xf32>
    %get3A_10 = vector.shape_cast %get3A_9 : vector<1x10000x128xf32> to vector<10000x128xf32>
    %slice3A_11 = vector.extract_strided_slice %get3A_10 {offsets = [0, 0], sizes = [10000, 1], strides = [1, 1]} : vector<10000x128xf32> to vector<10000x1xf32>
    %add3A_12 = arith.addf %add3A_5, %slice3A_11 : vector<10000x1xf32>
    %sqrt3A = math.sqrt %add3A_12 : vector<10000x1xf32>
    %div3A = arith.constant 1.000000e+00 : f32
    %div3A_13 = vector.broadcast %div3A : f32 to vector<10000x1xf32>
    %div3A_14 = arith.divf %div3A_13, %sqrt3A : vector<10000x1xf32>
    %broadcast_in_dim3A = vector.shape_cast %div3A_14 : vector<10000x1xf32> to vector<10000x1xf32>
    %broadcast_in_dim3A_15 = vector.broadcast %broadcast_in_dim3A : vector<10000x1xf32> to vector<10000x8xf32>
    %swap3A = arith.constant 0 : index
    %swap3A_16 = arith.constant 0 : index
    %swap3A_17 = vector.load %arg4[%swap3A, %swap3A_16] : memref<10000x8xf32, #tpu.memory_space<vmem>>, vector<10000x8xf32>
    tpu.vector_store %arg4[%swap3A, %swap3A_16], %broadcast_in_dim3A_15 {strides = array<i32>} : memref<10000x8xf32, #tpu.memory_space<vmem>>, vector<10000x8xf32>,
    %get3A_18 = arith.constant 0 : index
    %get3A_19 = arith.constant 0 : index
    %get3A_20 = vector.load %arg0[%get3A_18, %get3A_19] : memref<10000x128xf32, #tpu.memory_space<vmem>>, vector<10000x128xf32>
    %get3A_21 = arith.constant 0 : index
    %get3A_22 = arith.constant 0 : index
    %get3A_23 = vector.load %arg1[%get3A_21, %get3A_22] : memref<128x128xf32, #tpu.memory_space<vmem>>, vector<128x128xf32>
    %dot_general3A = arith.constant dense<0.000000e+00> : vector<10000x128xf32>
    %dot_general3A_24 = tpu.matmul %get3A_20, %get3A_23, %dot_general3A {dimension_numbers = #tpu.dot_dimension_numbers<[1], [0], [0], [1], [0, 0, 1, 1], [], []>, transpose_lhs_hint = false} : vector<10000x128xf32>, vector<128x128xf32>, vector<10000x128xf32> -> vector<10000x128xf32>
    %mul3A = vector.broadcast %div3A_14 : vector<10000x1xf32> to vector<10000x128xf32>
    %mul3A_25 = arith.mulf %dot_general3A_24, %mul3A : vector<10000x128xf32>
    %swap3A_26 = arith.constant 0 : index
    %swap3A_27 = arith.constant 0 : index
    %swap3A_28 = vector.load %arg3[%swap3A_26, %swap3A_27] : memref<10000x128xf32, #tpu.memory_space<vmem>>, vector<10000x128xf32>
    tpu.vector_store %arg3[%swap3A_26, %swap3A_27], %mul3A_25 {strides = array<i32>} : memref<10000x128xf32, #tpu.memory_space<vmem>>, vector<10000x128xf32>,
    return
  }
}

module attributes {stable_mosaic.version = 14 : i64} {
  func.func @body(%arg0: memref<10000x128xf32, #tpu.memory_space<vmem>>, %arg1: memref<128x128xf32, #tpu.memory_space<vmem>>, %arg2: memref<1x128xf32, #tpu.memory_space<vmem>>, %arg3: memref<10000x128xf32, #tpu.memory_space<vmem>>) attributes {dimension_semantics = [], scalar_prefetch = 0 : i64, scratch_operands = 0 : i64, tpu.core_type = #tpu.core_type<tc>} {
    %get3A = arith.constant 0 : index
    %get3A_0 = arith.constant 0 : index
    %get3A_1 = vector.load %arg0[%get3A, %get3A_0] : memref<10000x128xf32, #tpu.memory_space<vmem>>, vector<10000x128xf32>
    %get3A_2 = arith.constant 0 : index
    %get3A_3 = arith.constant 0 : index
    %get3A_4 = vector.load %arg1[%get3A_2, %get3A_3] : memref<128x128xf32, #tpu.memory_space<vmem>>, vector<128x128xf32>
    %dot_general3A = arith.constant dense<0.000000e+00> : vector<10000x128xf32>
    %dot_general3A_5 = tpu.matmul %get3A_1, %get3A_4, %dot_general3A {dimension_numbers = #tpu.dot_dimension_numbers<[1], [0], [0], [1], [0, 0, 1, 1], [], []>, transpose_lhs_hint = false} : vector<10000x128xf32>, vector<128x128xf32>, vector<10000x128xf32> -> vector<10000x128xf32>
    %get3A_6 = arith.constant 0 : index
    %get3A_7 = arith.constant 0 : index
    %get3A_8 = vector.load %arg2[%get3A_6, %get3A_7] : memref<1x128xf32, #tpu.memory_space<vmem>>, vector<1x128xf32>
    %add3A = vector.broadcast %get3A_8 : vector<1x128xf32> to vector<10000x128xf32>
    %add3A_9 = arith.addf %dot_general3A_5, %add3A : vector<10000x128xf32>
    %max3A = arith.constant 0.000000e+00 : f32
    %max3A_10 = vector.broadcast %max3A : f32 to vector<10000x128xf32>
    %max3A_11 = arith.maximumf %add3A_9, %max3A_10 : vector<10000x128xf32>
    %swap3A = arith.constant 0 : index
    %swap3A_12 = arith.constant 0 : index
    %swap3A_13 = vector.load %arg3[%swap3A, %swap3A_12] : memref<10000x128xf32, #tpu.memory_space<vmem>>, vector<10000x128xf32>
    tpu.vector_store %arg3[%swap3A, %swap3A_12], %max3A_11 {strides = array<i32>} : memref<10000x128xf32, #tpu.memory_space<vmem>>, vector<10000x128xf32>,
    return
  }
}

module attributes {stable_mosaic.version = 14 : i64} {
  func.func @body(%arg0: memref<2x10000x128xf32, #tpu.memory_space<vmem>>, %arg1: memref<10000x128xf32, #tpu.memory_space<vmem>>, %arg2: memref<1x128xf32, #tpu.memory_space<vmem>>, %arg3: memref<128x128xf32, #tpu.memory_space<vmem>>, %arg4: memref<10000x8xf32, #tpu.memory_space<vmem>>, %arg5: memref<10000x128xf32, #tpu.memory_space<vmem>>) attributes {dimension_semantics = [], scalar_prefetch = 0 : i64, scratch_operands = 0 : i64, tpu.core_type = #tpu.core_type<tc>} {
    %get3A = arith.constant 0 : index
    %get3A_0 = arith.constant 0 : index
    %get3A_1 = vector.load %arg4[%get3A, %get3A_0] : memref<10000x8xf32, #tpu.memory_space<vmem>>, vector<10000x1xf32>
    %get3A_2 = arith.constant 0 : index
    %get3A_3 = arith.constant 0 : index
    %get3A_4 = arith.constant 0 : index
    %get3A_5 = vector.load %arg0[%get3A_2, %get3A_3, %get3A_4] : memref<2x10000x128xf32, #tpu.memory_space<vmem>>, vector<1x10000x128xf32>
    %get3A_6 = vector.shape_cast %get3A_5 : vector<1x10000x128xf32> to vector<10000x128xf32>
    %get3A_7 = arith.constant 1 : index
    %get3A_8 = arith.constant 0 : index
    %get3A_9 = arith.constant 0 : index
    %get3A_10 = vector.load %arg0[%get3A_7, %get3A_8, %get3A_9] : memref<2x10000x128xf32, #tpu.memory_space<vmem>>, vector<1x10000x128xf32>
    %get3A_11 = vector.shape_cast %get3A_10 : vector<1x10000x128xf32> to vector<10000x128xf32>
    %add3A = arith.addf %get3A_6, %get3A_11 : vector<10000x128xf32>
    %get3A_12 = arith.constant 0 : index
    %get3A_13 = arith.constant 0 : index
    %get3A_14 = vector.load %arg1[%get3A_12, %get3A_13] : memref<10000x128xf32, #tpu.memory_space<vmem>>, vector<10000x128xf32>
    %add3A_15 = arith.addf %add3A, %get3A_14 : vector<10000x128xf32>
    %mul3A = vector.broadcast %get3A_1 : vector<10000x1xf32> to vector<10000x128xf32>
    %mul3A_16 = arith.mulf %mul3A, %add3A_15 : vector<10000x128xf32>
    %get3A_17 = arith.constant 0 : index
    %get3A_18 = arith.constant 0 : index
    %get3A_19 = vector.load %arg2[%get3A_17, %get3A_18] : memref<1x128xf32, #tpu.memory_space<vmem>>, vector<1x128xf32>
    %add3A_20 = vector.broadcast %get3A_19 : vector<1x128xf32> to vector<10000x128xf32>
    %add3A_21 = arith.addf %mul3A_16, %add3A_20 : vector<10000x128xf32>
    %max3A = arith.constant 0.000000e+00 : f32
    %max3A_22 = vector.broadcast %max3A : f32 to vector<10000x128xf32>
    %max3A_23 = arith.maximumf %add3A_21, %max3A_22 : vector<10000x128xf32>
    %get3A_24 = arith.constant 0 : index
    %get3A_25 = arith.constant 0 : index
    %get3A_26 = vector.load %arg3[%get3A_24, %get3A_25] : memref<128x128xf32, #tpu.memory_space<vmem>>, vector<128x128xf32>
    %dot_general3A = arith.constant dense<0.000000e+00> : vector<10000x128xf32>
    %dot_general3A_27 = tpu.matmul %max3A_23, %get3A_26, %dot_general3A {dimension_numbers = #tpu.dot_dimension_numbers<[1], [0], [0], [1], [0, 0, 1, 1], [], []>, transpose_lhs_hint = false} : vector<10000x128xf32>, vector<128x128xf32>, vector<10000x128xf32> -> vector<10000x128xf32>
    %mul3A_28 = vector.broadcast %get3A_1 : vector<10000x1xf32> to vector<10000x128xf32>
    %mul3A_29 = arith.mulf %dot_general3A_27, %mul3A_28 : vector<10000x128xf32>
    %swap3A = arith.constant 0 : index
    %swap3A_30 = arith.constant 0 : index
    %swap3A_31 = vector.load %arg5[%swap3A, %swap3A_30] : memref<10000x128xf32, #tpu.memory_space<vmem>>, vector<10000x128xf32>
    tpu.vector_store %arg5[%swap3A, %swap3A_30], %mul3A_29 {strides = array<i32>} : memref<10000x128xf32, #tpu.memory_space<vmem>>, vector<10000x128xf32>,
    return
  }
}

module attributes {stable_mosaic.version = 14 : i64} {
  func.func @body(%arg0: memref<2x10000x128xf32, #tpu.memory_space<vmem>>, %arg1: memref<10000x128xf32, #tpu.memory_space<vmem>>, %arg2: memref<1x128xf32, #tpu.memory_space<vmem>>, %arg3: memref<10000x8xf32, #tpu.memory_space<vmem>>, %arg4: memref<10000x128xf32, #tpu.memory_space<vmem>>) attributes {dimension_semantics = [], scalar_prefetch = 0 : i64, scratch_operands = 0 : i64, tpu.core_type = #tpu.core_type<tc>} {
    %get3A = arith.constant 0 : index
    %get3A_0 = arith.constant 0 : index
    %get3A_1 = vector.load %arg3[%get3A, %get3A_0] : memref<10000x8xf32, #tpu.memory_space<vmem>>, vector<10000x1xf32>
    %get3A_2 = arith.constant 0 : index
    %get3A_3 = arith.constant 0 : index
    %get3A_4 = arith.constant 0 : index
    %get3A_5 = vector.load %arg0[%get3A_2, %get3A_3, %get3A_4] : memref<2x10000x128xf32, #tpu.memory_space<vmem>>, vector<1x10000x128xf32>
    %get3A_6 = vector.shape_cast %get3A_5 : vector<1x10000x128xf32> to vector<10000x128xf32>
    %get3A_7 = arith.constant 1 : index
    %get3A_8 = arith.constant 0 : index
    %get3A_9 = arith.constant 0 : index
    %get3A_10 = vector.load %arg0[%get3A_7, %get3A_8, %get3A_9] : memref<2x10000x128xf32, #tpu.memory_space<vmem>>, vector<1x10000x128xf32>
    %get3A_11 = vector.shape_cast %get3A_10 : vector<1x10000x128xf32> to vector<10000x128xf32>
    %add3A = arith.addf %get3A_6, %get3A_11 : vector<10000x128xf32>
    %get3A_12 = arith.constant 0 : index
    %get3A_13 = arith.constant 0 : index
    %get3A_14 = vector.load %arg1[%get3A_12, %get3A_13] : memref<10000x128xf32, #tpu.memory_space<vmem>>, vector<10000x128xf32>
    %add3A_15 = arith.addf %add3A, %get3A_14 : vector<10000x128xf32>
    %mul3A = vector.broadcast %get3A_1 : vector<10000x1xf32> to vector<10000x128xf32>
    %mul3A_16 = arith.mulf %mul3A, %add3A_15 : vector<10000x128xf32>
    %get3A_17 = arith.constant 0 : index
    %get3A_18 = arith.constant 0 : index
    %get3A_19 = vector.load %arg2[%get3A_17, %get3A_18] : memref<1x128xf32, #tpu.memory_space<vmem>>, vector<1x128xf32>
    %add3A_20 = vector.broadcast %get3A_19 : vector<1x128xf32> to vector<10000x128xf32>
    %add3A_21 = arith.addf %mul3A_16, %add3A_20 : vector<10000x128xf32>
    %swap3A = arith.constant 0 : index
    %swap3A_22 = arith.constant 0 : index
    %swap3A_23 = vector.load %arg4[%swap3A, %swap3A_22] : memref<10000x128xf32, #tpu.memory_space<vmem>>, vector<10000x128xf32>
    tpu.vector_store %arg4[%swap3A, %swap3A_22], %add3A_21 {strides = array<i32>} : memref<10000x128xf32, #tpu.memory_space<vmem>>, vector<10000x128xf32>,
    return
  }
}

</mosaic_0001>

<sc_bundles>
// kernel: kernel.12.cloned.1.call-start
scs
__scs_entry_jumppad:
0x0: {  	(pc) =	sbr.rel $0x88, $3  }
0x1: {  	(tag) =	ssettag $0x0;
	lr =	simm.s32 $0x1  }
0x2: {  	[smem:$0x3F99] =	sst lr;
	_ =	strace $0xD0000000  }
0x3: {  	_ = 	snop  }
0x4: {  	_ = 	snop  }
0x5: {  	_ = 	snop  }
0x6: {  	_ = 	snop  }
0x7: {  	_ = 	snop  }
__scs_overlays_trampoline_lowered:
0x8: {  	[smem:$0x3FA8] =	sst s0  }
0x9: {  	[smem:$0x3FA9] =	sst s1  }
0xa: {  	[smem:$0x3FAA] =	sst s2  }
0xb: {  	[smem:$0x3FAB] =	sst s3  }
0xc: {  	[smem:$0x3FAC] =	sst s4  }
0xd: {  	[smem:$0x3FAD] =	sst s5  }
0xe: {  	[smem:$0x3FAE] =	sst s6  }
0xf: {  	[smem:$0x3FAF] =	sst s7  }
0x10: {  	[smem:$0x3FB0] =	sst s8  }
0x11: {  	[smem:$0x3FB1] =	sst s9;
	s0 =	simm.s32 @!p0 $0x0  }
0x12: {  	s1 =	sld [smem:$0x3F97];
	s0 =	simm.s32 @p0 $0x1  }
0x13: {  	[smem:$0x3FB2] =	sst s0;
	s0 =	simm.s32 @!p1 $0x0  }
0x14: {  	s2 =	sld [smem:$0x3F96];
	s0 =	simm.s32 @p1 $0x1  }
0x15: {  	[smem:$0x3FB3] =	sst s0;
	s0 =	simm.s32 @!p2 $0x0  }
0x16: {  	s3 =	sld [smem:$0x3FDB];
	s0 =	simm.s32 @p2 $0x1  }
0x17: {  	s4 =	simm.s32 $0x1BF5;
	[smem:$0x3FB5] =	sst s0  }
0x18: {  	s0 =	sld [smem:$0x3F98];
	_ =	swait.ge [sflag:s4], $0x0  }
0x19: {  	s7 =	sld [smem:$0x3F99]  }
0x1a: {  	s8 =	sadd.s32 $0xFFFFE003, lr  }
0x1b: {  	s9 =	sadd.s32 $0xFFFFFEF7, lr;
	s5 =	simm.s32 $0xFFFFFFFF;
	p2 =	slt.u32 s8, $0xFFFFF086  }
0x1c: {  	p1 =	slt.u32 s9, $0xF7A;
	s5 =	simm.s32 @!p2 $0x0  }
0x1d: {  	s5 =	simm.s32 @p1 $0x1;
	p0 =	seq.s32 s7, s2  }
0x1e: {  	s7 =	smul.u32 @!p0 $0xF7A, s2;
	p2 =	seq.s32 @!p0 s5, $0x0  }
0x1f: {  	s9 =	smul.u32 $0xF7A, s1;
	s8 =	simm.s32 @!p0 $0x1BF5;
	p2 =	por !p2, p0  }
0x20: {  	[sflag:s8] =	ssyncset.s32 @!p0 $0xFFFFF086;
	s6 =	sadd.s32 @!p0 s3, s7;
	s7 =	simm.s32 @!p0 $0x108  }
0x21: {  	s3 =	sadd.s32 s3, s9;
	s6 =	sadd.s32 @!p0 $0x88, s6;
	s7 =	simm.s32 @p2 $0x1082  }
0x22: {  	[simem:s7], [sflag:s8] =	dma.local @!p0 [hbm:s6], $0xF7A  }
0x23: {  	s9 =	sor.u32 $0xD0000000, s2;
	s6 =	simm.s32 $0x108;
	_ =	swait.ge @!p0 [sflag:s8], $0x0  }
0x24: {  	s3 =	sadd.s32 $0x88, s3;
	s6 =	simm.s32 @!p1 $0x1082;
	[sflag:s4] =	ssyncset.s32 $0xFFFFF086  }
0x25: {  	[simem:s6], [sflag:s4] =	dma.local [hbm:s3], $0xF7A  }
0x26: {  	[smem:$0x3F99] =	sst s1;
	(tag) =	ssettag s2;
	_ =	strace s9  }
0x27: {  	s1 =	sld [smem:$0x3FA9]  }
0x28: {  	s2 =	sld [smem:$0x3FAA]  }
0x29: {  	s4 =	sld [smem:$0x3FAC]  }
0x2a: {  	p0 =	seq.s32 s5, $0x0;
	s5 =	sld [smem:$0x3FAD]  }
0x2b: {  	s6 =	sld [smem:$0x3FAE]  }
0x2c: {  	s7 =	sld [smem:$0x3FAF]  }
0x2d: {  	s3 =	simm.s32 $0x108;
	s8 =	sld [smem:$0x3FB0]  }
0x2e: {  	s3 =	simm.s32 @!p0 $0x1082;
	s9 =	sld [smem:$0x3FB1]  }
0x2f: {  	lr =	sadd.s32 s0, s3;
	s0 =	sld [smem:$0x3FA8]  }
0x30: {  	s3 =	sld [smem:$0x3FAB]  }
0x31: {  	[smem:$0x3FB4] =	sst s10  }
0x32: {  	s10 =	sld [smem:$0x3FB2];
	_ =	sdelay $0x3  }
0x33: {  	p0 =	seq.s32 s10, $0x1;
	s10 =	sld [smem:$0x3FB4];
	_ =	sdelay $0x3  }
0x34: {  	[smem:$0x3FB4] =	sst s10  }
0x35: {  	s10 =	sld [smem:$0x3FB3];
	_ =	sdelay $0x3  }
0x36: {  	p1 =	seq.s32 s10, $0x1;
	s10 =	sld [smem:$0x3FB4];
	_ =	sdelay $0x3  }
0x37: {  	[smem:$0x3FB4] =	sst s10  }
0x38: {  	s10 =	sld [smem:$0x3FB5]  }
0x39: {  	_ = 	snop;
	(pc) =	sbr.ind lr, $3  }
0x3a: {  	_ = 	snop  }
0x3b: {  	_ = 	snop  }
0x3c: {  	p2 =	seq.s32 s10, $0x1;
	s10 =	sld [smem:$0x3FB4]  }
0x3d: {  	_ =	shalt  }
0x3e: {  	_ =	shalt  }
0x3f: {  	_ =	shalt  }
0x40: {  	_ =	shalt  }
0x41: {  	_ =	shalt  }
0x42: {  	_ =	shalt  }
0x43: {  	_ =	shalt  }
0x44: {  	_ =	shalt  }
0x45: {  	_ =	shalt  }
0x46: {  	_ =	shalt  }
0x47: {  	_ =	shalt  }
0x48: {  	_ =	shalt  }
0x49: {  	_ =	shalt  }
0x4a: {  	_ =	shalt  }
0x4b: {  	_ =	shalt  }
0x4c: {  	_ =	shalt  }
0x4d: {  	_ =	shalt  }
0x4e: {  	_ =	shalt  }
0x4f: {  	_ =	shalt  }
0x50: {  	_ =	shalt  }
0x51: {  	_ =	shalt  }
0x52: {  	_ =	shalt  }
0x53: {  	_ =	shalt  }
0x54: {  	_ =	shalt  }
0x55: {  	_ =	shalt  }
0x56: {  	_ =	shalt  }
0x57: {  	_ =	shalt  }
0x58: {  	_ =	shalt  }
0x59: {  	_ =	shalt  }
0x5a: {  	_ =	shalt  }
0x5b: {  	_ =	shalt  }
0x5c: {  	_ =	shalt  }
0x5d: {  	_ =	shalt  }
0x5e: {  	_ =	shalt  }
0x5f: {  	_ =	shalt  }
0x60: {  	_ =	shalt  }
0x61: {  	_ =	shalt  }
0x62: {  	_ =	shalt  }
0x63: {  	_ =	shalt  }
0x64: {  	_ =	shalt  }
0x65: {  	_ =	shalt  }
0x66: {  	_ =	shalt  }
0x67: {  	_ =	shalt  }
0x68: {  	_ =	shalt  }
0x69: {  	_ =	shalt  }
0x6a: {  	_ =	shalt  }
0x6b: {  	_ =	shalt  }
0x6c: {  	_ =	shalt  }
0x6d: {  	_ =	shalt  }
0x6e: {  	_ =	shalt  }
0x6f: {  	_ =	shalt  }
0x70: {  	_ =	shalt  }
0x71: {  	_ =	shalt  }
0x72: {  	_ =	shalt  }
0x73: {  	_ =	shalt  }
0x74: {  	_ =	shalt  }
0x75: {  	_ =	shalt  }
0x76: {  	_ =	shalt  }
0x77: {  	_ =	shalt  }
0x78: {  	_ =	shalt  }
0x79: {  	_ =	shalt  }
0x7a: {  	_ =	shalt  }
0x7b: {  	_ =	shalt  }
0x7c: {  	_ =	shalt  }
0x7d: {  	_ =	shalt  }
0x7e: {  	_ =	shalt  }
0x7f: {  	_ =	shalt  }
0x80: {  	_ =	shalt  }
0x81: {  	_ =	shalt  }
0x82: {  	_ =	shalt  }
0x83: {  	_ =	shalt  }
0x84: {  	_ =	shalt  }
0x85: {  	_ =	shalt  }
0x86: {  	_ =	shalt  }
0x87: {  	_ =	shalt  }
.Lfunc_end0:
.L_simem_size_0:
called_computation.1_lowered:
.L_overlay_start_0:
0x88: {  	s2 =	sld [smem:$0x3FD9]  }
0x89: {  	s3 =	sld [smem:$0x3FFE];
	_ =	sdelay $0x1  }
0x8a: {  	s1 =	srdreg.scid  }
0x8b: {  	s0 =	sand.u32 $0x1, s1  }
0x8c: {  	s17 =	sshll.u32 s0, $0xA;
	s2 =	sadd.s32 s3, s2  }
0x8d: {  	s2 =	sadd.s32 s2, s17  }
0x8e: {  	[smem:$0x3FC0] =	sst s2  }
0x8f: {  	_ = 	snop  }
0x90: {  	s2 =	sld [smem:$0x3FD0];
	(tm) =	ssettm $0x1  }
0x91: {  	s18 =	sld [smem:$0x3FFB];
	_ =	sdelay $0x3  }
0x92: {  	_ =	strace s18  }
0x93: {  	s3 =	sld [smem:$0x3FFC];
	_ =	sdelay $0x3  }
0x94: {  	_ =	strace s3  }
0x95: {  	s3 =	sld [smem:$0x3FFD];
	_ =	sdelay $0x3  }
0x96: {  	_ =	strace s3  }
0x97: {  	_ =	strace $0x8FFFFFFF  }
0x98: {  	s19 =	sld [smem:$0x3FDB];
	_ =	sdelay $0x1  }
0x99: {  	s4 =	simm.s32 $_scs_section_size  }
0x9a: {  	s5 =	simm.s32 $_size__tile_overlayer_lowered;
	s6 =	simm.s32 $_tile_overlayer_lowered  }
0x9b: {  	s22 =	simm.s32 $0x1BFF;
	s21 =	sshll.u32 s6, $0x1;
	s3 =	sadd.s32 s4, s19  }
0x9c: {  	s7 =	simm.s32 $0x0;
	s20 =	sshll.u32 s5, $0x1;
	s5 =	sadd.s32 s21, s3  }
0x9d: {  	[timem:s7], [sflag:s22] =	dma.local [hbm:s5], s20  }
0x9e: {  	_ =	swait.ge [sflag:s22], s20  }
0x9f: {  	s4 =	ssub.s32 $0x0, s20;
	[sflag:s22] =	ssyncset.done $0x0  }
0xa0: {  	[sflag:s22] =	ssyncadd.s32 s4;
	_ =	sdelay $0x1  }
0xa1: {  	s23 =	simm.s32 $0x1B8B  }
0xa2: {  	_ =	swait.ge [sflag:s23], $0x1  }
0xa3: {  	[sflag:s23] =	ssyncset.done $0x0  }
0xa4: {  	s25 =	simm.s32 $0x1B8E;
	s24 =	sld [smem:$0x3FFE];
	[sflag:s23] =	ssyncadd.s32 $0xFFFFFFFF  }
0xa5: {  	s26 =	simm.s32 $execute0_lowered;
	[smem:$0x3FD2] =	sst s25  }
0xa6: {  	s5 =	sshll.u32 s26, $0x1;
	_ =	strace $0x80000049;
	[dreg:$0x1] =	wrdreg $0xFFFFFFFF  }
0xa7: {  	s28 =	simm.s32 $_size_execute0_lowered;
	s3 =	sadd.s32 s3, s5;
	[dreg:$0x0] =	wrdreg $0x0  }
0xa8: {  	s5 =	sshll.u32 s28, $0x1;
	[dreg:$0x2] =	wrdreg s3  }
0xa9: {  	[dreg:$0x3] =	wrdreg s5  }
0xaa: {  	[dreg:$0x4] =	wrdreg $0xC0  }
0xab: {  	_ =	task [dreg:s7], $0x5FFFF  }
0xac: {  	[dreg:$0x1] =	wrdreg $0xFFFFFFFF  }
0xad: {  	[dreg:$0x0] =	wrdreg $0x60  }
0xae: {  	[dreg:$0x2] =	wrdreg s2  }
0xaf: {  	[dreg:$0x3] =	wrdreg s24  }
0xb0: {  	[dreg:$0x4] =	wrdreg $0xA8000  }
0xb1: {  	[dreg:$0x5] =	wrdreg $0x9  }
0xb2: {  	_ =	task.clear_ibuf [dreg:s7], $0x6FFFF;
	_ =	strace $0x90000049  }
0xb3: {  	s29 =	simm.s32 $0x9;
	_ =	strace $0x8000004B  }
0xb4: {  	_ =	swait.ge [sflag:s29], $0x1  }
0xb5: {  	[sflag:s29] =	ssyncadd.s32 $0xFFFFFFFF  }
0xb6: {  	_ =	strace $0x9000004B  }
0xb7: {  	_ =	sfence  }
0xb8: {  	s30 =	sld [smem:$0x0];
	_ =	sdelay $0x2  }
0xb9: {  	s31 =	sshll.u32 s1, $0xD;
	s1 =	sshrl.u32 s1, $0x2  }
0xba: {  	s3 =	sand.u32 $0x4000, s31;
	s1 =	sadd.s32 s1, s30  }
0xbb: {  	s0 =	sor.u32 s3, s0;
	s1 =	sshll.u32 s1, $0x11  }
0xbc: {  	s0 =	sor.u32 s1, s0  }
0xbd: {  	s0 =	sadd.s32 $0x8F2B, s0  }
0xbe: {  	[sflag:s0] =	ssyncadd.remote.s32 $0x1  }
0xbf: {  	_ =	sfence.sel $0xFFFF  }
0xc0: {  	[dreg:$0x0] =	wrdreg $0xFFFFFFFF;
	(pc) =	sbr.abs _section_cstart, $3  }
0xc1: {  	[dreg:$0x1] =	wrdreg $0xFFFFFFFF  }
0xc2: {  	_ =	task.clear_ibuf [dreg:s7], $0x2FFFF;
	_ =	strace $0x9FFFFFFF  }
0xc3: {  	(tm) =	ssettm $0x7FFFFFFF  }
tec
execute0_lowered:
.L_overlay_start_1:
0x0: {  	(tag) =	ssettag $0x1  }
0x1: {  	s0 =	rddreg [dreg:$0x0]  }
0x2: {  	s5 =	rddreg [dreg:$0x1]  }
0x3: {  	s1 =	srdreg.scid;
	s2 =	stileid.u32  }
0x4: {  	s3 =	rddreg [dreg:$0x2];
	s4 =	simm.s32 $0x0;
	s14 =	simm.s32 $0x2800  }
0x5: {  	s15 =	simm.s32 $0x4;
	s16 =	simm.s32 $0x1400;
	s17 =	simm.s32 $0x3  }
0x6: {  	s18 =	simm.s32 $0x80;
	s19 =	simm.s32 $0x6800;
	s20 =	simm.s32 $0x1  }
0x7: {  	s21 =	simm.s32 $0x2;
	s22 =	simm.s32 $0x1380;
	s26 =	simm.s32 $0x2700  }
0x8: {  	s28 =	simm.s32 $0x2780;
	s6 =	sand.u32 $0x1, s1;
	s8 =	smul.u32 $0x50000, s2  }
0x9: {  	s7 =	sshll.u32 s2, $0x1;
	[smem:$0x7FF] =	sst s4;
	s11 =	smul.u32 $0x4E000, s2  }
0xa: {  	s23 =	smul.u32 $0x2700, s2;
	s25 =	sadd.s32 $0x138000, s3;
	p0 =	sne.s32 s2, $0x0  }
0xb: {  	s7 =	sor.u32 s6, s7;
	_ =	strace $0x8000004A;
	s9 =	smul.u32 $0x27100, s6  }
0xc: {  	s6 =	ssub.s32 $0x2, s6;
	s25 =	sshrl.u32 @!p0 s25, $0x3;
	s7 =	smul.u32 $0x500, s7  }
0xd: {  	s10 =	sshrl.u32 s6, $0x1;
	s8 =	sshrl.u32 s8, $0x2;
	s11 =	sshrl.u32 s11, $0x2  }
0xe: {  	s9 =	sadd.s32 s9, s5;
	s10 =	ssub.s32 s6, s10;
	s24 =	sadd.s32 s11, s3  }
0xf: {  	s7 =	sadd.s32 s7, s5;
	s5 =	sadd.s32 s8, s3;
	s8 =	sadd.s32 $0x17000, s9  }
0x10: {  	s9 =	smax.u32 s10, $0x1;
	s24 =	sshrl.u32 s24, $0x3;
	s6 =	sadd.s32 $0xD000, s7  }
0x11: {  	s7 =	sadd.s32 $0x3000, s7;
	s10 =	sadd.s32 $0x4000, s5;
	s11 =	sadd.s32 $0x8000, s5  }
0x12: {  	v0 =	vimm.f32 $0.0e+00;
	s12 =	sadd.s32 $0xC000, s5;
	s13 =	sadd.s32 $0x10000, s5;
	s23 =	sadd.s32 s23, s8  }
.LBB2_1:
0x13: {  	s29 =	simm.s32 $0x0;
	s30 =	simm.s32 $0x200  }
.LBB2_2:
0x14: {  	p1 =	sne.s32 s30, $0xFE00;
	[tilespmem:s29+$0x2870] =	vst v0  }
0x15: {  	[tilespmem:s29+$0x2800] =	vst v0  }
0x16: {  	[tilespmem:s29+$0x2810] =	vst v0  }
.Ltmp0:
0x17: {  	[tilespmem:s29+$0x2820] =	vst v0;
	(pc) =	sbr.rel @p1 .LBB2_2-.Ltmp0, $4  }
0x18: {  	[tilespmem:s29+$0x2830] =	vst v0  }
0x19: {  	[tilespmem:s29+$0x2840] =	vst v0  }
0x1a: {  	[tilespmem:s29+$0x2850] =	vst v0  }
0x1b: {  	[tilespmem:s29+$0x2860] =	vst v0;
	s29 =	sshra.s32 s30, $0x2;
	s30 =	sadd.s32 $0x200, s30  }
0x1c: {  	[tilespmem:s29+$0x2870] =	vst v0  }
0x1d: {  	[tilespmem:s29+$0x2800] =	vst v0  }
0x1e: {  	[tilespmem:s29+$0x2810] =	vst v0  }
0x1f: {  	[tilespmem:s29+$0x2820] =	vst v0  }
0x20: {  	[tilespmem:s29+$0x2830] =	vst v0  }
0x21: {  	[tilespmem:s29+$0x2840] =	vst v0  }
0x22: {  	[tilespmem:s29+$0x2850] =	vst v0  }
0x23: {  	[tilespmem:s29+$0x2860] =	vst v0  }
0x24: {  	[spmem:s5] =	stream.linear.scatter [tilespmem:s14], [sflag:$0x4], $0x4000, $0x38;
	[tilespmem:$0x1E800] =	vst v63  }
0x25: {  	_ =	swait.ge [sflag:s15], $0x4000  }
0x26: {  	[sflag:s15] =	ssyncset.done $0x0  }
0x27: {  	[sflag:s15] =	ssyncadd.s32 $0xFFFFC000  }
0x28: {  	[spmem:s10] =	stream.linear.scatter [tilespmem:s14], [sflag:$0x4], $0x4000, $0x38;
	[tilespmem:$0x1E800] =	vst v63  }
0x29: {  	_ =	swait.ge [sflag:s15], $0x4000  }
0x2a: {  	[sflag:s15] =	ssyncset.done $0x0  }
0x2b: {  	[sflag:s15] =	ssyncadd.s32 $0xFFFFC000  }
0x2c: {  	[spmem:s11] =	stream.linear.scatter [tilespmem:s14], [sflag:$0x4], $0x4000, $0x38;
	[tilespmem:$0x1E800] =	vst v63  }
0x2d: {  	_ =	swait.ge [sflag:s15], $0x4000  }
0x2e: {  	[sflag:s15] =	ssyncset.done $0x0  }
0x2f: {  	[sflag:s15] =	ssyncadd.s32 $0xFFFFC000  }
0x30: {  	[spmem:s12] =	stream.linear.scatter [tilespmem:s14], [sflag:$0x4], $0x4000, $0x38;
	[tilespmem:$0x1E800] =	vst v63  }
0x31: {  	_ =	swait.ge [sflag:s15], $0x4000  }
0x32: {  	[sflag:s15] =	ssyncset.done $0x0  }
0x33: {  	[sflag:s15] =	ssyncadd.s32 $0xFFFFC000  }
0x34: {  	[spmem:s13] =	stream.linear.scatter [tilespmem:s14], [sflag:$0x4], $0x4000, $0x38;
	[tilespmem:$0x1E800] =	vst v63  }
0x35: {  	_ =	swait.ge [sflag:s15], $0x4000  }
0x36: {  	[sflag:s15] =	ssyncset.done $0x0  }
0x37: {  	[sflag:s15] =	ssyncadd.s32 $0xFFFFC000  }
0x38: {  	s29 =	simm.s32 $0x0;
	[bflag:$0x0] =	sbarrier.arrive $0xFFFF  }
0x39: {  	[tilespmem:s29], [sflag:$0x3] =	stream.linear.gather [hbm4b:s6+s29], $0x1400, $0x38;
	[tilespmem:$0x1E800] =	vst v63  }
0x3a: {  	_ = 	snop  }
0x3b: {  	[tilespmem:s16], [sflag:$0x3] =	stream.linear.gather [hbm4b:s7+s29], $0x1400, $0x38;
	[tilespmem:$0x1E800] =	vst v63  }
0x3c: {  	_ =	swait.ge [sflag:s17], $0x1400  }
0x3d: {  	[sflag:s17] =	ssyncset.done $0x0  }
0x3e: {  	[sflag:s17] =	ssyncadd.s32 $0xFFFFEC00  }
0x3f: {  	_ =	swait.ge [sflag:s17], $0x1400  }
0x40: {  	[sflag:s17] =	ssyncset.done $0x0  }
0x41: {  	[sflag:s17] =	ssyncadd.s32 $0xFFFFEC00  }
0x42: {  	[tilespmem:s14], [sflag:$0x1] =	stream.indirect.gather [hbm4b:s0+s18], $0x80, s29, s18, $0xb8;
	[tilespmem:$0x1E800] =	vst v63  }
0x43: {  	s29 =	simm.s32 $0x80  }
0x44: {  	[tilespmem:s19], [sflag:$0x2] =	stream.indirect.gather [hbm4b:s0+s18], $0x80, s29, s18, $0xb8;
	[tilespmem:$0x1E800] =	vst v63  }
0x45: {  	_ =	swait.ge [sflag:s20], $0x4000  }
0x46: {  	[sflag:s20] =	ssyncset.done $0x0  }
0x47: {  	s29 =	simm.s32 $0x1400;
	[sflag:s20] =	ssyncadd.s32 $0xFFFFC000  }
0x48: {  	[spmem:s3] =	stream.indirect.scatter.add.f32 [tilespmem:s14], [sflag:$0x4], $0x80, s29, s18, $0xb8;
	[tilespmem:$0x1E800] =	vst v63  }
0x49: {  	_ =	swait.ge [sflag:s15], $0x4000  }
0x4a: {  	[sflag:s15] =	ssyncset.done $0x0  }
0x4b: {  	s29 =	simm.s32 $0x100;
	[sflag:s15] =	ssyncadd.s32 $0xFFFFC000  }
0x4c: {  	[tilespmem:s14], [sflag:$0x1] =	stream.indirect.gather [hbm4b:s0+s18], $0x80, s29, s18, $0xb8;
	[tilespmem:$0x1E800] =	vst v63  }
0x4d: {  	_ =	swait.ge [sflag:s21], $0x4000  }
0x4e: {  	[sflag:s21] =	ssyncset.done $0x0  }
0x4f: {  	s29 =	simm.s32 $0x1480;
	[sflag:s21] =	ssyncadd.s32 $0xFFFFC000  }
0x50: {  	[spmem:s3] =	stream.indirect.scatter.add.f32 [tilespmem:s19], [sflag:$0x4], $0x80, s29, s18, $0xb8;
	[tilespmem:$0x1E800] =	vst v63  }
0x51: {  	_ =	swait.ge [sflag:s15], $0x4000  }
0x52: {  	s30 =	simm.s32 $0x800;
	s29 =	simm.s32 $0x100;
	[sflag:s15] =	ssyncset.done $0x0  }
.LBB2_4:
0x53: {  	s31 =	sadd.s32 $0x80, s29  }
0x54: {  	[sflag:s15] =	ssyncadd.s32 $0xFFFFC000;
	s1 =	smov.u32 s30;
	s2 =	sadd.s32 $0x400, s30  }
0x55: {  	[tilespmem:s19], [sflag:$0x2] =	stream.indirect.gather [hbm4b:s0+s18], $0x80, s31, s18, $0xb8;
	[tilespmem:$0x1E800] =	vst v63  }
0x56: {  	p1 =	sne.s32 s30, $0x4800;
	_ =	swait.ge [sflag:s20], $0x4000  }
0x57: {  	[sflag:s20] =	ssyncset.done $0x0  }
0x58: {  	s30 =	sadd.s32 $0x1400, s29;
	[sflag:s20] =	ssyncadd.s32 $0xFFFFC000  }
0x59: {  	[spmem:s3] =	stream.indirect.scatter.add.f32 [tilespmem:s14], [sflag:$0x4], $0x80, s30, s18, $0xb8;
	[tilespmem:$0x1E800] =	vst v63  }
0x5a: {  	_ =	swait.ge [sflag:s15], $0x4000  }
0x5b: {  	[sflag:s15] =	ssyncset.done $0x0  }
0x5c: {  	s30 =	sadd.s32 $0x100, s29;
	[sflag:s15] =	ssyncadd.s32 $0xFFFFC000  }
0x5d: {  	[tilespmem:s14], [sflag:$0x1] =	stream.indirect.gather [hbm4b:s0+s18], $0x80, s30, s18, $0xb8;
	[tilespmem:$0x1E800] =	vst v63  }
0x5e: {  	_ =	swait.ge [sflag:s21], $0x4000  }
.Ltmp1:
0x5f: {  	[sflag:s21] =	ssyncset.done $0x0;
	(pc) =	sbr.rel @p1 .LBB2_4-.Ltmp1, $4  }
0x60: {  	s29 =	sadd.s32 $0x1480, s29;
	[sflag:s21] =	ssyncadd.s32 $0xFFFFC000  }
0x61: {  	[spmem:s3] =	stream.indirect.scatter.add.f32 [tilespmem:s19], [sflag:$0x4], $0x80, s29, s18, $0xb8;
	[tilespmem:$0x1E800] =	vst v63  }
0x62: {  	_ =	swait.ge [sflag:s15], $0x4000  }
0x63: {  	s30 =	smov.u32 s2;
	s29 =	sshra.s32 s1, $0x2;
	[sflag:s15] =	ssyncset.done $0x0  }
0x64: {  	s1 =	sadd.s32 $0x80, s29;
	[sflag:s15] =	ssyncadd.s32 $0xFFFFC000  }
0x65: {  	[tilespmem:s19], [sflag:$0x2] =	stream.indirect.gather [hbm4b:s0+s18], $0x80, s1, s18, $0xb8;
	[tilespmem:$0x1E800] =	vst v63  }
0x66: {  	_ =	swait.ge [sflag:s20], $0x4000  }
0x67: {  	[sflag:s20] =	ssyncset.done $0x0  }
0x68: {  	s2 =	sadd.s32 $0x1400, s29;
	[sflag:s20] =	ssyncadd.s32 $0xFFFFC000  }
0x69: {  	[spmem:s3] =	stream.indirect.scatter.add.f32 [tilespmem:s14], [sflag:$0x4], $0x80, s2, s18, $0xb8;
	[tilespmem:$0x1E800] =	vst v63  }
0x6a: {  	_ =	swait.ge [sflag:s15], $0x4000  }
0x6b: {  	[sflag:s15] =	ssyncset.done $0x0  }
0x6c: {  	s31 =	sadd.s32 $0x100, s29;
	[sflag:s15] =	ssyncadd.s32 $0xFFFFC000  }
0x6d: {  	[tilespmem:s14], [sflag:$0x1] =	stream.indirect.gather [hbm4b:s0+s18], $0x80, s31, s18, $0xb8;
	[tilespmem:$0x1E800] =	vst v63  }
0x6e: {  	_ =	swait.ge [sflag:s21], $0x4000  }
0x6f: {  	[sflag:s21] =	ssyncset.done $0x0  }
0x70: {  	s2 =	sadd.s32 $0x1480, s29;
	[sflag:s21] =	ssyncadd.s32 $0xFFFFC000  }
0x71: {  	[spmem:s3] =	stream.indirect.scatter.add.f32 [tilespmem:s19], [sflag:$0x4], $0x80, s2, s18, $0xb8;
	[tilespmem:$0x1E800] =	vst v63  }
0x72: {  	_ =	swait.ge [sflag:s15], $0x4000  }
0x73: {  	[sflag:s15] =	ssyncset.done $0x0  }
0x74: {  	[sflag:s15] =	ssyncadd.s32 $0xFFFFC000  }
0x75: {  	[tilespmem:s19], [sflag:$0x2] =	stream.indirect.gather [hbm4b:s0+s18], $0x80, s22, s18, $0xb8;
	[tilespmem:$0x1E800] =	vst v63  }
0x76: {  	_ =	swait.ge [sflag:s20], $0x4000  }
0x77: {  	[sflag:s20] =	ssyncset.done $0x0  }
0x78: {  	[sflag:s20] =	ssyncadd.s32 $0xFFFFC000  }
0x79: {  	[spmem:s3] =	stream.indirect.scatter.add.f32 [tilespmem:s14], [sflag:$0x4], $0x80, s26, s18, $0xb8;
	[tilespmem:$0x1E800] =	vst v63  }
0x7a: {  	_ =	swait.ge [sflag:s15], $0x4000  }
0x7b: {  	[sflag:s15] =	ssyncset.done $0x0  }
0x7c: {  	[sflag:s15] =	ssyncadd.s32 $0xFFFFC000  }
0x7d: {  	_ =	swait.ge [sflag:s21], $0x4000  }
0x7e: {  	[sflag:s21] =	ssyncset.done $0x0  }
0x7f: {  	[sflag:s21] =	ssyncadd.s32 $0xFFFFC000  }
0x80: {  	[spmem:s3] =	stream.indirect.scatter.add.f32 [tilespmem:s19], [sflag:$0x4], $0x80, s28, s18, $0xb8;
	[tilespmem:$0x1E800] =	vst v63  }
0x81: {  	_ =	swait.ge [sflag:s15], $0x4000  }
0x82: {  	[sflag:s15] =	ssyncset.done $0x0  }
0x83: {  	s31 =	sadd.s32 $0x280, s6;
	s2 =	simm.s32 $0x0;
	[sflag:s15] =	ssyncadd.s32 $0xFFFFC000  }
0x84: {  	[tilespmem:s2], [sflag:$0x3] =	stream.linear.gather [hbm4b:s31+s2], $0x1400, $0x38;
	[tilespmem:$0x1E800] =	vst v63  }
0x85: {  	s31 =	sadd.s32 $0x280, s7  }
0x86: {  	[tilespmem:s16], [sflag:$0x3] =	stream.linear.gather [hbm4b:s31+s2], $0x1400, $0x38;
	[tilespmem:$0x1E800] =	vst v63  }
0x87: {  	_ =	swait.ge [sflag:s17], $0x1400  }
0x88: {  	[sflag:s17] =	ssyncset.done $0x0  }
0x89: {  	[sflag:s17] =	ssyncadd.s32 $0xFFFFEC00  }
0x8a: {  	_ =	swait.ge [sflag:s17], $0x1400  }
0x8b: {  	[sflag:s17] =	ssyncset.done $0x0  }
0x8c: {  	[sflag:s17] =	ssyncadd.s32 $0xFFFFEC00  }
0x8d: {  	[tilespmem:s14], [sflag:$0x1] =	stream.indirect.gather [hbm4b:s0+s18], $0x80, s2, s18, $0xb8;
	[tilespmem:$0x1E800] =	vst v63  }
0x8e: {  	s2 =	simm.s32 $0x80  }
0x8f: {  	[tilespmem:s19], [sflag:$0x2] =	stream.indirect.gather [hbm4b:s0+s18], $0x80, s2, s18, $0xb8;
	[tilespmem:$0x1E800] =	vst v63  }
0x90: {  	_ =	swait.ge [sflag:s20], $0x4000  }
0x91: {  	[sflag:s20] =	ssyncset.done $0x0  }
0x92: {  	s31 =	simm.s32 $0x1400;
	[sflag:s20] =	ssyncadd.s32 $0xFFFFC000  }
0x93: {  	[spmem:s3] =	stream.indirect.scatter.add.f32 [tilespmem:s14], [sflag:$0x4], $0x80, s31, s18, $0xb8;
	[tilespmem:$0x1E800] =	vst v63  }
0x94: {  	_ =	swait.ge [sflag:s15], $0x4000  }
0x95: {  	[sflag:s15] =	ssyncset.done $0x0  }
0x96: {  	s2 =	simm.s32 $0x100;
	[sflag:s15] =	ssyncadd.s32 $0xFFFFC000  }
0x97: {  	[tilespmem:s14], [sflag:$0x1] =	stream.indirect.gather [hbm4b:s0+s18], $0x80, s2, s18, $0xb8;
	[tilespmem:$0x1E800] =	vst v63  }
0x98: {  	_ =	swait.ge [sflag:s21], $0x4000  }
0x99: {  	[sflag:s21] =	ssyncset.done $0x0  }
0x9a: {  	s31 =	simm.s32 $0x1480;
	[sflag:s21] =	ssyncadd.s32 $0xFFFFC000  }
0x9b: {  	[spmem:s3] =	stream.indirect.scatter.add.f32 [tilespmem:s19], [sflag:$0x4], $0x80, s31, s18, $0xb8;
	[tilespmem:$0x1E800] =	vst v63  }
0x9c: {  	_ =	swait.ge [sflag:s15], $0x4000  }
0x9d: {  	s30 =	simm.s32 $0x800;
	s29 =	simm.s32 $0x100;
	[sflag:s15] =	ssyncset.done $0x0  }
.LBB2_6:
0x9e: {  	s1 =	sadd.s32 $0x80, s29  }
0x9f: {  	[sflag:s15] =	ssyncadd.s32 $0xFFFFC000;
	s2 =	smov.u32 s30;
	s31 =	sadd.s32 $0x400, s30  }
0xa0: {  	[tilespmem:s19], [sflag:$0x2] =	stream.indirect.gather [hbm4b:s0+s18], $0x80, s1, s18, $0xb8;
	[tilespmem:$0x1E800] =	vst v63  }
0xa1: {  	p1 =	sne.s32 s30, $0x4800;
	_ =	swait.ge [sflag:s20], $0x4000  }
0xa2: {  	[sflag:s20] =	ssyncset.done $0x0  }
0xa3: {  	s1 =	sadd.s32 $0x1400, s29;
	[sflag:s20] =	ssyncadd.s32 $0xFFFFC000  }
0xa4: {  	[spmem:s3] =	stream.indirect.scatter.add.f32 [tilespmem:s14], [sflag:$0x4], $0x80, s1, s18, $0xb8;
	[tilespmem:$0x1E800] =	vst v63  }
0xa5: {  	_ =	swait.ge [sflag:s15], $0x4000  }
0xa6: {  	[sflag:s15] =	ssyncset.done $0x0  }
0xa7: {  	s1 =	sadd.s32 $0x100, s29;
	[sflag:s15] =	ssyncadd.s32 $0xFFFFC000  }
0xa8: {  	[tilespmem:s14], [sflag:$0x1] =	stream.indirect.gather [hbm4b:s0+s18], $0x80, s1, s18, $0xb8;
	[tilespmem:$0x1E800] =	vst v63  }
0xa9: {  	_ =	swait.ge [sflag:s21], $0x4000  }
.Ltmp2:
0xaa: {  	[sflag:s21] =	ssyncset.done $0x0;
	(pc) =	sbr.rel @p1 .LBB2_6-.Ltmp2, $4  }
0xab: {  	s1 =	sadd.s32 $0x1480, s29;
	[sflag:s21] =	ssyncadd.s32 $0xFFFFC000  }
0xac: {  	[spmem:s3] =	stream.indirect.scatter.add.f32 [tilespmem:s19], [sflag:$0x4], $0x80, s1, s18, $0xb8;
	[tilespmem:$0x1E800] =	vst v63  }
0xad: {  	_ =	swait.ge [sflag:s15], $0x4000  }
0xae: {  	s30 =	smov.u32 s31;
	s29 =	sshra.s32 s2, $0x2;
	[sflag:s15] =	ssyncset.done $0x0  }
0xaf: {  	s1 =	sadd.s32 $0x80, s29;
	[sflag:s15] =	ssyncadd.s32 $0xFFFFC000  }
0xb0: {  	[tilespmem:s19], [sflag:$0x2] =	stream.indirect.gather [hbm4b:s0+s18], $0x80, s1, s18, $0xb8;
	[tilespmem:$0x1E800] =	vst v63  }
0xb1: {  	_ =	swait.ge [sflag:s20], $0x4000  }
0xb2: {  	[sflag:s20] =	ssyncset.done $0x0  }
0xb3: {  	s31 =	sadd.s32 $0x1400, s29;
	[sflag:s20] =	ssyncadd.s32 $0xFFFFC000  }
0xb4: {  	[spmem:s3] =	stream.indirect.scatter.add.f32 [tilespmem:s14], [sflag:$0x4], $0x80, s31, s18, $0xb8;
	[tilespmem:$0x1E800] =	vst v63  }
0xb5: {  	_ =	swait.ge [sflag:s15], $0x4000  }
0xb6: {  	[sflag:s15] =	ssyncset.done $0x0  }
0xb7: {  	s2 =	sadd.s32 $0x100, s29;
	[sflag:s15] =	ssyncadd.s32 $0xFFFFC000  }
0xb8: {  	[tilespmem:s14], [sflag:$0x1] =	stream.indirect.gather [hbm4b:s0+s18], $0x80, s2, s18, $0xb8;
	[tilespmem:$0x1E800] =	vst v63  }
0xb9: {  	_ =	swait.ge [sflag:s21], $0x4000  }
0xba: {  	[sflag:s21] =	ssyncset.done $0x0  }
0xbb: {  	s30 =	sadd.s32 $0x1480, s29;
	[sflag:s21] =	ssyncadd.s32 $0xFFFFC000  }
0xbc: {  	[spmem:s3] =	stream.indirect.scatter.add.f32 [tilespmem:s19], [sflag:$0x4], $0x80, s30, s18, $0xb8;
	[tilespmem:$0x1E800] =	vst v63  }
0xbd: {  	_ =	swait.ge [sflag:s15], $0x4000  }
0xbe: {  	[sflag:s15] =	ssyncset.done $0x0  }
0xbf: {  	[sflag:s15] =	ssyncadd.s32 $0xFFFFC000  }
0xc0: {  	[tilespmem:s19], [sflag:$0x2] =	stream.indirect.gather [hbm4b:s0+s18], $0x80, s22, s18, $0xb8;
	[tilespmem:$0x1E800] =	vst v63  }
0xc1: {  	_ =	swait.ge [sflag:s20], $0x4000  }
0xc2: {  	[sflag:s20] =	ssyncset.done $0x0  }
0xc3: {  	[sflag:s20] =	ssyncadd.s32 $0xFFFFC000  }
0xc4: {  	[spmem:s3] =	stream.indirect.scatter.add.f32 [tilespmem:s14], [sflag:$0x4], $0x80, s26, s18, $0xb8;
	[tilespmem:$0x1E800] =	vst v63  }
0xc5: {  	_ =	swait.ge [sflag:s15], $0x4000  }
0xc6: {  	[sflag:s15] =	ssyncset.done $0x0  }
0xc7: {  	[sflag:s15] =	ssyncadd.s32 $0xFFFFC000  }
0xc8: {  	_ =	swait.ge [sflag:s21], $0x4000  }
0xc9: {  	[sflag:s21] =	ssyncset.done $0x0  }
0xca: {  	[sflag:s21] =	ssyncadd.s32 $0xFFFFC000  }
0xcb: {  	[spmem:s3] =	stream.indirect.scatter.add.f32 [tilespmem:s19], [sflag:$0x4], $0x80, s28, s18, $0xb8;
	[tilespmem:$0x1E800] =	vst v63  }
0xcc: {  	_ =	swait.ge [sflag:s15], $0x4000  }
0xcd: {  	s31 =	stileid.u32;
	[sflag:s15] =	ssyncset.done $0x0  }
0xce: {  	s1 =	sshll.u32 s31, $0x6;
	[sflag:s15] =	ssyncadd.s32 $0xFFFFC000  }
0xcf: {  	s1 =	sor.u32 $0x1C04, s1;
	[bflag:$0x0] =	sbarrier.arrive $0xFFFF  }
0xd0: {  	[hbm:s23], [sflag:s1] =	dma.local [spmem:s24], $0x2700  }
0xd1: {  	_ =	swait.ge [sflag:s15], $0x2700  }
0xd2: {  	s4 =	sadd.s32 $0x1, s4;
	[sflag:s15] =	ssyncset.done $0x0  }
0xd3: {  	p1 =	sne.s32 s4, s9;
	s2 =	sadd.s32 @!p0 $0x27000, s8;
	[sflag:s15] =	ssyncadd.s32 $0xFFFFD900  }
0xd4: {  	[hbm:s2], [sflag:s1] =	dma.local @!p0 [spmem:s25], $0x100  }
.Ltmp3:
0xd5: {  	_ = 	snop;
	(pc) =	sbr.rel @p1 .LBB2_1-.Ltmp3, $4  }
0xd6: {  	s1 =	simm.s32 @!p0 $0x4  }
0xd7: {  	_ =	swait.ge @!p0 [sflag:s1], $0x100  }
0xd8: {  	[sflag:s1] =	ssyncset.done @!p0 $0x0  }
0xd9: {  	[sflag:s1] =	ssyncadd.s32 @!p0 $0xFFFFFF00  }
0xda: {  	_ =	sfence.sel $0x180000  }
0xdb: {  	[bflag:$0x0] =	sbarrier.arrive $0xFFFF  }
0xdc: {  	_ =	strace $0x9000004A  }
0xdd: {  	[bflag:$0x2] =	sbarrier.arrive $0xFFFF  }
0xde: {  	s0 =	rddreg [dreg:$0x3]  }
0xdf: {  	s0 =	sadd.s32 @!p0 $0x100000, s0  }
0xe0: {  	[sflag:s0] =	ssyncadd.tile.s32 @!p0 $0x1;
	_ =	shalt  }
.Lfunc_end2:
_tile_overlayer_lowered:
.L_overlay_start_2:
0xe1: {  	(tag) =	ssettag $0x2  }
0xe2: {  	s0 =	rddreg [dreg:$0x0];
	s2 =	stileid.u32  }
0xe3: {  	s1 =	rddreg [dreg:$0x1];
	p0 =	sne.s32 s2, $0x0  }
0xe4: {  	s3 =	rddreg [dreg:$0x2];
	[bflag:$0x3] =	sbarrier.arrive $0xFFFF;
	s2 =	simm.s32 @!p0 $0x1C04  }
0xe5: {  	[timem:s3], [sflag:s2] =	dma.local @!p0 [hbm:s0], s1  }
0xe6: {  	s0 =	simm.s32 @!p0 $0x4  }
0xe7: {  	_ =	swait.ge @!p0 [sflag:s0], s1  }
0xe8: {  	s1 =	ssub.s32 @!p0 $0x0, s1;
	[sflag:s0] =	ssyncset.done @!p0 $0x0  }
0xe9: {  	[sflag:s0] =	ssyncadd.s32 @!p0 s1  }
0xea: {  	[bflag:$0x3] =	sbarrier.arrive $0xFFFF  }
0xeb: {  	_ =	shalt  }

// kernel: kernel.15.cloned.1.call-start
scs
__scs_entry_jumppad:
0x0: {  	(pc) =	sbr.rel $0x88, $3  }
0x1: {  	(tag) =	ssettag $0x0;
	lr =	simm.s32 $0x1  }
0x2: {  	[smem:$0x3F99] =	sst lr;
	_ =	strace $0xD0000000  }
0x3: {  	_ = 	snop  }
0x4: {  	_ = 	snop  }
0x5: {  	_ = 	snop  }
0x6: {  	_ = 	snop  }
0x7: {  	_ = 	snop  }
__scs_overlays_trampoline_lowered:
0x8: {  	[smem:$0x3FA8] =	sst s0  }
0x9: {  	[smem:$0x3FA9] =	sst s1  }
0xa: {  	[smem:$0x3FAA] =	sst s2  }
0xb: {  	[smem:$0x3FAB] =	sst s3  }
0xc: {  	[smem:$0x3FAC] =	sst s4  }
0xd: {  	[smem:$0x3FAD] =	sst s5  }
0xe: {  	[smem:$0x3FAE] =	sst s6  }
0xf: {  	[smem:$0x3FAF] =	sst s7  }
0x10: {  	[smem:$0x3FB0] =	sst s8  }
0x11: {  	[smem:$0x3FB1] =	sst s9;
	s0 =	simm.s32 @!p0 $0x0  }
0x12: {  	s1 =	sld [smem:$0x3F97];
	s0 =	simm.s32 @p0 $0x1  }
0x13: {  	[smem:$0x3FB2] =	sst s0;
	s0 =	simm.s32 @!p1 $0x0  }
0x14: {  	s2 =	sld [smem:$0x3F96];
	s0 =	simm.s32 @p1 $0x1  }
0x15: {  	[smem:$0x3FB3] =	sst s0;
	s0 =	simm.s32 @!p2 $0x0  }
0x16: {  	s3 =	sld [smem:$0x3FDB];
	s0 =	simm.s32 @p2 $0x1  }
0x17: {  	s4 =	simm.s32 $0x1BF5;
	[smem:$0x3FB5] =	sst s0  }
0x18: {  	s0 =	sld [smem:$0x3F98];
	_ =	swait.ge [sflag:s4], $0x0  }
0x19: {  	s7 =	sld [smem:$0x3F99]  }
0x1a: {  	s8 =	sadd.s32 $0xFFFFE003, lr  }
0x1b: {  	s9 =	sadd.s32 $0xFFFFFEF7, lr;
	s5 =	simm.s32 $0xFFFFFFFF;
	p2 =	slt.u32 s8, $0xFFFFF086  }
0x1c: {  	p1 =	slt.u32 s9, $0xF7A;
	s5 =	simm.s32 @!p2 $0x0  }
0x1d: {  	s5 =	simm.s32 @p1 $0x1;
	p0 =	seq.s32 s7, s2  }
0x1e: {  	s7 =	smul.u32 @!p0 $0xF7A, s2;
	p2 =	seq.s32 @!p0 s5, $0x0  }
0x1f: {  	s9 =	smul.u32 $0xF7A, s1;
	s8 =	simm.s32 @!p0 $0x1BF5;
	p2 =	por !p2, p0  }
0x20: {  	[sflag:s8] =	ssyncset.s32 @!p0 $0xFFFFF086;
	s6 =	sadd.s32 @!p0 s3, s7;
	s7 =	simm.s32 @!p0 $0x108  }
0x21: {  	s3 =	sadd.s32 s3, s9;
	s6 =	sadd.s32 @!p0 $0x88, s6;
	s7 =	simm.s32 @p2 $0x1082  }
0x22: {  	[simem:s7], [sflag:s8] =	dma.local @!p0 [hbm:s6], $0xF7A  }
0x23: {  	s9 =	sor.u32 $0xD0000000, s2;
	s6 =	simm.s32 $0x108;
	_ =	swait.ge @!p0 [sflag:s8], $0x0  }
0x24: {  	s3 =	sadd.s32 $0x88, s3;
	s6 =	simm.s32 @!p1 $0x1082;
	[sflag:s4] =	ssyncset.s32 $0xFFFFF086  }
0x25: {  	[simem:s6], [sflag:s4] =	dma.local [hbm:s3], $0xF7A  }
0x26: {  	[smem:$0x3F99] =	sst s1;
	(tag) =	ssettag s2;
	_ =	strace s9  }
0x27: {  	s1 =	sld [smem:$0x3FA9]  }
0x28: {  	s2 =	sld [smem:$0x3FAA]  }
0x29: {  	s4 =	sld [smem:$0x3FAC]  }
0x2a: {  	p0 =	seq.s32 s5, $0x0;
	s5 =	sld [smem:$0x3FAD]  }
0x2b: {  	s6 =	sld [smem:$0x3FAE]  }
0x2c: {  	s7 =	sld [smem:$0x3FAF]  }
0x2d: {  	s3 =	simm.s32 $0x108;
	s8 =	sld [smem:$0x3FB0]  }
0x2e: {  	s3 =	simm.s32 @!p0 $0x1082;
	s9 =	sld [smem:$0x3FB1]  }
0x2f: {  	lr =	sadd.s32 s0, s3;
	s0 =	sld [smem:$0x3FA8]  }
0x30: {  	s3 =	sld [smem:$0x3FAB]  }
0x31: {  	[smem:$0x3FB4] =	sst s10  }
0x32: {  	s10 =	sld [smem:$0x3FB2];
	_ =	sdelay $0x3  }
0x33: {  	p0 =	seq.s32 s10, $0x1;
	s10 =	sld [smem:$0x3FB4];
	_ =	sdelay $0x3  }
0x34: {  	[smem:$0x3FB4] =	sst s10  }
0x35: {  	s10 =	sld [smem:$0x3FB3];
	_ =	sdelay $0x3  }
0x36: {  	p1 =	seq.s32 s10, $0x1;
	s10 =	sld [smem:$0x3FB4];
	_ =	sdelay $0x3  }
0x37: {  	[smem:$0x3FB4] =	sst s10  }
0x38: {  	s10 =	sld [smem:$0x3FB5]  }
0x39: {  	_ = 	snop;
	(pc) =	sbr.ind lr, $3  }
0x3a: {  	_ = 	snop  }
0x3b: {  	_ = 	snop  }
0x3c: {  	p2 =	seq.s32 s10, $0x1;
	s10 =	sld [smem:$0x3FB4]  }
0x3d: {  	_ =	shalt  }
0x3e: {  	_ =	shalt  }
0x3f: {  	_ =	shalt  }
0x40: {  	_ =	shalt  }
0x41: {  	_ =	shalt  }
0x42: {  	_ =	shalt  }
0x43: {  	_ =	shalt  }
0x44: {  	_ =	shalt  }
0x45: {  	_ =	shalt  }
0x46: {  	_ =	shalt  }
0x47: {  	_ =	shalt  }
0x48: {  	_ =	shalt  }
0x49: {  	_ =	shalt  }
0x4a: {  	_ =	shalt  }
0x4b: {  	_ =	shalt  }
0x4c: {  	_ =	shalt  }
0x4d: {  	_ =	shalt  }
0x4e: {  	_ =	shalt  }
0x4f: {  	_ =	shalt  }
0x50: {  	_ =	shalt  }
0x51: {  	_ =	shalt  }
0x52: {  	_ =	shalt  }
0x53: {  	_ =	shalt  }
0x54: {  	_ =	shalt  }
0x55: {  	_ =	shalt  }
0x56: {  	_ =	shalt  }
0x57: {  	_ =	shalt  }
0x58: {  	_ =	shalt  }
0x59: {  	_ =	shalt  }
0x5a: {  	_ =	shalt  }
0x5b: {  	_ =	shalt  }
0x5c: {  	_ =	shalt  }
0x5d: {  	_ =	shalt  }
0x5e: {  	_ =	shalt  }
0x5f: {  	_ =	shalt  }
0x60: {  	_ =	shalt  }
0x61: {  	_ =	shalt  }
0x62: {  	_ =	shalt  }
0x63: {  	_ =	shalt  }
0x64: {  	_ =	shalt  }
0x65: {  	_ =	shalt  }
0x66: {  	_ =	shalt  }
0x67: {  	_ =	shalt  }
0x68: {  	_ =	shalt  }
0x69: {  	_ =	shalt  }
0x6a: {  	_ =	shalt  }
0x6b: {  	_ =	shalt  }
0x6c: {  	_ =	shalt  }
0x6d: {  	_ =	shalt  }
0x6e: {  	_ =	shalt  }
0x6f: {  	_ =	shalt  }
0x70: {  	_ =	shalt  }
0x71: {  	_ =	shalt  }
0x72: {  	_ =	shalt  }
0x73: {  	_ =	shalt  }
0x74: {  	_ =	shalt  }
0x75: {  	_ =	shalt  }
0x76: {  	_ =	shalt  }
0x77: {  	_ =	shalt  }
0x78: {  	_ =	shalt  }
0x79: {  	_ =	shalt  }
0x7a: {  	_ =	shalt  }
0x7b: {  	_ =	shalt  }
0x7c: {  	_ =	shalt  }
0x7d: {  	_ =	shalt  }
0x7e: {  	_ =	shalt  }
0x7f: {  	_ =	shalt  }
0x80: {  	_ =	shalt  }
0x81: {  	_ =	shalt  }
0x82: {  	_ =	shalt  }
0x83: {  	_ =	shalt  }
0x84: {  	_ =	shalt  }
0x85: {  	_ =	shalt  }
0x86: {  	_ =	shalt  }
0x87: {  	_ =	shalt  }
.Lfunc_end0:
.L_simem_size_0:
called_computation.2_lowered:
.L_overlay_start_0:
0x88: {  	s2 =	sld [smem:$0x3FD9]  }
0x89: {  	s3 =	sld [smem:$0x3FFE];
	_ =	sdelay $0x1  }
0x8a: {  	s1 =	srdreg.scid  }
0x8b: {  	s0 =	sand.u32 $0x1, s1  }
0x8c: {  	s17 =	sshll.u32 s0, $0xA;
	s2 =	sadd.s32 s3, s2  }
0x8d: {  	s2 =	sadd.s32 s2, s17  }
0x8e: {  	[smem:$0x3FC0] =	sst s2  }
0x8f: {  	_ = 	snop  }
0x90: {  	s2 =	sld [smem:$0x3FD0];
	(tm) =	ssettm $0x1  }
0x91: {  	s18 =	sld [smem:$0x3FFB];
	_ =	sdelay $0x3  }
0x92: {  	_ =	strace s18  }
0x93: {  	s3 =	sld [smem:$0x3FFC];
	_ =	sdelay $0x3  }
0x94: {  	_ =	strace s3  }
0x95: {  	s3 =	sld [smem:$0x3FFD];
	_ =	sdelay $0x3  }
0x96: {  	_ =	strace s3  }
0x97: {  	_ =	strace $0x8FFFFFFF  }
0x98: {  	s19 =	sld [smem:$0x3FDB];
	_ =	sdelay $0x1  }
0x99: {  	s4 =	simm.s32 $_scs_section_size  }
0x9a: {  	s5 =	simm.s32 $_size__tile_overlayer_lowered;
	s6 =	simm.s32 $_tile_overlayer_lowered  }
0x9b: {  	s22 =	simm.s32 $0x1BFF;
	s21 =	sshll.u32 s6, $0x1;
	s3 =	sadd.s32 s4, s19  }
0x9c: {  	s7 =	simm.s32 $0x0;
	s20 =	sshll.u32 s5, $0x1;
	s5 =	sadd.s32 s21, s3  }
0x9d: {  	[timem:s7], [sflag:s22] =	dma.local [hbm:s5], s20  }
0x9e: {  	_ =	swait.ge [sflag:s22], s20  }
0x9f: {  	s4 =	ssub.s32 $0x0, s20;
	[sflag:s22] =	ssyncset.done $0x0  }
0xa0: {  	[sflag:s22] =	ssyncadd.s32 s4;
	_ =	sdelay $0x1  }
0xa1: {  	s23 =	simm.s32 $0x1B8B  }
0xa2: {  	_ =	swait.ge [sflag:s23], $0x1  }
0xa3: {  	[sflag:s23] =	ssyncset.done $0x0  }
0xa4: {  	s25 =	simm.s32 $0x1B8E;
	s24 =	sld [smem:$0x3FFE];
	[sflag:s23] =	ssyncadd.s32 $0xFFFFFFFF  }
0xa5: {  	s26 =	simm.s32 $execute0_lowered;
	[smem:$0x3FD2] =	sst s25  }
0xa6: {  	s5 =	sshll.u32 s26, $0x1;
	_ =	strace $0x8000004C;
	[dreg:$0x1] =	wrdreg $0xFFFFFFFF  }
0xa7: {  	s28 =	simm.s32 $_size_execute0_lowered;
	s3 =	sadd.s32 s3, s5;
	[dreg:$0x0] =	wrdreg $0x0  }
0xa8: {  	s5 =	sshll.u32 s28, $0x1;
	[dreg:$0x2] =	wrdreg s3  }
0xa9: {  	[dreg:$0x3] =	wrdreg s5  }
0xaa: {  	[dreg:$0x4] =	wrdreg $0xC0  }
0xab: {  	_ =	task [dreg:s7], $0x5FFFF  }
0xac: {  	[dreg:$0x1] =	wrdreg $0xFFFFFFFF  }
0xad: {  	[dreg:$0x0] =	wrdreg $0x60  }
0xae: {  	[dreg:$0x2] =	wrdreg s2  }
0xaf: {  	[dreg:$0x3] =	wrdreg s24  }
0xb0: {  	[dreg:$0x4] =	wrdreg $0xA8000  }
0xb1: {  	[dreg:$0x5] =	wrdreg $0x9  }
0xb2: {  	_ =	task.clear_ibuf [dreg:s7], $0x6FFFF;
	_ =	strace $0x9000004C  }
0xb3: {  	s29 =	simm.s32 $0x9;
	_ =	strace $0x8000004E  }
0xb4: {  	_ =	swait.ge [sflag:s29], $0x1  }
0xb5: {  	[sflag:s29] =	ssyncadd.s32 $0xFFFFFFFF  }
0xb6: {  	_ =	strace $0x9000004E  }
0xb7: {  	_ =	sfence  }
0xb8: {  	s30 =	sld [smem:$0x0];
	_ =	sdelay $0x2  }
0xb9: {  	s31 =	sshll.u32 s1, $0xD;
	s1 =	sshrl.u32 s1, $0x2  }
0xba: {  	s3 =	sand.u32 $0x4000, s31;
	s1 =	sadd.s32 s1, s30  }
0xbb: {  	s0 =	sor.u32 s3, s0;
	s1 =	sshll.u32 s1, $0x11  }
0xbc: {  	s0 =	sor.u32 s1, s0  }
0xbd: {  	s0 =	sadd.s32 $0x8F2B, s0  }
0xbe: {  	[sflag:s0] =	ssyncadd.remote.s32 $0x1  }
0xbf: {  	_ =	sfence.sel $0xFFFF  }
0xc0: {  	[dreg:$0x0] =	wrdreg $0xFFFFFFFF;
	(pc) =	sbr.abs _section_cstart, $3  }
0xc1: {  	[dreg:$0x1] =	wrdreg $0xFFFFFFFF  }
0xc2: {  	_ =	task.clear_ibuf [dreg:s7], $0x2FFFF;
	_ =	strace $0x9FFFFFFF  }
0xc3: {  	(tm) =	ssettm $0x7FFFFFFF  }
tec
execute0_lowered:
.L_overlay_start_1:
0x0: {  	(tag) =	ssettag $0x1  }
0x1: {  	s0 =	rddreg [dreg:$0x0]  }
0x2: {  	s5 =	rddreg [dreg:$0x1]  }
0x3: {  	s1 =	srdreg.scid;
	s2 =	stileid.u32  }
0x4: {  	s3 =	rddreg [dreg:$0x2];
	s4 =	simm.s32 $0x0;
	s14 =	simm.s32 $0x2800  }
0x5: {  	s15 =	simm.s32 $0x4;
	s16 =	simm.s32 $0x1400;
	s17 =	simm.s32 $0x3  }
0x6: {  	s18 =	simm.s32 $0x80;
	s19 =	simm.s32 $0x6800;
	s20 =	simm.s32 $0x1  }
0x7: {  	s21 =	simm.s32 $0x2;
	s22 =	simm.s32 $0x1380;
	s26 =	simm.s32 $0x2700  }
0x8: {  	s28 =	simm.s32 $0x2780;
	s6 =	sand.u32 $0x1, s1;
	s8 =	smul.u32 $0x50000, s2  }
0x9: {  	s7 =	sshll.u32 s2, $0x1;
	[smem:$0x7FF] =	sst s4;
	s11 =	smul.u32 $0x4E000, s2  }
0xa: {  	s23 =	smul.u32 $0x2700, s2;
	s25 =	sadd.s32 $0x138000, s3;
	p0 =	sne.s32 s2, $0x0  }
0xb: {  	s7 =	sor.u32 s6, s7;
	_ =	strace $0x8000004D;
	s9 =	smul.u32 $0x27100, s6  }
0xc: {  	s6 =	ssub.s32 $0x2, s6;
	s25 =	sshrl.u32 @!p0 s25, $0x3;
	s7 =	smul.u32 $0x500, s7  }
0xd: {  	s10 =	sshrl.u32 s6, $0x1;
	s8 =	sshrl.u32 s8, $0x2;
	s11 =	sshrl.u32 s11, $0x2  }
0xe: {  	s9 =	sadd.s32 s9, s5;
	s10 =	ssub.s32 s6, s10;
	s24 =	sadd.s32 s11, s3  }
0xf: {  	s7 =	sadd.s32 s7, s5;
	s5 =	sadd.s32 s8, s3;
	s8 =	sadd.s32 $0x17000, s9  }
0x10: {  	s9 =	smax.u32 s10, $0x1;
	s24 =	sshrl.u32 s24, $0x3;
	s6 =	sadd.s32 $0xD000, s7  }
0x11: {  	s7 =	sadd.s32 $0x3000, s7;
	s10 =	sadd.s32 $0x4000, s5;
	s11 =	sadd.s32 $0x8000, s5  }
0x12: {  	v0 =	vimm.f32 $0.0e+00;
	s12 =	sadd.s32 $0xC000, s5;
	s13 =	sadd.s32 $0x10000, s5;
	s23 =	sadd.s32 s23, s8  }
.LBB2_1:
0x13: {  	s29 =	simm.s32 $0x0;
	s30 =	simm.s32 $0x200  }
.LBB2_2:
0x14: {  	p1 =	sne.s32 s30, $0xFE00;
	[tilespmem:s29+$0x2870] =	vst v0  }
0x15: {  	[tilespmem:s29+$0x2800] =	vst v0  }
0x16: {  	[tilespmem:s29+$0x2810] =	vst v0  }
.Ltmp0:
0x17: {  	[tilespmem:s29+$0x2820] =	vst v0;
	(pc) =	sbr.rel @p1 .LBB2_2-.Ltmp0, $4  }
0x18: {  	[tilespmem:s29+$0x2830] =	vst v0  }
0x19: {  	[tilespmem:s29+$0x2840] =	vst v0  }
0x1a: {  	[tilespmem:s29+$0x2850] =	vst v0  }
0x1b: {  	[tilespmem:s29+$0x2860] =	vst v0;
	s29 =	sshra.s32 s30, $0x2;
	s30 =	sadd.s32 $0x200, s30  }
0x1c: {  	[tilespmem:s29+$0x2870] =	vst v0  }
0x1d: {  	[tilespmem:s29+$0x2800] =	vst v0  }
0x1e: {  	[tilespmem:s29+$0x2810] =	vst v0  }
0x1f: {  	[tilespmem:s29+$0x2820] =	vst v0  }
0x20: {  	[tilespmem:s29+$0x2830] =	vst v0  }
0x21: {  	[tilespmem:s29+$0x2840] =	vst v0  }
0x22: {  	[tilespmem:s29+$0x2850] =	vst v0  }
0x23: {  	[tilespmem:s29+$0x2860] =	vst v0  }
0x24: {  	[spmem:s5] =	stream.linear.scatter [tilespmem:s14], [sflag:$0x4], $0x4000, $0x38;
	[tilespmem:$0x1E800] =	vst v63  }
0x25: {  	_ =	swait.ge [sflag:s15], $0x4000  }
0x26: {  	[sflag:s15] =	ssyncset.done $0x0  }
0x27: {  	[sflag:s15] =	ssyncadd.s32 $0xFFFFC000  }
0x28: {  	[spmem:s10] =	stream.linear.scatter [tilespmem:s14], [sflag:$0x4], $0x4000, $0x38;
	[tilespmem:$0x1E800] =	vst v63  }
0x29: {  	_ =	swait.ge [sflag:s15], $0x4000  }
0x2a: {  	[sflag:s15] =	ssyncset.done $0x0  }
0x2b: {  	[sflag:s15] =	ssyncadd.s32 $0xFFFFC000  }
0x2c: {  	[spmem:s11] =	stream.linear.scatter [tilespmem:s14], [sflag:$0x4], $0x4000, $0x38;
	[tilespmem:$0x1E800] =	vst v63  }
0x2d: {  	_ =	swait.ge [sflag:s15], $0x4000  }
0x2e: {  	[sflag:s15] =	ssyncset.done $0x0  }
0x2f: {  	[sflag:s15] =	ssyncadd.s32 $0xFFFFC000  }
0x30: {  	[spmem:s12] =	stream.linear.scatter [tilespmem:s14], [sflag:$0x4], $0x4000, $0x38;
	[tilespmem:$0x1E800] =	vst v63  }
0x31: {  	_ =	swait.ge [sflag:s15], $0x4000  }
0x32: {  	[sflag:s15] =	ssyncset.done $0x0  }
0x33: {  	[sflag:s15] =	ssyncadd.s32 $0xFFFFC000  }
0x34: {  	[spmem:s13] =	stream.linear.scatter [tilespmem:s14], [sflag:$0x4], $0x4000, $0x38;
	[tilespmem:$0x1E800] =	vst v63  }
0x35: {  	_ =	swait.ge [sflag:s15], $0x4000  }
0x36: {  	[sflag:s15] =	ssyncset.done $0x0  }
0x37: {  	[sflag:s15] =	ssyncadd.s32 $0xFFFFC000  }
0x38: {  	s29 =	simm.s32 $0x0;
	[bflag:$0x0] =	sbarrier.arrive $0xFFFF  }
0x39: {  	[tilespmem:s29], [sflag:$0x3] =	stream.linear.gather [hbm4b:s6+s29], $0x1400, $0x38;
	[tilespmem:$0x1E800] =	vst v63  }
0x3a: {  	_ = 	snop  }
0x3b: {  	[tilespmem:s16], [sflag:$0x3] =	stream.linear.gather [hbm4b:s7+s29], $0x1400, $0x38;
	[tilespmem:$0x1E800] =	vst v63  }
0x3c: {  	_ =	swait.ge [sflag:s17], $0x1400  }
0x3d: {  	[sflag:s17] =	ssyncset.done $0x0  }
0x3e: {  	[sflag:s17] =	ssyncadd.s32 $0xFFFFEC00  }
0x3f: {  	_ =	swait.ge [sflag:s17], $0x1400  }
0x40: {  	[sflag:s17] =	ssyncset.done $0x0  }
0x41: {  	[sflag:s17] =	ssyncadd.s32 $0xFFFFEC00  }
0x42: {  	[tilespmem:s14], [sflag:$0x1] =	stream.indirect.gather [hbm4b:s0+s18], $0x80, s29, s18, $0xb8;
	[tilespmem:$0x1E800] =	vst v63  }
0x43: {  	s29 =	simm.s32 $0x80  }
0x44: {  	[tilespmem:s19], [sflag:$0x2] =	stream.indirect.gather [hbm4b:s0+s18], $0x80, s29, s18, $0xb8;
	[tilespmem:$0x1E800] =	vst v63  }
0x45: {  	_ =	swait.ge [sflag:s20], $0x4000  }
0x46: {  	[sflag:s20] =	ssyncset.done $0x0  }
0x47: {  	s29 =	simm.s32 $0x1400;
	[sflag:s20] =	ssyncadd.s32 $0xFFFFC000  }
0x48: {  	[spmem:s3] =	stream.indirect.scatter.add.f32 [tilespmem:s14], [sflag:$0x4], $0x80, s29, s18, $0xb8;
	[tilespmem:$0x1E800] =	vst v63  }
0x49: {  	_ =	swait.ge [sflag:s15], $0x4000  }
0x4a: {  	[sflag:s15] =	ssyncset.done $0x0  }
0x4b: {  	s29 =	simm.s32 $0x100;
	[sflag:s15] =	ssyncadd.s32 $0xFFFFC000  }
0x4c: {  	[tilespmem:s14], [sflag:$0x1] =	stream.indirect.gather [hbm4b:s0+s18], $0x80, s29, s18, $0xb8;
	[tilespmem:$0x1E800] =	vst v63  }
0x4d: {  	_ =	swait.ge [sflag:s21], $0x4000  }
0x4e: {  	[sflag:s21] =	ssyncset.done $0x0  }
0x4f: {  	s29 =	simm.s32 $0x1480;
	[sflag:s21] =	ssyncadd.s32 $0xFFFFC000  }
0x50: {  	[spmem:s3] =	stream.indirect.scatter.add.f32 [tilespmem:s19], [sflag:$0x4], $0x80, s29, s18, $0xb8;
	[tilespmem:$0x1E800] =	vst v63  }
0x51: {  	_ =	swait.ge [sflag:s15], $0x4000  }
0x52: {  	s30 =	simm.s32 $0x800;
	s29 =	simm.s32 $0x100;
	[sflag:s15] =	ssyncset.done $0x0  }
.LBB2_4:
0x53: {  	s31 =	sadd.s32 $0x80, s29  }
0x54: {  	[sflag:s15] =	ssyncadd.s32 $0xFFFFC000;
	s1 =	smov.u32 s30;
	s2 =	sadd.s32 $0x400, s30  }
0x55: {  	[tilespmem:s19], [sflag:$0x2] =	stream.indirect.gather [hbm4b:s0+s18], $0x80, s31, s18, $0xb8;
	[tilespmem:$0x1E800] =	vst v63  }
0x56: {  	p1 =	sne.s32 s30, $0x4800;
	_ =	swait.ge [sflag:s20], $0x4000  }
0x57: {  	[sflag:s20] =	ssyncset.done $0x0  }
0x58: {  	s30 =	sadd.s32 $0x1400, s29;
	[sflag:s20] =	ssyncadd.s32 $0xFFFFC000  }
0x59: {  	[spmem:s3] =	stream.indirect.scatter.add.f32 [tilespmem:s14], [sflag:$0x4], $0x80, s30, s18, $0xb8;
	[tilespmem:$0x1E800] =	vst v63  }
0x5a: {  	_ =	swait.ge [sflag:s15], $0x4000  }
0x5b: {  	[sflag:s15] =	ssyncset.done $0x0  }
0x5c: {  	s30 =	sadd.s32 $0x100, s29;
	[sflag:s15] =	ssyncadd.s32 $0xFFFFC000  }
0x5d: {  	[tilespmem:s14], [sflag:$0x1] =	stream.indirect.gather [hbm4b:s0+s18], $0x80, s30, s18, $0xb8;
	[tilespmem:$0x1E800] =	vst v63  }
0x5e: {  	_ =	swait.ge [sflag:s21], $0x4000  }
.Ltmp1:
0x5f: {  	[sflag:s21] =	ssyncset.done $0x0;
	(pc) =	sbr.rel @p1 .LBB2_4-.Ltmp1, $4  }
0x60: {  	s29 =	sadd.s32 $0x1480, s29;
	[sflag:s21] =	ssyncadd.s32 $0xFFFFC000  }
0x61: {  	[spmem:s3] =	stream.indirect.scatter.add.f32 [tilespmem:s19], [sflag:$0x4], $0x80, s29, s18, $0xb8;
	[tilespmem:$0x1E800] =	vst v63  }
0x62: {  	_ =	swait.ge [sflag:s15], $0x4000  }
0x63: {  	s30 =	smov.u32 s2;
	s29 =	sshra.s32 s1, $0x2;
	[sflag:s15] =	ssyncset.done $0x0  }
0x64: {  	s1 =	sadd.s32 $0x80, s29;
	[sflag:s15] =	ssyncadd.s32 $0xFFFFC000  }
0x65: {  	[tilespmem:s19], [sflag:$0x2] =	stream.indirect.gather [hbm4b:s0+s18], $0x80, s1, s18, $0xb8;
	[tilespmem:$0x1E800] =	vst v63  }
0x66: {  	_ =	swait.ge [sflag:s20], $0x4000  }
0x67: {  	[sflag:s20] =	ssyncset.done $0x0  }
0x68: {  	s2 =	sadd.s32 $0x1400, s29;
	[sflag:s20] =	ssyncadd.s32 $0xFFFFC000  }
0x69: {  	[spmem:s3] =	stream.indirect.scatter.add.f32 [tilespmem:s14], [sflag:$0x4], $0x80, s2, s18, $0xb8;
	[tilespmem:$0x1E800] =	vst v63  }
0x6a: {  	_ =	swait.ge [sflag:s15], $0x4000  }
0x6b: {  	[sflag:s15] =	ssyncset.done $0x0  }
0x6c: {  	s31 =	sadd.s32 $0x100, s29;
	[sflag:s15] =	ssyncadd.s32 $0xFFFFC000  }
0x6d: {  	[tilespmem:s14], [sflag:$0x1] =	stream.indirect.gather [hbm4b:s0+s18], $0x80, s31, s18, $0xb8;
	[tilespmem:$0x1E800] =	vst v63  }
0x6e: {  	_ =	swait.ge [sflag:s21], $0x4000  }
0x6f: {  	[sflag:s21] =	ssyncset.done $0x0  }
0x70: {  	s2 =	sadd.s32 $0x1480, s29;
	[sflag:s21] =	ssyncadd.s32 $0xFFFFC000  }
0x71: {  	[spmem:s3] =	stream.indirect.scatter.add.f32 [tilespmem:s19], [sflag:$0x4], $0x80, s2, s18, $0xb8;
	[tilespmem:$0x1E800] =	vst v63  }
0x72: {  	_ =	swait.ge [sflag:s15], $0x4000  }
0x73: {  	[sflag:s15] =	ssyncset.done $0x0  }
0x74: {  	[sflag:s15] =	ssyncadd.s32 $0xFFFFC000  }
0x75: {  	[tilespmem:s19], [sflag:$0x2] =	stream.indirect.gather [hbm4b:s0+s18], $0x80, s22, s18, $0xb8;
	[tilespmem:$0x1E800] =	vst v63  }
0x76: {  	_ =	swait.ge [sflag:s20], $0x4000  }
0x77: {  	[sflag:s20] =	ssyncset.done $0x0  }
0x78: {  	[sflag:s20] =	ssyncadd.s32 $0xFFFFC000  }
0x79: {  	[spmem:s3] =	stream.indirect.scatter.add.f32 [tilespmem:s14], [sflag:$0x4], $0x80, s26, s18, $0xb8;
	[tilespmem:$0x1E800] =	vst v63  }
0x7a: {  	_ =	swait.ge [sflag:s15], $0x4000  }
0x7b: {  	[sflag:s15] =	ssyncset.done $0x0  }
0x7c: {  	[sflag:s15] =	ssyncadd.s32 $0xFFFFC000  }
0x7d: {  	_ =	swait.ge [sflag:s21], $0x4000  }
0x7e: {  	[sflag:s21] =	ssyncset.done $0x0  }
0x7f: {  	[sflag:s21] =	ssyncadd.s32 $0xFFFFC000  }
0x80: {  	[spmem:s3] =	stream.indirect.scatter.add.f32 [tilespmem:s19], [sflag:$0x4], $0x80, s28, s18, $0xb8;
	[tilespmem:$0x1E800] =	vst v63  }
0x81: {  	_ =	swait.ge [sflag:s15], $0x4000  }
0x82: {  	[sflag:s15] =	ssyncset.done $0x0  }
0x83: {  	s31 =	sadd.s32 $0x280, s6;
	s2 =	simm.s32 $0x0;
	[sflag:s15] =	ssyncadd.s32 $0xFFFFC000  }
0x84: {  	[tilespmem:s2], [sflag:$0x3] =	stream.linear.gather [hbm4b:s31+s2], $0x1400, $0x38;
	[tilespmem:$0x1E800] =	vst v63  }
0x85: {  	s31 =	sadd.s32 $0x280, s7  }
0x86: {  	[tilespmem:s16], [sflag:$0x3] =	stream.linear.gather [hbm4b:s31+s2], $0x1400, $0x38;
	[tilespmem:$0x1E800] =	vst v63  }
0x87: {  	_ =	swait.ge [sflag:s17], $0x1400  }
0x88: {  	[sflag:s17] =	ssyncset.done $0x0  }
0x89: {  	[sflag:s17] =	ssyncadd.s32 $0xFFFFEC00  }
0x8a: {  	_ =	swait.ge [sflag:s17], $0x1400  }
0x8b: {  	[sflag:s17] =	ssyncset.done $0x0  }
0x8c: {  	[sflag:s17] =	ssyncadd.s32 $0xFFFFEC00  }
0x8d: {  	[tilespmem:s14], [sflag:$0x1] =	stream.indirect.gather [hbm4b:s0+s18], $0x80, s2, s18, $0xb8;
	[tilespmem:$0x1E800] =	vst v63  }
0x8e: {  	s2 =	simm.s32 $0x80  }
0x8f: {  	[tilespmem:s19], [sflag:$0x2] =	stream.indirect.gather [hbm4b:s0+s18], $0x80, s2, s18, $0xb8;
	[tilespmem:$0x1E800] =	vst v63  }
0x90: {  	_ =	swait.ge [sflag:s20], $0x4000  }
0x91: {  	[sflag:s20] =	ssyncset.done $0x0  }
0x92: {  	s31 =	simm.s32 $0x1400;
	[sflag:s20] =	ssyncadd.s32 $0xFFFFC000  }
0x93: {  	[spmem:s3] =	stream.indirect.scatter.add.f32 [tilespmem:s14], [sflag:$0x4], $0x80, s31, s18, $0xb8;
	[tilespmem:$0x1E800] =	vst v63  }
0x94: {  	_ =	swait.ge [sflag:s15], $0x4000  }
0x95: {  	[sflag:s15] =	ssyncset.done $0x0  }
0x96: {  	s2 =	simm.s32 $0x100;
	[sflag:s15] =	ssyncadd.s32 $0xFFFFC000  }
0x97: {  	[tilespmem:s14], [sflag:$0x1] =	stream.indirect.gather [hbm4b:s0+s18], $0x80, s2, s18, $0xb8;
	[tilespmem:$0x1E800] =	vst v63  }
0x98: {  	_ =	swait.ge [sflag:s21], $0x4000  }
0x99: {  	[sflag:s21] =	ssyncset.done $0x0  }
0x9a: {  	s31 =	simm.s32 $0x1480;
	[sflag:s21] =	ssyncadd.s32 $0xFFFFC000  }
0x9b: {  	[spmem:s3] =	stream.indirect.scatter.add.f32 [tilespmem:s19], [sflag:$0x4], $0x80, s31, s18, $0xb8;
	[tilespmem:$0x1E800] =	vst v63  }
0x9c: {  	_ =	swait.ge [sflag:s15], $0x4000  }
0x9d: {  	s30 =	simm.s32 $0x800;
	s29 =	simm.s32 $0x100;
	[sflag:s15] =	ssyncset.done $0x0  }
.LBB2_6:
0x9e: {  	s1 =	sadd.s32 $0x80, s29  }
0x9f: {  	[sflag:s15] =	ssyncadd.s32 $0xFFFFC000;
	s2 =	smov.u32 s30;
	s31 =	sadd.s32 $0x400, s30  }
0xa0: {  	[tilespmem:s19], [sflag:$0x2] =	stream.indirect.gather [hbm4b:s0+s18], $0x80, s1, s18, $0xb8;
	[tilespmem:$0x1E800] =	vst v63  }
0xa1: {  	p1 =	sne.s32 s30, $0x4800;
	_ =	swait.ge [sflag:s20], $0x4000  }
0xa2: {  	[sflag:s20] =	ssyncset.done $0x0  }
0xa3: {  	s1 =	sadd.s32 $0x1400, s29;
	[sflag:s20] =	ssyncadd.s32 $0xFFFFC000  }
0xa4: {  	[spmem:s3] =	stream.indirect.scatter.add.f32 [tilespmem:s14], [sflag:$0x4], $0x80, s1, s18, $0xb8;
	[tilespmem:$0x1E800] =	vst v63  }
0xa5: {  	_ =	swait.ge [sflag:s15], $0x4000  }
0xa6: {  	[sflag:s15] =	ssyncset.done $0x0  }
0xa7: {  	s1 =	sadd.s32 $0x100, s29;
	[sflag:s15] =	ssyncadd.s32 $0xFFFFC000  }
0xa8: {  	[tilespmem:s14], [sflag:$0x1] =	stream.indirect.gather [hbm4b:s0+s18], $0x80, s1, s18, $0xb8;
	[tilespmem:$0x1E800] =	vst v63  }
0xa9: {  	_ =	swait.ge [sflag:s21], $0x4000  }
.Ltmp2:
0xaa: {  	[sflag:s21] =	ssyncset.done $0x0;
	(pc) =	sbr.rel @p1 .LBB2_6-.Ltmp2, $4  }
0xab: {  	s1 =	sadd.s32 $0x1480, s29;
	[sflag:s21] =	ssyncadd.s32 $0xFFFFC000  }
0xac: {  	[spmem:s3] =	stream.indirect.scatter.add.f32 [tilespmem:s19], [sflag:$0x4], $0x80, s1, s18, $0xb8;
	[tilespmem:$0x1E800] =	vst v63  }
0xad: {  	_ =	swait.ge [sflag:s15], $0x4000  }
0xae: {  	s30 =	smov.u32 s31;
	s29 =	sshra.s32 s2, $0x2;
	[sflag:s15] =	ssyncset.done $0x0  }
0xaf: {  	s1 =	sadd.s32 $0x80, s29;
	[sflag:s15] =	ssyncadd.s32 $0xFFFFC000  }
0xb0: {  	[tilespmem:s19], [sflag:$0x2] =	stream.indirect.gather [hbm4b:s0+s18], $0x80, s1, s18, $0xb8;
	[tilespmem:$0x1E800] =	vst v63  }
0xb1: {  	_ =	swait.ge [sflag:s20], $0x4000  }
0xb2: {  	[sflag:s20] =	ssyncset.done $0x0  }
0xb3: {  	s31 =	sadd.s32 $0x1400, s29;
	[sflag:s20] =	ssyncadd.s32 $0xFFFFC000  }
0xb4: {  	[spmem:s3] =	stream.indirect.scatter.add.f32 [tilespmem:s14], [sflag:$0x4], $0x80, s31, s18, $0xb8;
	[tilespmem:$0x1E800] =	vst v63  }
0xb5: {  	_ =	swait.ge [sflag:s15], $0x4000  }
0xb6: {  	[sflag:s15] =	ssyncset.done $0x0  }
0xb7: {  	s2 =	sadd.s32 $0x100, s29;
	[sflag:s15] =	ssyncadd.s32 $0xFFFFC000  }
0xb8: {  	[tilespmem:s14], [sflag:$0x1] =	stream.indirect.gather [hbm4b:s0+s18], $0x80, s2, s18, $0xb8;
	[tilespmem:$0x1E800] =	vst v63  }
0xb9: {  	_ =	swait.ge [sflag:s21], $0x4000  }
0xba: {  	[sflag:s21] =	ssyncset.done $0x0  }
0xbb: {  	s30 =	sadd.s32 $0x1480, s29;
	[sflag:s21] =	ssyncadd.s32 $0xFFFFC000  }
0xbc: {  	[spmem:s3] =	stream.indirect.scatter.add.f32 [tilespmem:s19], [sflag:$0x4], $0x80, s30, s18, $0xb8;
	[tilespmem:$0x1E800] =	vst v63  }
0xbd: {  	_ =	swait.ge [sflag:s15], $0x4000  }
0xbe: {  	[sflag:s15] =	ssyncset.done $0x0  }
0xbf: {  	[sflag:s15] =	ssyncadd.s32 $0xFFFFC000  }
0xc0: {  	[tilespmem:s19], [sflag:$0x2] =	stream.indirect.gather [hbm4b:s0+s18], $0x80, s22, s18, $0xb8;
	[tilespmem:$0x1E800] =	vst v63  }
0xc1: {  	_ =	swait.ge [sflag:s20], $0x4000  }
0xc2: {  	[sflag:s20] =	ssyncset.done $0x0  }
0xc3: {  	[sflag:s20] =	ssyncadd.s32 $0xFFFFC000  }
0xc4: {  	[spmem:s3] =	stream.indirect.scatter.add.f32 [tilespmem:s14], [sflag:$0x4], $0x80, s26, s18, $0xb8;
	[tilespmem:$0x1E800] =	vst v63  }
0xc5: {  	_ =	swait.ge [sflag:s15], $0x4000  }
0xc6: {  	[sflag:s15] =	ssyncset.done $0x0  }
0xc7: {  	[sflag:s15] =	ssyncadd.s32 $0xFFFFC000  }
0xc8: {  	_ =	swait.ge [sflag:s21], $0x4000  }
0xc9: {  	[sflag:s21] =	ssyncset.done $0x0  }
0xca: {  	[sflag:s21] =	ssyncadd.s32 $0xFFFFC000  }
0xcb: {  	[spmem:s3] =	stream.indirect.scatter.add.f32 [tilespmem:s19], [sflag:$0x4], $0x80, s28, s18, $0xb8;
	[tilespmem:$0x1E800] =	vst v63  }
0xcc: {  	_ =	swait.ge [sflag:s15], $0x4000  }
0xcd: {  	s31 =	stileid.u32;
	[sflag:s15] =	ssyncset.done $0x0  }
0xce: {  	s1 =	sshll.u32 s31, $0x6;
	[sflag:s15] =	ssyncadd.s32 $0xFFFFC000  }
0xcf: {  	s1 =	sor.u32 $0x1C04, s1;
	[bflag:$0x0] =	sbarrier.arrive $0xFFFF  }
0xd0: {  	[hbm:s23], [sflag:s1] =	dma.local [spmem:s24], $0x2700  }
0xd1: {  	_ =	swait.ge [sflag:s15], $0x2700  }
0xd2: {  	s4 =	sadd.s32 $0x1, s4;
	[sflag:s15] =	ssyncset.done $0x0  }
0xd3: {  	p1 =	sne.s32 s4, s9;
	s2 =	sadd.s32 @!p0 $0x27000, s8;
	[sflag:s15] =	ssyncadd.s32 $0xFFFFD900  }
0xd4: {  	[hbm:s2], [sflag:s1] =	dma.local @!p0 [spmem:s25], $0x100  }
.Ltmp3:
0xd5: {  	_ = 	snop;
	(pc) =	sbr.rel @p1 .LBB2_1-.Ltmp3, $4  }
0xd6: {  	s1 =	simm.s32 @!p0 $0x4  }
0xd7: {  	_ =	swait.ge @!p0 [sflag:s1], $0x100  }
0xd8: {  	[sflag:s1] =	ssyncset.done @!p0 $0x0  }
0xd9: {  	[sflag:s1] =	ssyncadd.s32 @!p0 $0xFFFFFF00  }
0xda: {  	_ =	sfence.sel $0x180000  }
0xdb: {  	[bflag:$0x0] =	sbarrier.arrive $0xFFFF  }
0xdc: {  	_ =	strace $0x9000004D  }
0xdd: {  	[bflag:$0x2] =	sbarrier.arrive $0xFFFF  }
0xde: {  	s0 =	rddreg [dreg:$0x3]  }
0xdf: {  	s0 =	sadd.s32 @!p0 $0x100000, s0  }
0xe0: {  	[sflag:s0] =	ssyncadd.tile.s32 @!p0 $0x1;
	_ =	shalt  }
.Lfunc_end2:
_tile_overlayer_lowered:
.L_overlay_start_2:
0xe1: {  	(tag) =	ssettag $0x2  }
0xe2: {  	s0 =	rddreg [dreg:$0x0];
	s2 =	stileid.u32  }
0xe3: {  	s1 =	rddreg [dreg:$0x1];
	p0 =	sne.s32 s2, $0x0  }
0xe4: {  	s3 =	rddreg [dreg:$0x2];
	[bflag:$0x3] =	sbarrier.arrive $0xFFFF;
	s2 =	simm.s32 @!p0 $0x1C04  }
0xe5: {  	[timem:s3], [sflag:s2] =	dma.local @!p0 [hbm:s0], s1  }
0xe6: {  	s0 =	simm.s32 @!p0 $0x4  }
0xe7: {  	_ =	swait.ge @!p0 [sflag:s0], s1  }
0xe8: {  	s1 =	ssub.s32 @!p0 $0x0, s1;
	[sflag:s0] =	ssyncset.done @!p0 $0x0  }
0xe9: {  	[sflag:s0] =	ssyncadd.s32 @!p0 s1  }
0xea: {  	[bflag:$0x3] =	sbarrier.arrive $0xFFFF  }
0xeb: {  	_ =	shalt  }

// kernel: kernel.9.cloned.1.call-start
scs
__scs_entry_jumppad:
0x0: {  	(pc) =	sbr.rel $0x88, $3  }
0x1: {  	(tag) =	ssettag $0x0;
	lr =	simm.s32 $0x1  }
0x2: {  	[smem:$0x3F99] =	sst lr;
	_ =	strace $0xD0000000  }
0x3: {  	_ = 	snop  }
0x4: {  	_ = 	snop  }
0x5: {  	_ = 	snop  }
0x6: {  	_ = 	snop  }
0x7: {  	_ = 	snop  }
__scs_overlays_trampoline_lowered:
0x8: {  	[smem:$0x3FA8] =	sst s0  }
0x9: {  	[smem:$0x3FA9] =	sst s1  }
0xa: {  	[smem:$0x3FAA] =	sst s2  }
0xb: {  	[smem:$0x3FAB] =	sst s3  }
0xc: {  	[smem:$0x3FAC] =	sst s4  }
0xd: {  	[smem:$0x3FAD] =	sst s5  }
0xe: {  	[smem:$0x3FAE] =	sst s6  }
0xf: {  	[smem:$0x3FAF] =	sst s7  }
0x10: {  	[smem:$0x3FB0] =	sst s8  }
0x11: {  	[smem:$0x3FB1] =	sst s9;
	s0 =	simm.s32 @!p0 $0x0  }
0x12: {  	s1 =	sld [smem:$0x3F97];
	s0 =	simm.s32 @p0 $0x1  }
0x13: {  	[smem:$0x3FB2] =	sst s0;
	s0 =	simm.s32 @!p1 $0x0  }
0x14: {  	s2 =	sld [smem:$0x3F96];
	s0 =	simm.s32 @p1 $0x1  }
0x15: {  	[smem:$0x3FB3] =	sst s0;
	s0 =	simm.s32 @!p2 $0x0  }
0x16: {  	s3 =	sld [smem:$0x3FDB];
	s0 =	simm.s32 @p2 $0x1  }
0x17: {  	s4 =	simm.s32 $0x1BF5;
	[smem:$0x3FB5] =	sst s0  }
0x18: {  	s0 =	sld [smem:$0x3F98];
	_ =	swait.ge [sflag:s4], $0x0  }
0x19: {  	s7 =	sld [smem:$0x3F99]  }
0x1a: {  	s8 =	sadd.s32 $0xFFFFE003, lr  }
0x1b: {  	s9 =	sadd.s32 $0xFFFFFEF7, lr;
	s5 =	simm.s32 $0xFFFFFFFF;
	p2 =	slt.u32 s8, $0xFFFFF086  }
0x1c: {  	p1 =	slt.u32 s9, $0xF7A;
	s5 =	simm.s32 @!p2 $0x0  }
0x1d: {  	s5 =	simm.s32 @p1 $0x1;
	p0 =	seq.s32 s7, s2  }
0x1e: {  	s7 =	smul.u32 @!p0 $0xF7A, s2;
	p2 =	seq.s32 @!p0 s5, $0x0  }
0x1f: {  	s9 =	smul.u32 $0xF7A, s1;
	s8 =	simm.s32 @!p0 $0x1BF5;
	p2 =	por !p2, p0  }
0x20: {  	[sflag:s8] =	ssyncset.s32 @!p0 $0xFFFFF086;
	s6 =	sadd.s32 @!p0 s3, s7;
	s7 =	simm.s32 @!p0 $0x108  }
0x21: {  	s3 =	sadd.s32 s3, s9;
	s6 =	sadd.s32 @!p0 $0x88, s6;
	s7 =	simm.s32 @p2 $0x1082  }
0x22: {  	[simem:s7], [sflag:s8] =	dma.local @!p0 [hbm:s6], $0xF7A  }
0x23: {  	s9 =	sor.u32 $0xD0000000, s2;
	s6 =	simm.s32 $0x108;
	_ =	swait.ge @!p0 [sflag:s8], $0x0  }
0x24: {  	s3 =	sadd.s32 $0x88, s3;
	s6 =	simm.s32 @!p1 $0x1082;
	[sflag:s4] =	ssyncset.s32 $0xFFFFF086  }
0x25: {  	[simem:s6], [sflag:s4] =	dma.local [hbm:s3], $0xF7A  }
0x26: {  	[smem:$0x3F99] =	sst s1;
	(tag) =	ssettag s2;
	_ =	strace s9  }
0x27: {  	s1 =	sld [smem:$0x3FA9]  }
0x28: {  	s2 =	sld [smem:$0x3FAA]  }
0x29: {  	s4 =	sld [smem:$0x3FAC]  }
0x2a: {  	p0 =	seq.s32 s5, $0x0;
	s5 =	sld [smem:$0x3FAD]  }
0x2b: {  	s6 =	sld [smem:$0x3FAE]  }
0x2c: {  	s7 =	sld [smem:$0x3FAF]  }
0x2d: {  	s3 =	simm.s32 $0x108;
	s8 =	sld [smem:$0x3FB0]  }
0x2e: {  	s3 =	simm.s32 @!p0 $0x1082;
	s9 =	sld [smem:$0x3FB1]  }
0x2f: {  	lr =	sadd.s32 s0, s3;
	s0 =	sld [smem:$0x3FA8]  }
0x30: {  	s3 =	sld [smem:$0x3FAB]  }
0x31: {  	[smem:$0x3FB4] =	sst s10  }
0x32: {  	s10 =	sld [smem:$0x3FB2];
	_ =	sdelay $0x3  }
0x33: {  	p0 =	seq.s32 s10, $0x1;
	s10 =	sld [smem:$0x3FB4];
	_ =	sdelay $0x3  }
0x34: {  	[smem:$0x3FB4] =	sst s10  }
0x35: {  	s10 =	sld [smem:$0x3FB3];
	_ =	sdelay $0x3  }
0x36: {  	p1 =	seq.s32 s10, $0x1;
	s10 =	sld [smem:$0x3FB4];
	_ =	sdelay $0x3  }
0x37: {  	[smem:$0x3FB4] =	sst s10  }
0x38: {  	s10 =	sld [smem:$0x3FB5]  }
0x39: {  	_ = 	snop;
	(pc) =	sbr.ind lr, $3  }
0x3a: {  	_ = 	snop  }
0x3b: {  	_ = 	snop  }
0x3c: {  	p2 =	seq.s32 s10, $0x1;
	s10 =	sld [smem:$0x3FB4]  }
0x3d: {  	_ =	shalt  }
0x3e: {  	_ =	shalt  }
0x3f: {  	_ =	shalt  }
0x40: {  	_ =	shalt  }
0x41: {  	_ =	shalt  }
0x42: {  	_ =	shalt  }
0x43: {  	_ =	shalt  }
0x44: {  	_ =	shalt  }
0x45: {  	_ =	shalt  }
0x46: {  	_ =	shalt  }
0x47: {  	_ =	shalt  }
0x48: {  	_ =	shalt  }
0x49: {  	_ =	shalt  }
0x4a: {  	_ =	shalt  }
0x4b: {  	_ =	shalt  }
0x4c: {  	_ =	shalt  }
0x4d: {  	_ =	shalt  }
0x4e: {  	_ =	shalt  }
0x4f: {  	_ =	shalt  }
0x50: {  	_ =	shalt  }
0x51: {  	_ =	shalt  }
0x52: {  	_ =	shalt  }
0x53: {  	_ =	shalt  }
0x54: {  	_ =	shalt  }
0x55: {  	_ =	shalt  }
0x56: {  	_ =	shalt  }
0x57: {  	_ =	shalt  }
0x58: {  	_ =	shalt  }
0x59: {  	_ =	shalt  }
0x5a: {  	_ =	shalt  }
0x5b: {  	_ =	shalt  }
0x5c: {  	_ =	shalt  }
0x5d: {  	_ =	shalt  }
0x5e: {  	_ =	shalt  }
0x5f: {  	_ =	shalt  }
0x60: {  	_ =	shalt  }
0x61: {  	_ =	shalt  }
0x62: {  	_ =	shalt  }
0x63: {  	_ =	shalt  }
0x64: {  	_ =	shalt  }
0x65: {  	_ =	shalt  }
0x66: {  	_ =	shalt  }
0x67: {  	_ =	shalt  }
0x68: {  	_ =	shalt  }
0x69: {  	_ =	shalt  }
0x6a: {  	_ =	shalt  }
0x6b: {  	_ =	shalt  }
0x6c: {  	_ =	shalt  }
0x6d: {  	_ =	shalt  }
0x6e: {  	_ =	shalt  }
0x6f: {  	_ =	shalt  }
0x70: {  	_ =	shalt  }
0x71: {  	_ =	shalt  }
0x72: {  	_ =	shalt  }
0x73: {  	_ =	shalt  }
0x74: {  	_ =	shalt  }
0x75: {  	_ =	shalt  }
0x76: {  	_ =	shalt  }
0x77: {  	_ =	shalt  }
0x78: {  	_ =	shalt  }
0x79: {  	_ =	shalt  }
0x7a: {  	_ =	shalt  }
0x7b: {  	_ =	shalt  }
0x7c: {  	_ =	shalt  }
0x7d: {  	_ =	shalt  }
0x7e: {  	_ =	shalt  }
0x7f: {  	_ =	shalt  }
0x80: {  	_ =	shalt  }
0x81: {  	_ =	shalt  }
0x82: {  	_ =	shalt  }
0x83: {  	_ =	shalt  }
0x84: {  	_ =	shalt  }
0x85: {  	_ =	shalt  }
0x86: {  	_ =	shalt  }
0x87: {  	_ =	shalt  }
.Lfunc_end0:
.L_simem_size_0:
called_computation_lowered:
.L_overlay_start_0:
0x88: {  	s2 =	sld [smem:$0x3FD9]  }
0x89: {  	s3 =	sld [smem:$0x3FFE];
	_ =	sdelay $0x1  }
0x8a: {  	s1 =	srdreg.scid  }
0x8b: {  	s0 =	sand.u32 $0x1, s1  }
0x8c: {  	s16 =	sshll.u32 s0, $0xA;
	s2 =	sadd.s32 s3, s2  }
0x8d: {  	s2 =	sadd.s32 s2, s16  }
0x8e: {  	[smem:$0x3FC0] =	sst s2  }
0x8f: {  	_ = 	snop  }
0x90: {  	(tm) =	ssettm $0x1  }
0x91: {  	s17 =	sld [smem:$0x3FFB];
	_ =	sdelay $0x3  }
0x92: {  	_ =	strace s17  }
0x93: {  	s2 =	sld [smem:$0x3FFC];
	_ =	sdelay $0x3  }
0x94: {  	_ =	strace s2  }
0x95: {  	s2 =	sld [smem:$0x3FFD];
	_ =	sdelay $0x3  }
0x96: {  	_ =	strace s2  }
0x97: {  	_ =	strace $0x8FFFFFFF  }
0x98: {  	s18 =	sld [smem:$0x3FDB];
	_ =	sdelay $0x1  }
0x99: {  	s19 =	simm.s32 $_scs_section_size  }
0x9a: {  	s4 =	simm.s32 $_size__tile_overlayer_lowered;
	s5 =	simm.s32 $_tile_overlayer_lowered  }
0x9b: {  	s22 =	simm.s32 $0x1BFF;
	s21 =	sshll.u32 s5, $0x1;
	s2 =	sadd.s32 s19, s18  }
0x9c: {  	s6 =	simm.s32 $0x0;
	s20 =	sshll.u32 s4, $0x1;
	s4 =	sadd.s32 s21, s2  }
0x9d: {  	[timem:s6], [sflag:s22] =	dma.local [hbm:s4], s20  }
0x9e: {  	_ =	swait.ge [sflag:s22], s20  }
0x9f: {  	s3 =	ssub.s32 $0x0, s20;
	[sflag:s22] =	ssyncset.done $0x0  }
0xa0: {  	[sflag:s22] =	ssyncadd.s32 s3;
	_ =	sdelay $0x1  }
0xa1: {  	s23 =	simm.s32 $0x1B8B  }
0xa2: {  	_ =	swait.ge [sflag:s23], $0x1  }
0xa3: {  	[sflag:s23] =	ssyncset.done $0x0  }
0xa4: {  	s25 =	simm.s32 $0x1B8E;
	s24 =	sld [smem:$0x3FFE];
	[sflag:s23] =	ssyncadd.s32 $0xFFFFFFFF  }
0xa5: {  	s26 =	simm.s32 $execute0_lowered;
	[smem:$0x3FD2] =	sst s25  }
0xa6: {  	s4 =	sshll.u32 s26, $0x1;
	_ =	strace $0x80000046;
	[dreg:$0x1] =	wrdreg $0xFFFFFFFF  }
0xa7: {  	s28 =	simm.s32 $_size_execute0_lowered;
	s2 =	sadd.s32 s2, s4;
	[dreg:$0x0] =	wrdreg $0x0  }
0xa8: {  	s4 =	sshll.u32 s28, $0x1;
	[dreg:$0x2] =	wrdreg s2  }
0xa9: {  	[dreg:$0x3] =	wrdreg s4  }
0xaa: {  	[dreg:$0x4] =	wrdreg $0xC0  }
0xab: {  	_ =	task [dreg:s6], $0x5FFFF  }
0xac: {  	[dreg:$0x1] =	wrdreg $0xFFFFFFFF  }
0xad: {  	[dreg:$0x0] =	wrdreg $0x60  }
0xae: {  	[dreg:$0x2] =	wrdreg s24  }
0xaf: {  	[dreg:$0x3] =	wrdreg $0xA8000  }
0xb0: {  	[dreg:$0x4] =	wrdreg $0x9  }
0xb1: {  	_ =	task.clear_ibuf [dreg:s6], $0x5FFFF;
	_ =	strace $0x90000046  }
0xb2: {  	s29 =	simm.s32 $0x9;
	_ =	strace $0x80000048  }
0xb3: {  	_ =	swait.ge [sflag:s29], $0x1  }
0xb4: {  	[sflag:s29] =	ssyncadd.s32 $0xFFFFFFFF  }
0xb5: {  	_ =	strace $0x90000048  }
0xb6: {  	_ =	sfence  }
0xb7: {  	s30 =	sld [smem:$0x0];
	_ =	sdelay $0x2  }
0xb8: {  	s31 =	sshll.u32 s1, $0xD;
	s1 =	sshrl.u32 s1, $0x2  }
0xb9: {  	s3 =	sand.u32 $0x4000, s31;
	s1 =	sadd.s32 s1, s30  }
0xba: {  	s0 =	sor.u32 s3, s0;
	s1 =	sshll.u32 s1, $0x11  }
0xbb: {  	s0 =	sor.u32 s1, s0  }
0xbc: {  	s0 =	sadd.s32 $0x8F2B, s0  }
0xbd: {  	[sflag:s0] =	ssyncadd.remote.s32 $0x1  }
0xbe: {  	_ =	sfence.sel $0xFFFF  }
0xbf: {  	[dreg:$0x0] =	wrdreg $0xFFFFFFFF;
	(pc) =	sbr.abs _section_cstart, $3  }
0xc0: {  	[dreg:$0x1] =	wrdreg $0xFFFFFFFF  }
0xc1: {  	_ =	task.clear_ibuf [dreg:s6], $0x2FFFF;
	_ =	strace $0x9FFFFFFF  }
0xc2: {  	(tm) =	ssettm $0x7FFFFFFF  }
0xc3: {  	_ =	shalt  }
tec
execute0_lowered:
.L_overlay_start_1:
0x0: {  	(tag) =	ssettag $0x1  }
0x1: {  	s3 =	rddreg [dreg:$0x0];
	s0 =	srdreg.scid  }
0x2: {  	s15 =	stileid.u32;
	s1 =	rddreg [dreg:$0x1]  }
0x3: {  	s2 =	simm.s32 $0x0;
	s10 =	simm.s32 $0x6800;
	s11 =	simm.s32 $0x2  }
0x4: {  	s12 =	simm.s32 $0x1;
	s13 =	simm.s32 $0x80;
	s14 =	simm.s32 $0x2800  }
0x5: {  	s4 =	sand.u32 $0x1, s0;
	s0 =	rddreg [dreg:$0x2];
	s7 =	smul.u32 $0x50000, s15  }
0x6: {  	s5 =	sshll.u32 s15, $0x1;
	[smem:$0x7FF] =	sst s2;
	s8 =	smul.u32 $0x4E000, s15  }
0x7: {  	s16 =	smul.u32 $0x2700, s15;
	s19 =	sadd.s32 $0x138000, s1;
	p0 =	sne.s32 s15, $0x0  }
0x8: {  	s20 =	sshll.u32 s15, $0x6;
	s5 =	sor.u32 s4, s5;
	_ =	strace $0x80000047  }
0x9: {  	s6 =	smul.u32 $0x27100, s4;
	s4 =	ssub.s32 $0x2, s4;
	s19 =	sshrl.u32 @!p0 s19, $0x3  }
0xa: {  	s5 =	smul.u32 $0x500, s5;
	s29 =	sshrl.u32 s4, $0x1;
	s30 =	sshrl.u32 s7, $0x2  }
0xb: {  	s31 =	sshrl.u32 s8, $0x2;
	s6 =	sadd.s32 s6, s3;
	s9 =	ssub.s32 s4, s29  }
0xc: {  	s4 =	sadd.s32 s30, s1;
	s17 =	sadd.s32 s31, s1;
	s5 =	sadd.s32 s5, s3  }
0xd: {  	s18 =	sadd.s32 $0x17000, s6;
	s6 =	sadd.s32 $0x4000, s4;
	s7 =	sadd.s32 $0x8000, s4  }
0xe: {  	s8 =	sadd.s32 $0xC000, s4;
	s17 =	sshrl.u32 s17, $0x3;
	s3 =	sadd.s32 $0x3000, s5  }
0xf: {  	s5 =	smax.u32 s9, $0x1;
	s9 =	sadd.s32 $0x10000, s4;
	s15 =	sadd.s32 s16, s18  }
0x10: {  	v0 =	vimm.f32 $1.000000000e+00;
	v1 =	vimm.f32 $0.0e+00;
	s16 =	sor.u32 $0x1C02, s20;
	s18 =	sadd.s32 @!p0 $0x27000, s18;
	s20 =	simm.s32 $0x0  }
.LBB2_1:
0x11: {  	[tilespmem:s2], [sflag:$0x1] =	stream.linear.gather [hbm4b:s3+s2], $0x2800, $0x38;
	[tilespmem:$0x1E800] =	vst v63  }
0x12: {  	s21 =	simm.s32 $0x0;
	s22 =	simm.s32 $0x200  }
.LBB2_2:
0x13: {  	p1 =	sne.s32 s22, $0xFE00;
	[tilespmem:s21+$0x6870] =	vst v1  }
0x14: {  	[tilespmem:s21+$0x2800] =	vst v0  }
0x15: {  	[tilespmem:s21+$0x6800] =	vst v1  }
0x16: {  	[tilespmem:s21+$0x2810] =	vst v0  }
0x17: {  	[tilespmem:s21+$0x6810] =	vst v1  }
0x18: {  	[tilespmem:s21+$0x2820] =	vst v0  }
0x19: {  	[tilespmem:s21+$0x6820] =	vst v1  }
0x1a: {  	[tilespmem:s21+$0x2830] =	vst v0  }
0x1b: {  	[tilespmem:s21+$0x6830] =	vst v1  }
0x1c: {  	[tilespmem:s21+$0x2840] =	vst v0  }
0x1d: {  	[tilespmem:s21+$0x6840] =	vst v1  }
.Ltmp0:
0x1e: {  	[tilespmem:s21+$0x2850] =	vst v0;
	(pc) =	sbr.rel @p1 .LBB2_2-.Ltmp0, $4  }
0x1f: {  	[tilespmem:s21+$0x6850] =	vst v1  }
0x20: {  	[tilespmem:s21+$0x2860] =	vst v0  }
0x21: {  	[tilespmem:s21+$0x6860] =	vst v1  }
0x22: {  	[tilespmem:s21+$0x2870] =	vst v0;
	s21 =	sshra.s32 s22, $0x2;
	s22 =	sadd.s32 $0x200, s22  }
0x23: {  	[tilespmem:s21+$0x6870] =	vst v1  }
0x24: {  	[tilespmem:s21+$0x2800] =	vst v0  }
0x25: {  	[tilespmem:s21+$0x6800] =	vst v1  }
0x26: {  	[tilespmem:s21+$0x2810] =	vst v0  }
0x27: {  	[tilespmem:s21+$0x6810] =	vst v1  }
0x28: {  	[tilespmem:s21+$0x2820] =	vst v0  }
0x29: {  	[tilespmem:s21+$0x6820] =	vst v1  }
0x2a: {  	[tilespmem:s21+$0x2830] =	vst v0  }
0x2b: {  	[tilespmem:s21+$0x6830] =	vst v1  }
0x2c: {  	[tilespmem:s21+$0x2840] =	vst v0  }
0x2d: {  	[tilespmem:s21+$0x6840] =	vst v1  }
0x2e: {  	[tilespmem:s21+$0x2850] =	vst v0  }
0x2f: {  	[tilespmem:s21+$0x6850] =	vst v1  }
0x30: {  	[tilespmem:s21+$0x2860] =	vst v0  }
0x31: {  	[tilespmem:s21+$0x6860] =	vst v1  }
0x32: {  	[tilespmem:s21+$0x2870] =	vst v0  }
0x33: {  	[spmem:s4] =	stream.linear.scatter [tilespmem:s10], [sflag:$0x2], $0x4000, $0x38;
	[tilespmem:$0x1E800] =	vst v63  }
0x34: {  	_ =	swait.ge [sflag:s11], $0x4000  }
0x35: {  	[sflag:s11] =	ssyncset.done $0x0  }
0x36: {  	[sflag:s11] =	ssyncadd.s32 $0xFFFFC000  }
0x37: {  	[spmem:s6] =	stream.linear.scatter [tilespmem:s10], [sflag:$0x2], $0x4000, $0x38;
	[tilespmem:$0x1E800] =	vst v63  }
0x38: {  	_ =	swait.ge [sflag:s11], $0x4000  }
0x39: {  	[sflag:s11] =	ssyncset.done $0x0  }
0x3a: {  	[sflag:s11] =	ssyncadd.s32 $0xFFFFC000  }
0x3b: {  	[spmem:s7] =	stream.linear.scatter [tilespmem:s10], [sflag:$0x2], $0x4000, $0x38;
	[tilespmem:$0x1E800] =	vst v63  }
0x3c: {  	_ =	swait.ge [sflag:s11], $0x4000  }
0x3d: {  	[sflag:s11] =	ssyncset.done $0x0  }
0x3e: {  	[sflag:s11] =	ssyncadd.s32 $0xFFFFC000  }
0x3f: {  	[spmem:s8] =	stream.linear.scatter [tilespmem:s10], [sflag:$0x2], $0x4000, $0x38;
	[tilespmem:$0x1E800] =	vst v63  }
0x40: {  	_ =	swait.ge [sflag:s11], $0x4000  }
0x41: {  	[sflag:s11] =	ssyncset.done $0x0  }
0x42: {  	[sflag:s11] =	ssyncadd.s32 $0xFFFFC000  }
0x43: {  	[spmem:s9] =	stream.linear.scatter [tilespmem:s10], [sflag:$0x2], $0x4000, $0x38;
	[tilespmem:$0x1E800] =	vst v63  }
0x44: {  	_ =	swait.ge [sflag:s11], $0x4000  }
0x45: {  	[sflag:s11] =	ssyncset.done $0x0  }
0x46: {  	[sflag:s11] =	ssyncadd.s32 $0xFFFFC000  }
0x47: {  	_ =	swait.ge [sflag:s12], $0x2800  }
0x48: {  	[sflag:s12] =	ssyncset.done $0x0  }
0x49: {  	[sflag:s12] =	ssyncadd.s32 $0xFFFFD800  }
0x4a: {  	s31 =	simm.s32 $0x0;
	[bflag:$0x0] =	sbarrier.arrive $0xFFFF  }
0x4b: {  	[spmem:s1] =	stream.indirect.scatter.add.f32 [tilespmem:s14], [sflag:$0x2], $0x80, s31, s13, $0xb8;
	[tilespmem:$0x1E800] =	vst v63  }
0x4c: {  	_ =	swait.ge [sflag:s11], $0x4000  }
0x4d: {  	s21 =	simm.s32 $0x200;
	[sflag:s11] =	ssyncset.done $0x0  }
.LBB2_4:
0x4e: {  	s22 =	sshra.s32 s21, $0x2;
	[sflag:s11] =	ssyncadd.s32 $0xFFFFC000;
	p1 =	sne.s32 s21, $0x9E00  }
0x4f: {  	[spmem:s1] =	stream.indirect.scatter.add.f32 [tilespmem:s14], [sflag:$0x2], $0x80, s22, s13, $0xb8;
	[tilespmem:$0x1E800] =	vst v63  }
.Ltmp1:
0x50: {  	_ = 	snop;
	(pc) =	sbr.rel @p1 .LBB2_4-.Ltmp1, $4  }
0x51: {  	_ = 	snop  }
0x52: {  	s21 =	sadd.s32 $0x200, s21  }
0x53: {  	_ =	swait.ge [sflag:s11], $0x4000  }
0x54: {  	[sflag:s11] =	ssyncset.done $0x0  }
0x55: {  	[sflag:s11] =	ssyncadd.s32 $0xFFFFC000  }
0x56: {  	[bflag:$0x0] =	sbarrier.arrive $0xFFFF  }
0x57: {  	[hbm:s15], [sflag:s16] =	dma.local [spmem:s17], $0x2700  }
0x58: {  	s20 =	sadd.s32 $0x1, s20;
	_ =	swait.ge [sflag:s11], $0x2700  }
0x59: {  	p1 =	sne.s32 s20, s5;
	[sflag:s11] =	ssyncset.done $0x0  }
.Ltmp2:
0x5a: {  	s21 =	simm.s32 @!p0 $0x2;
	[sflag:s11] =	ssyncadd.s32 $0xFFFFD900;
	(pc) =	sbr.rel @p1 .LBB2_1-.Ltmp2, $4  }
0x5b: {  	[hbm:s18], [sflag:s16] =	dma.local @!p0 [spmem:s19], $0x100  }
0x5c: {  	_ =	swait.ge @!p0 [sflag:s21], $0x100  }
0x5d: {  	[sflag:s21] =	ssyncset.done @!p0 $0x0  }
0x5e: {  	[sflag:s21] =	ssyncadd.s32 @!p0 $0xFFFFFF00  }
0x5f: {  	_ =	sfence.sel $0x180000  }
0x60: {  	[bflag:$0x0] =	sbarrier.arrive $0xFFFF  }
0x61: {  	_ =	strace $0x90000047  }
0x62: {  	s0 =	sadd.s32 @!p0 $0x100000, s0;
	[bflag:$0x2] =	sbarrier.arrive $0xFFFF  }
0x63: {  	[sflag:s0] =	ssyncadd.tile.s32 @!p0 $0x1;
	_ =	shalt  }
.Lfunc_end2:
_tile_overlayer_lowered:
.L_overlay_start_2:
0x64: {  	(tag) =	ssettag $0x2  }
0x65: {  	s0 =	rddreg [dreg:$0x0];
	s2 =	stileid.u32  }
0x66: {  	s1 =	rddreg [dreg:$0x1];
	p0 =	sne.s32 s2, $0x0  }
0x67: {  	s3 =	rddreg [dreg:$0x2];
	[bflag:$0x3] =	sbarrier.arrive $0xFFFF;
	s2 =	simm.s32 @!p0 $0x1C02  }
0x68: {  	[timem:s3], [sflag:s2] =	dma.local @!p0 [hbm:s0], s1  }
0x69: {  	s0 =	simm.s32 @!p0 $0x2  }
0x6a: {  	_ =	swait.ge @!p0 [sflag:s0], s1  }
0x6b: {  	s1 =	ssub.s32 @!p0 $0x0, s1;
	[sflag:s0] =	ssyncset.done @!p0 $0x0  }
0x6c: {  	[sflag:s0] =	ssyncadd.s32 @!p0 s1  }
0x6d: {  	[bflag:$0x3] =	sbarrier.arrive $0xFFFF  }
0x6e: {  	_ =	shalt  }

</sc_bundles>
